<compile_context>
chip_gen: v7x
topology: tpu7x:2x2x1
jax: 0.10.2.dev20260603
libtpu: 0.0.44.dev20260713+nightly
codegen_flags: <defaults>
</compile_context>

<pallas_src>
import functools

import jax
import jax.numpy as jnp
from jax import lax
from jax.experimental import pallas as pl
from jax.experimental.pallas import tpu as pltpu
from jax.experimental.pallas import tpu_sc as plsc

DIM = 64
NC = 2
NS = 16
BBLK = 1024
QUART = 4096


def _gather_t(pe_t, pos_t, seq, nbatch, nrows):
    mesh = plsc.VectorSubcoreMesh(core_axis_name="c", subcore_axis_name="s")

    @functools.partial(
        pl.kernel,
        mesh=mesh,
        out_type=jax.ShapeDtypeStruct((seq, DIM, nbatch), jnp.float32),
        scratch_types=[
            pltpu.VMEM((8, nrows), jnp.float32),
            pltpu.VMEM((QUART,), jnp.int32),
            pltpu.VMEM((QUART,), jnp.int32),
            pltpu.VMEM((8, BBLK), jnp.float32),
            pltpu.VMEM((8, BBLK), jnp.float32),
            pltpu.SemaphoreType.DMA,
            pltpu.SemaphoreType.DMA,
            pltpu.SemaphoreType.DMA,
            pltpu.SemaphoreType.DMA,
        ],
        compiler_params=pltpu.CompilerParams(
            use_tc_tiling_on_sc=True, needs_layout_passes=False),
    )
    def k(pe_hbm, pos_hbm, out_hbm, pe_v, idx0, idx1, wb0, wb1,
          isem0, isem1, osem0, osem1):
        c = lax.axis_index("c")
        s = lax.axis_index("s")
        octet = lax.rem(s, 8)
        quarter = c * 2 + s // 8
        d0 = octet * 8
        bq = quarter * QUART
        idx_v = (idx0, idx1)
        isem = (isem0, isem1)
        wb = (wb0, wb1)
        osem = (osem0, osem1)

        pltpu.sync_copy(pe_hbm.at[pl.ds(d0, 8), :], pe_v)
        pltpu.async_copy(pos_hbm.at[0, pl.ds(bq, QUART)], idx0, isem0)

        def gather_block(src_idx, boff, dst):
            @plsc.parallel_loop(0, BBLK // 16, 1, unroll=4)
            def g_body(g):
                i16 = src_idx[pl.ds(boff + g * 16, 16)]
                for qd in range(8):
                    rows = jnp.full((16,), qd, jnp.int32)
                    dst[qd, pl.ds(g * 16, 16)] = plsc.load_gather(
                        pe_v, [rows, i16])

        def body(l, carry):
            p = lax.rem(l, 2)
            for pp in range(2):
                @pl.when(p == pp)
                def _():
                    pltpu.make_async_copy(
                        pos_hbm.at[0, pl.ds(bq, QUART)],
                        idx_v[pp], isem[pp]).wait()

                    @pl.when(l + 1 < seq)
                    def _():
                        pltpu.async_copy(
                            pos_hbm.at[l + 1, pl.ds(bq, QUART)],
                            idx_v[1 - pp], isem[1 - pp])

                    for bb in range(4):
                        w = bb % 2

                        def _drain():
                            pltpu.make_async_copy(
                                wb[w],
                                out_hbm.at[0, pl.ds(d0, 8),
                                           pl.ds(bq + bb * BBLK, BBLK)],
                                osem[w]).wait()
                        if bb >= 2:
                            _drain()
                        else:
                            pl.when(l >= 1)(_drain)
                        gather_block(idx_v[pp], bb * BBLK, wb[w])
                        pltpu.async_copy(
                            wb[w],
                            out_hbm.at[l, pl.ds(d0, 8),
                                       pl.ds(bq + bb * BBLK, BBLK)],
                            osem[w])
            return carry

        lax.fori_loop(0, seq, body, 0)
        for bb in range(2):
            pltpu.make_async_copy(
                wb[bb],
                out_hbm.at[0, pl.ds(d0, 8), pl.ds(bq + bb * BBLK, BBLK)],
                osem[bb]).wait()

    return k(pe_t, pos_t)


def kernel(pos, pe):
    b, l = pos.shape
    pos_t = pos.T.astype(jnp.int32)
    pe_t = pe.T
    w = _gather_t(pe_t, pos_t, l, b, pe.shape[0])
    return jnp.transpose(w, (2, 0, 1))

# --- scband reference (transcript-rebuilt; emitter-appended) ---
"""Pipeline reference for scband-positional-encoding-56985626083964 (READ-ONLY COPY).

The authoritative reference and input builder live on the scoring server;
editing this copy changes nothing except your own understanding.
"""

import jax, jax.numpy as jnp
import numpy as np

MAX_LEN = 8192
DIM_MODEL = 64

def setup_inputs(seed: int = 0) -> dict:
    key = jax.random.key(seed)
    k_pos, k_pe = jax.random.split(key)
    pos = jax.random.randint(k_pos, (16384, 200), 0, MAX_LEN, dtype=jnp.int64 if jax.config.jax_enable_x64 else jnp.int32)
    pe = jax.random.normal(k_pe, (MAX_LEN, DIM_MODEL), dtype=jnp.float32)
    return {"pos": pos, "pe": pe}

def reference(pos, pe):
    # nn.Embedding lookup: out[b, l, :] = pe[pos[b, l], :]
    return jnp.take(pe, pos, axis=0)

if __name__ == "__main__":
    import jax
    _d = setup_inputs()
    print(jax.jit(kernel)(*tuple(_d.values())))

</pallas_src>

<mosaic_0001>
#map = affine_map<(d0, d1) -> (0, 0)>
#map1 = affine_map<(d0, d1) -> (0, 0, 0)>
module attributes {stable_mosaic.version = 14 : i64} {
  func.func @k(%arg0: i32, %arg1: i32, %arg2: memref<64x8192xf32, #tpu.memory_space<hbm>>, %arg3: memref<200x16384xi32, #tpu.memory_space<hbm>>, %arg4: memref<200x64x16384xf32, #tpu.memory_space<hbm>>, %arg5: memref<8x8192xf32, #tpu.memory_space<vmem>>, %arg6: memref<4096xi32, #tpu.memory_space<vmem>>, %arg7: memref<4096xi32, #tpu.memory_space<vmem>>, %arg8: memref<8x1024xf32, #tpu.memory_space<vmem>>, %arg9: memref<8x1024xf32, #tpu.memory_space<vmem>>, %arg10: memref<!tpu.dma_semaphore, #tpu.memory_space<semaphore_mem>>, %arg11: memref<!tpu.dma_semaphore, #tpu.memory_space<semaphore_mem>>, %arg12: memref<!tpu.dma_semaphore, #tpu.memory_space<semaphore_mem>>, %arg13: memref<!tpu.dma_semaphore, #tpu.memory_space<semaphore_mem>>) attributes {dimension_semantics = [#tpu.dimension_semantics<core_parallel>, #tpu.dimension_semantics<subcore_parallel>], iteration_bounds = array<i64: 2, 16>, scalar_prefetch = 0 : i64, scratch_operands = 9 : i64, tpu.core_type = #tpu.core_type<sc_vector_subcore>, window_params = [{transform_indices = #map}, {transform_indices = #map}, {transform_indices = #map1}]} {
    %rem3A = arith.constant 8 : i32
    %rem3A_0 = arith.remsi %arg1, %rem3A : i32
    %mul3A = arith.constant 2 : i32
    %mul3A_1 = arith.muli %arg0, %mul3A : i32
    %jit3A = arith.constant 8 : i32
    %div3A = arith.divsi %arg1, %jit3A : i32
    %sign3A = arith.constant 0 : i32
    %sign3A_2 = arith.cmpi sgt, %arg1, %sign3A : i32
    %sign3A_3 = arith.extui %sign3A_2 : i1 to i32
    %sign3A_4 = arith.constant 0 : i32
    %sign3A_5 = arith.cmpi slt, %arg1, %sign3A_4 : i32
    %sign3A_6 = arith.extui %sign3A_5 : i1 to i32
    %sign3A_7 = arith.subi %sign3A_3, %sign3A_6 : i32
    %sign3A_8 = arith.constant 0 : i32
    %sign3A_9 = arith.cmpi sgt, %jit3A, %sign3A_8 : i32
    %sign3A_10 = arith.extui %sign3A_9 : i1 to i32
    %sign3A_11 = arith.constant 0 : i32
    %sign3A_12 = arith.cmpi slt, %jit3A, %sign3A_11 : i32
    %sign3A_13 = arith.extui %sign3A_12 : i1 to i32
    %sign3A_14 = arith.subi %sign3A_10, %sign3A_13 : i32
    %ne3A = arith.cmpi ne, %sign3A_7, %sign3A_14 : i32
    %rem3A_15 = arith.remsi %arg1, %jit3A : i32
    %ne3A_16 = arith.constant 0 : i32
    %ne3A_17 = arith.cmpi ne, %rem3A_15, %ne3A_16 : i32
    %and3A = arith.andi %ne3A, %ne3A_17 : i1
    %sub3A = arith.constant 1 : i32
    %sub3A_18 = arith.subi %div3A, %sub3A : i32
    %select_n3A = arith.select %and3A, %sub3A_18, %div3A : i32
    %add3A = arith.addi %mul3A_1, %select_n3A : i32
    %mul3A_19 = arith.constant 8 : i32
    %mul3A_20 = arith.muli %rem3A_0, %mul3A_19 : i32
    %mul3A_21 = arith.constant 4096 : i32
    %mul3A_22 = arith.muli %add3A, %mul3A_21 : i32
    "tpu.region"() ({
      %run_scoped3A = tpu.sem_alloc : memref<!tpu.dma_semaphore, #tpu.memory_space<semaphore_mem>>
      %dma_start3A_45 = arith.constant 0 : i32
      %dma_start3A_46 = tpu.memref_slice %arg2[%mul3A_20, %dma_start3A_45] : memref<64x8192xf32, #tpu.memory_space<hbm>> -> memref<8x8192xf32, #tpu.memory_space<hbm>>
      %dma_start3A_47 = arith.constant 0 : i32
      %dma_start3A_48 = tpu.memref_slice %arg2[%mul3A_20, %dma_start3A_47] : memref<64x8192xf32, #tpu.memory_space<hbm>> -> memref<8x8192xf32, #tpu.memory_space<hbm>>
      tpu.enqueue_dma source(%dma_start3A_48 : memref<8x8192xf32, #tpu.memory_space<hbm>>) target(%arg5 : memref<8x8192xf32, #tpu.memory_space<vmem>>) target_semaphore(%run_scoped3A : memref<!tpu.dma_semaphore, #tpu.memory_space<semaphore_mem>>)
      %dma_wait3A_49 = arith.constant 0 : i32
      %dma_wait3A_50 = tpu.memref_slice %arg2[%mul3A_20, %dma_wait3A_49] : memref<64x8192xf32, #tpu.memory_space<hbm>> -> memref<8x8192xf32, #tpu.memory_space<hbm>>
      %dma_wait3A_51 = arith.constant 0 : i32
      %dma_wait3A_52 = tpu.memref_slice %arg2[%mul3A_20, %dma_wait3A_51] : memref<64x8192xf32, #tpu.memory_space<hbm>> -> memref<8x8192xf32, #tpu.memory_space<hbm>>
      tpu.wait_dma2 semaphore(%run_scoped3A : memref<!tpu.dma_semaphore, #tpu.memory_space<semaphore_mem>>) src(%dma_wait3A_52 : memref<8x8192xf32, #tpu.memory_space<hbm>>) dst(%arg5 : memref<8x8192xf32, #tpu.memory_space<vmem>>)
      tpu.yield
    }) : () -> ()
    %dma_start3A = arith.constant 0 : i32
    %dma_start3A_23 = tpu.memref_slice %arg3[%dma_start3A, %mul3A_22] : memref<200x16384xi32, #tpu.memory_space<hbm>> -> memref<1x4096xi32, #tpu.memory_space<hbm>>
    %dma_start3A_24 = tpu.memref_squeeze %dma_start3A_23 : memref<1x4096xi32, #tpu.memory_space<hbm>> -> memref<4096xi32, #tpu.memory_space<hbm>>
    %dma_start3A_25 = tpu.memref_slice %arg3[%dma_start3A, %mul3A_22] : memref<200x16384xi32, #tpu.memory_space<hbm>> -> memref<1x4096xi32, #tpu.memory_space<hbm>>
    %dma_start3A_26 = tpu.memref_squeeze %dma_start3A_25 : memref<1x4096xi32, #tpu.memory_space<hbm>> -> memref<4096xi32, #tpu.memory_space<hbm>>
    tpu.enqueue_dma source(%dma_start3A_26 : memref<4096xi32, #tpu.memory_space<hbm>>) target(%arg6 : memref<4096xi32, #tpu.memory_space<vmem>>) target_semaphore(%arg10 : memref<!tpu.dma_semaphore, #tpu.memory_space<semaphore_mem>>)
    %scan3A = arith.constant 0 : i32
    %scan3A_27 = arith.constant 0 : i32
    %scan3A_28 = arith.constant 200 : i32
    %scan3A_29 = arith.addi %scan3A_27, %scan3A_28 : i32
    %scan3A_30 = arith.constant 1 : i32
    scf.for %scan3A_45 = %scan3A_27 to %scan3A_29 step %scan3A_30  : i32 {
      %rem3A_46 = arith.constant 2 : i32
      %rem3A_47 = arith.remsi %scan3A_45, %rem3A_46 : i32
      %eq3A = arith.constant 0 : i32
      %eq3A_48 = arith.cmpi eq, %rem3A_47, %eq3A : i32
      %convert_element_type3A = arith.extui %eq3A_48 : i1 to i32
      %cond3A = arith.constant 0 : i32
      %cond3A_49 = arith.cmpi ne, %convert_element_type3A, %cond3A : i32
      scf.if %cond3A_49 {
        %dma_wait3A_55 = arith.constant 0 : i32
        %dma_wait3A_56 = tpu.memref_slice %arg3[%dma_wait3A_55, %mul3A_22] : memref<200x16384xi32, #tpu.memory_space<hbm>> -> memref<1x4096xi32, #tpu.memory_space<hbm>>
        %dma_wait3A_57 = tpu.memref_squeeze %dma_wait3A_56 : memref<1x4096xi32, #tpu.memory_space<hbm>> -> memref<4096xi32, #tpu.memory_space<hbm>>
        %dma_wait3A_58 = tpu.memref_slice %arg3[%dma_wait3A_55, %mul3A_22] : memref<200x16384xi32, #tpu.memory_space<hbm>> -> memref<1x4096xi32, #tpu.memory_space<hbm>>
        %dma_wait3A_59 = tpu.memref_squeeze %dma_wait3A_58 : memref<1x4096xi32, #tpu.memory_space<hbm>> -> memref<4096xi32, #tpu.memory_space<hbm>>
        tpu.wait_dma2 semaphore(%arg10 : memref<!tpu.dma_semaphore, #tpu.memory_space<semaphore_mem>>) src(%dma_wait3A_59 : memref<4096xi32, #tpu.memory_space<hbm>>) dst(%arg6 : memref<4096xi32, #tpu.memory_space<vmem>>)
        %add3A_60 = arith.constant 1 : i32
        %add3A_61 = arith.addi %scan3A_45, %add3A_60 : i32
        %lt3A = arith.constant 200 : i32
        %lt3A_62 = arith.cmpi slt, %add3A_61, %lt3A : i32
        %convert_element_type3A_63 = arith.extui %lt3A_62 : i1 to i32
        %cond3A_64 = arith.constant 0 : i32
        %cond3A_65 = arith.cmpi ne, %convert_element_type3A_63, %cond3A_64 : i32
        scf.if %cond3A_65 {
          %add3A_124 = arith.constant 1 : i32
          %add3A_125 = arith.addi %scan3A_45, %add3A_124 : i32
          %dma_start3A_126 = tpu.memref_slice %arg3[%add3A_125, %mul3A_22] : memref<200x16384xi32, #tpu.memory_space<hbm>> -> memref<1x4096xi32, #tpu.memory_space<hbm>>
          %dma_start3A_127 = tpu.memref_squeeze %dma_start3A_126 : memref<1x4096xi32, #tpu.memory_space<hbm>> -> memref<4096xi32, #tpu.memory_space<hbm>>
          %dma_start3A_128 = tpu.memref_slice %arg3[%add3A_125, %mul3A_22] : memref<200x16384xi32, #tpu.memory_space<hbm>> -> memref<1x4096xi32, #tpu.memory_space<hbm>>
          %dma_start3A_129 = tpu.memref_squeeze %dma_start3A_128 : memref<1x4096xi32, #tpu.memory_space<hbm>> -> memref<4096xi32, #tpu.memory_space<hbm>>
          tpu.enqueue_dma source(%dma_start3A_129 : memref<4096xi32, #tpu.memory_space<hbm>>) target(%arg7 : memref<4096xi32, #tpu.memory_space<vmem>>) target_semaphore(%arg11 : memref<!tpu.dma_semaphore, #tpu.memory_space<semaphore_mem>>)
        } else {
        }
        %ge3A = arith.constant 1 : i32
        %ge3A_66 = arith.cmpi sge, %scan3A_45, %ge3A : i32
        %convert_element_type3A_67 = arith.extui %ge3A_66 : i1 to i32
        %cond3A_68 = arith.constant 0 : i32
        %cond3A_69 = arith.cmpi ne, %convert_element_type3A_67, %cond3A_68 : i32
        scf.if %cond3A_69 {
          %add3A_124 = arith.constant 0 : i32
          %add3A_125 = arith.addi %mul3A_22, %add3A_124 : i32
          %dma_wait3A_126 = arith.constant 0 : i32
          %dma_wait3A_127 = tpu.memref_slice %arg4[%dma_wait3A_126, %mul3A_20, %add3A_125] : memref<200x64x16384xf32, #tpu.memory_space<hbm>> -> memref<1x8x1024xf32, #tpu.memory_space<hbm>>
          %dma_wait3A_128 = tpu.memref_squeeze %dma_wait3A_127 : memref<1x8x1024xf32, #tpu.memory_space<hbm>> -> memref<8x1024xf32, #tpu.memory_space<hbm>>
          %dma_wait3A_129 = tpu.memref_slice %arg4[%dma_wait3A_126, %mul3A_20, %add3A_125] : memref<200x64x16384xf32, #tpu.memory_space<hbm>> -> memref<1x8x1024xf32, #tpu.memory_space<hbm>>
          %dma_wait3A_130 = tpu.memref_squeeze %dma_wait3A_129 : memref<1x8x1024xf32, #tpu.memory_space<hbm>> -> memref<8x1024xf32, #tpu.memory_space<hbm>>
          tpu.wait_dma2 semaphore(%arg12 : memref<!tpu.dma_semaphore, #tpu.memory_space<semaphore_mem>>) src(%arg8 : memref<8x1024xf32, #tpu.memory_space<vmem>>) dst(%dma_wait3A_130 : memref<8x1024xf32, #tpu.memory_space<hbm>>)
        } else {
        }
        %parallel_loop3A = arith.constant 0 : i32
        %parallel_loop3A_70 = arith.constant 64 : i32
        %parallel_loop3A_71 = arith.constant 1 : i32
        scf.for %parallel_loop3A_124 = %parallel_loop3A to %parallel_loop3A_70 step %parallel_loop3A_71  : i32 {
          %parallel_loop3A_125 = arith.constant 16 : i32
          %parallel_loop3A_126 = arith.muli %parallel_loop3A_124, %parallel_loop3A_125 : i32
          %parallel_loop3A_127 = arith.constant 0 : i32
          %parallel_loop3A_128 = arith.addi %parallel_loop3A_127, %parallel_loop3A_126 : i32
          %parallel_loop3A_129 = arith.index_cast %parallel_loop3A_128 : i32 to index
          %parallel_loop3A_130 = tpu.vector_load %arg6[%parallel_loop3A_129] {strides = array<i32>} : memref<4096xi32, #tpu.memory_space<vmem>>, vector<16xi32>,
          %parallel_loop3A_131 = arith.constant 0 : i32
          %parallel_loop3A_132 = vector.broadcast %parallel_loop3A_131 : i32 to vector<16xi32>
          %parallel_loop3A_133 = tpu.vector_load_idx %arg5[%parallel_loop3A_132, %parallel_loop3A_130] : memref<8x8192xf32, #tpu.memory_space<vmem>>[vector<16xi32>, vector<16xi32>], vector<16xf32>,
          %parallel_loop3A_134 = arith.constant 16 : i32
          %parallel_loop3A_135 = arith.muli %parallel_loop3A_124, %parallel_loop3A_134 : i32
          %parallel_loop3A_136 = arith.constant 0 : i32
          %parallel_loop3A_137 = arith.index_cast %parallel_loop3A_136 : i32 to index
          %parallel_loop3A_138 = arith.index_cast %parallel_loop3A_135 : i32 to index
          %parallel_loop3A_139 = tpu.vector_load %arg8[%parallel_loop3A_137, %parallel_loop3A_138] {strides = array<i32>} : memref<8x1024xf32, #tpu.memory_space<vmem>>, vector<16xf32>,
          tpu.vector_store %arg8[%parallel_loop3A_137, %parallel_loop3A_138], %parallel_loop3A_133 {strides = array<i32>} : memref<8x1024xf32, #tpu.memory_space<vmem>>, vector<16xf32>,
          %parallel_loop3A_140 = arith.constant 1 : i32
          %parallel_loop3A_141 = vector.broadcast %parallel_loop3A_140 : i32 to vector<16xi32>
          %parallel_loop3A_142 = tpu.vector_load_idx %arg5[%parallel_loop3A_141, %parallel_loop3A_130] : memref<8x8192xf32, #tpu.memory_space<vmem>>[vector<16xi32>, vector<16xi32>], vector<16xf32>,
          %parallel_loop3A_143 = arith.constant 16 : i32
          %parallel_loop3A_144 = arith.muli %parallel_loop3A_124, %parallel_loop3A_143 : i32
          %parallel_loop3A_145 = arith.constant 1 : i32
          %parallel_loop3A_146 = arith.index_cast %parallel_loop3A_145 : i32 to index
          %parallel_loop3A_147 = arith.index_cast %parallel_loop3A_144 : i32 to index
          %parallel_loop3A_148 = tpu.vector_load %arg8[%parallel_loop3A_146, %parallel_loop3A_147] {strides = array<i32>} : memref<8x1024xf32, #tpu.memory_space<vmem>>, vector<16xf32>,
          tpu.vector_store %arg8[%parallel_loop3A_146, %parallel_loop3A_147], %parallel_loop3A_142 {strides = array<i32>} : memref<8x1024xf32, #tpu.memory_space<vmem>>, vector<16xf32>,
          %parallel_loop3A_149 = arith.constant 2 : i32
          %parallel_loop3A_150 = vector.broadcast %parallel_loop3A_149 : i32 to vector<16xi32>
          %parallel_loop3A_151 = tpu.vector_load_idx %arg5[%parallel_loop3A_150, %parallel_loop3A_130] : memref<8x8192xf32, #tpu.memory_space<vmem>>[vector<16xi32>, vector<16xi32>], vector<16xf32>,
          %parallel_loop3A_152 = arith.constant 16 : i32
          %parallel_loop3A_153 = arith.muli %parallel_loop3A_124, %parallel_loop3A_152 : i32
          %parallel_loop3A_154 = arith.constant 2 : i32
          %parallel_loop3A_155 = arith.index_cast %parallel_loop3A_154 : i32 to index
          %parallel_loop3A_156 = arith.index_cast %parallel_loop3A_153 : i32 to index
          %parallel_loop3A_157 = tpu.vector_load %arg8[%parallel_loop3A_155, %parallel_loop3A_156] {strides = array<i32>} : memref<8x1024xf32, #tpu.memory_space<vmem>>, vector<16xf32>,
          tpu.vector_store %arg8[%parallel_loop3A_155, %parallel_loop3A_156], %parallel_loop3A_151 {strides = array<i32>} : memref<8x1024xf32, #tpu.memory_space<vmem>>, vector<16xf32>,
          %parallel_loop3A_158 = arith.constant 3 : i32
          %parallel_loop3A_159 = vector.broadcast %parallel_loop3A_158 : i32 to vector<16xi32>
          %parallel_loop3A_160 = tpu.vector_load_idx %arg5[%parallel_loop3A_159, %parallel_loop3A_130] : memref<8x8192xf32, #tpu.memory_space<vmem>>[vector<16xi32>, vector<16xi32>], vector<16xf32>,
          %parallel_loop3A_161 = arith.constant 16 : i32
          %parallel_loop3A_162 = arith.muli %parallel_loop3A_124, %parallel_loop3A_161 : i32
          %parallel_loop3A_163 = arith.constant 3 : i32
          %parallel_loop3A_164 = arith.index_cast %parallel_loop3A_163 : i32 to index
          %parallel_loop3A_165 = arith.index_cast %parallel_loop3A_162 : i32 to index
          %parallel_loop3A_166 = tpu.vector_load %arg8[%parallel_loop3A_164, %parallel_loop3A_165] {strides = array<i32>} : memref<8x1024xf32, #tpu.memory_space<vmem>>, vector<16xf32>,
          tpu.vector_store %arg8[%parallel_loop3A_164, %parallel_loop3A_165], %parallel_loop3A_160 {strides = array<i32>} : memref<8x1024xf32, #tpu.memory_space<vmem>>, vector<16xf32>,
          %parallel_loop3A_167 = arith.constant 4 : i32
          %parallel_loop3A_168 = vector.broadcast %parallel_loop3A_167 : i32 to vector<16xi32>
          %parallel_loop3A_169 = tpu.vector_load_idx %arg5[%parallel_loop3A_168, %parallel_loop3A_130] : memref<8x8192xf32, #tpu.memory_space<vmem>>[vector<16xi32>, vector<16xi32>], vector<16xf32>,
          %parallel_loop3A_170 = arith.constant 16 : i32
          %parallel_loop3A_171 = arith.muli %parallel_loop3A_124, %parallel_loop3A_170 : i32
          %parallel_loop3A_172 = arith.constant 4 : i32
          %parallel_loop3A_173 = arith.index_cast %parallel_loop3A_172 : i32 to index
          %parallel_loop3A_174 = arith.index_cast %parallel_loop3A_171 : i32 to index
          %parallel_loop3A_175 = tpu.vector_load %arg8[%parallel_loop3A_173, %parallel_loop3A_174] {strides = array<i32>} : memref<8x1024xf32, #tpu.memory_space<vmem>>, vector<16xf32>,
          tpu.vector_store %arg8[%parallel_loop3A_173, %parallel_loop3A_174], %parallel_loop3A_169 {strides = array<i32>} : memref<8x1024xf32, #tpu.memory_space<vmem>>, vector<16xf32>,
          %parallel_loop3A_176 = arith.constant 5 : i32
          %parallel_loop3A_177 = vector.broadcast %parallel_loop3A_176 : i32 to vector<16xi32>
          %parallel_loop3A_178 = tpu.vector_load_idx %arg5[%parallel_loop3A_177, %parallel_loop3A_130] : memref<8x8192xf32, #tpu.memory_space<vmem>>[vector<16xi32>, vector<16xi32>], vector<16xf32>,
          %parallel_loop3A_179 = arith.constant 16 : i32
          %parallel_loop3A_180 = arith.muli %parallel_loop3A_124, %parallel_loop3A_179 : i32
          %parallel_loop3A_181 = arith.constant 5 : i32
          %parallel_loop3A_182 = arith.index_cast %parallel_loop3A_181 : i32 to index
          %parallel_loop3A_183 = arith.index_cast %parallel_loop3A_180 : i32 to index
          %parallel_loop3A_184 = tpu.vector_load %arg8[%parallel_loop3A_182, %parallel_loop3A_183] {strides = array<i32>} : memref<8x1024xf32, #tpu.memory_space<vmem>>, vector<16xf32>,
          tpu.vector_store %arg8[%parallel_loop3A_182, %parallel_loop3A_183], %parallel_loop3A_178 {strides = array<i32>} : memref<8x1024xf32, #tpu.memory_space<vmem>>, vector<16xf32>,
          %parallel_loop3A_185 = arith.constant 6 : i32
          %parallel_loop3A_186 = vector.broadcast %parallel_loop3A_185 : i32 to vector<16xi32>
          %parallel_loop3A_187 = tpu.vector_load_idx %arg5[%parallel_loop3A_186, %parallel_loop3A_130] : memref<8x8192xf32, #tpu.memory_space<vmem>>[vector<16xi32>, vector<16xi32>], vector<16xf32>,
          %parallel_loop3A_188 = arith.constant 16 : i32
          %parallel_loop3A_189 = arith.muli %parallel_loop3A_124, %parallel_loop3A_188 : i32
          %parallel_loop3A_190 = arith.constant 6 : i32
          %parallel_loop3A_191 = arith.index_cast %parallel_loop3A_190 : i32 to index
          %parallel_loop3A_192 = arith.index_cast %parallel_loop3A_189 : i32 to index
          %parallel_loop3A_193 = tpu.vector_load %arg8[%parallel_loop3A_191, %parallel_loop3A_192] {strides = array<i32>} : memref<8x1024xf32, #tpu.memory_space<vmem>>, vector<16xf32>,
          tpu.vector_store %arg8[%parallel_loop3A_191, %parallel_loop3A_192], %parallel_loop3A_187 {strides = array<i32>} : memref<8x1024xf32, #tpu.memory_space<vmem>>, vector<16xf32>,
          %parallel_loop3A_194 = arith.constant 7 : i32
          %parallel_loop3A_195 = vector.broadcast %parallel_loop3A_194 : i32 to vector<16xi32>
          %parallel_loop3A_196 = tpu.vector_load_idx %arg5[%parallel_loop3A_195, %parallel_loop3A_130] : memref<8x8192xf32, #tpu.memory_space<vmem>>[vector<16xi32>, vector<16xi32>], vector<16xf32>,
          %parallel_loop3A_197 = arith.constant 16 : i32
          %parallel_loop3A_198 = arith.muli %parallel_loop3A_124, %parallel_loop3A_197 : i32
          %parallel_loop3A_199 = arith.constant 7 : i32
          %parallel_loop3A_200 = arith.index_cast %parallel_loop3A_199 : i32 to index
          %parallel_loop3A_201 = arith.index_cast %parallel_loop3A_198 : i32 to index
          %parallel_loop3A_202 = tpu.vector_load %arg8[%parallel_loop3A_200, %parallel_loop3A_201] {strides = array<i32>} : memref<8x1024xf32, #tpu.memory_space<vmem>>, vector<16xf32>,
          tpu.vector_store %arg8[%parallel_loop3A_200, %parallel_loop3A_201], %parallel_loop3A_196 {strides = array<i32>} : memref<8x1024xf32, #tpu.memory_space<vmem>>, vector<16xf32>,
        } {sc.loop_unroll_factor = 4 : i64, sc.parallel_access}
        %add3A_72 = arith.constant 0 : i32
        %add3A_73 = arith.addi %mul3A_22, %add3A_72 : i32
        %dma_start3A_74 = tpu.memref_slice %arg4[%scan3A_45, %mul3A_20, %add3A_73] : memref<200x64x16384xf32, #tpu.memory_space<hbm>> -> memref<1x8x1024xf32, #tpu.memory_space<hbm>>
        %dma_start3A_75 = tpu.memref_squeeze %dma_start3A_74 : memref<1x8x1024xf32, #tpu.memory_space<hbm>> -> memref<8x1024xf32, #tpu.memory_space<hbm>>
        %dma_start3A_76 = tpu.memref_slice %arg4[%scan3A_45, %mul3A_20, %add3A_73] : memref<200x64x16384xf32, #tpu.memory_space<hbm>> -> memref<1x8x1024xf32, #tpu.memory_space<hbm>>
        %dma_start3A_77 = tpu.memref_squeeze %dma_start3A_76 : memref<1x8x1024xf32, #tpu.memory_space<hbm>> -> memref<8x1024xf32, #tpu.memory_space<hbm>>
        tpu.enqueue_dma source(%arg8 : memref<8x1024xf32, #tpu.memory_space<vmem>>) target(%dma_start3A_77 : memref<8x1024xf32, #tpu.memory_space<hbm>>) target_semaphore(%arg12 : memref<!tpu.dma_semaphore, #tpu.memory_space<semaphore_mem>>)
        %ge3A_78 = arith.constant 1 : i32
        %ge3A_79 = arith.cmpi sge, %scan3A_45, %ge3A_78 : i32
        %convert_element_type3A_80 = arith.extui %ge3A_79 : i1 to i32
        %cond3A_81 = arith.constant 0 : i32
        %cond3A_82 = arith.cmpi ne, %convert_element_type3A_80, %cond3A_81 : i32
        scf.if %cond3A_82 {
          %add3A_124 = arith.constant 1024 : i32
          %add3A_125 = arith.addi %mul3A_22, %add3A_124 : i32
          %dma_wait3A_126 = arith.constant 0 : i32
          %dma_wait3A_127 = tpu.memref_slice %arg4[%dma_wait3A_126, %mul3A_20, %add3A_125] : memref<200x64x16384xf32, #tpu.memory_space<hbm>> -> memref<1x8x1024xf32, #tpu.memory_space<hbm>>
          %dma_wait3A_128 = tpu.memref_squeeze %dma_wait3A_127 : memref<1x8x1024xf32, #tpu.memory_space<hbm>> -> memref<8x1024xf32, #tpu.memory_space<hbm>>
          %dma_wait3A_129 = tpu.memref_slice %arg4[%dma_wait3A_126, %mul3A_20, %add3A_125] : memref<200x64x16384xf32, #tpu.memory_space<hbm>> -> memref<1x8x1024xf32, #tpu.memory_space<hbm>>
          %dma_wait3A_130 = tpu.memref_squeeze %dma_wait3A_129 : memref<1x8x1024xf32, #tpu.memory_space<hbm>> -> memref<8x1024xf32, #tpu.memory_space<hbm>>
          tpu.wait_dma2 semaphore(%arg13 : memref<!tpu.dma_semaphore, #tpu.memory_space<semaphore_mem>>) src(%arg9 : memref<8x1024xf32, #tpu.memory_space<vmem>>) dst(%dma_wait3A_130 : memref<8x1024xf32, #tpu.memory_space<hbm>>)
        } else {
        }
        %parallel_loop3A_83 = arith.constant 0 : i32
        %parallel_loop3A_84 = arith.constant 64 : i32
        %parallel_loop3A_85 = arith.constant 1 : i32
        scf.for %parallel_loop3A_124 = %parallel_loop3A_83 to %parallel_loop3A_84 step %parallel_loop3A_85  : i32 {
          %parallel_loop3A_125 = arith.constant 16 : i32
          %parallel_loop3A_126 = arith.muli %parallel_loop3A_124, %parallel_loop3A_125 : i32
          %parallel_loop3A_127 = arith.constant 1024 : i32
          %parallel_loop3A_128 = arith.addi %parallel_loop3A_127, %parallel_loop3A_126 : i32
          %parallel_loop3A_129 = arith.index_cast %parallel_loop3A_128 : i32 to index
          %parallel_loop3A_130 = tpu.vector_load %arg6[%parallel_loop3A_129] {strides = array<i32>} : memref<4096xi32, #tpu.memory_space<vmem>>, vector<16xi32>,
          %parallel_loop3A_131 = arith.constant 0 : i32
          %parallel_loop3A_132 = vector.broadcast %parallel_loop3A_131 : i32 to vector<16xi32>
          %parallel_loop3A_133 = tpu.vector_load_idx %arg5[%parallel_loop3A_132, %parallel_loop3A_130] : memref<8x8192xf32, #tpu.memory_space<vmem>>[vector<16xi32>, vector<16xi32>], vector<16xf32>,
          %parallel_loop3A_134 = arith.constant 16 : i32
          %parallel_loop3A_135 = arith.muli %parallel_loop3A_124, %parallel_loop3A_134 : i32
          %parallel_loop3A_136 = arith.constant 0 : i32
          %parallel_loop3A_137 = arith.index_cast %parallel_loop3A_136 : i32 to index
          %parallel_loop3A_138 = arith.index_cast %parallel_loop3A_135 : i32 to index
          %parallel_loop3A_139 = tpu.vector_load %arg9[%parallel_loop3A_137, %parallel_loop3A_138] {strides = array<i32>} : memref<8x1024xf32, #tpu.memory_space<vmem>>, vector<16xf32>,
          tpu.vector_store %arg9[%parallel_loop3A_137, %parallel_loop3A_138], %parallel_loop3A_133 {strides = array<i32>} : memref<8x1024xf32, #tpu.memory_space<vmem>>, vector<16xf32>,
          %parallel_loop3A_140 = arith.constant 1 : i32
          %parallel_loop3A_141 = vector.broadcast %parallel_loop3A_140 : i32 to vector<16xi32>
          %parallel_loop3A_142 = tpu.vector_load_idx %arg5[%parallel_loop3A_141, %parallel_loop3A_130] : memref<8x8192xf32, #tpu.memory_space<vmem>>[vector<16xi32>, vector<16xi32>], vector<16xf32>,
          %parallel_loop3A_143 = arith.constant 16 : i32
          %parallel_loop3A_144 = arith.muli %parallel_loop3A_124, %parallel_loop3A_143 : i32
          %parallel_loop3A_145 = arith.constant 1 : i32
          %parallel_loop3A_146 = arith.index_cast %parallel_loop3A_145 : i32 to index
          %parallel_loop3A_147 = arith.index_cast %parallel_loop3A_144 : i32 to index
          %parallel_loop3A_148 = tpu.vector_load %arg9[%parallel_loop3A_146, %parallel_loop3A_147] {strides = array<i32>} : memref<8x1024xf32, #tpu.memory_space<vmem>>, vector<16xf32>,
          tpu.vector_store %arg9[%parallel_loop3A_146, %parallel_loop3A_147], %parallel_loop3A_142 {strides = array<i32>} : memref<8x1024xf32, #tpu.memory_space<vmem>>, vector<16xf32>,
          %parallel_loop3A_149 = arith.constant 2 : i32
          %parallel_loop3A_150 = vector.broadcast %parallel_loop3A_149 : i32 to vector<16xi32>
          %parallel_loop3A_151 = tpu.vector_load_idx %arg5[%parallel_loop3A_150, %parallel_loop3A_130] : memref<8x8192xf32, #tpu.memory_space<vmem>>[vector<16xi32>, vector<16xi32>], vector<16xf32>,
          %parallel_loop3A_152 = arith.constant 16 : i32
          %parallel_loop3A_153 = arith.muli %parallel_loop3A_124, %parallel_loop3A_152 : i32
          %parallel_loop3A_154 = arith.constant 2 : i32
          %parallel_loop3A_155 = arith.index_cast %parallel_loop3A_154 : i32 to index
          %parallel_loop3A_156 = arith.index_cast %parallel_loop3A_153 : i32 to index
          %parallel_loop3A_157 = tpu.vector_load %arg9[%parallel_loop3A_155, %parallel_loop3A_156] {strides = array<i32>} : memref<8x1024xf32, #tpu.memory_space<vmem>>, vector<16xf32>,
          tpu.vector_store %arg9[%parallel_loop3A_155, %parallel_loop3A_156], %parallel_loop3A_151 {strides = array<i32>} : memref<8x1024xf32, #tpu.memory_space<vmem>>, vector<16xf32>,
          %parallel_loop3A_158 = arith.constant 3 : i32
          %parallel_loop3A_159 = vector.broadcast %parallel_loop3A_158 : i32 to vector<16xi32>
          %parallel_loop3A_160 = tpu.vector_load_idx %arg5[%parallel_loop3A_159, %parallel_loop3A_130] : memref<8x8192xf32, #tpu.memory_space<vmem>>[vector<16xi32>, vector<16xi32>], vector<16xf32>,
          %parallel_loop3A_161 = arith.constant 16 : i32
          %parallel_loop3A_162 = arith.muli %parallel_loop3A_124, %parallel_loop3A_161 : i32
          %parallel_loop3A_163 = arith.constant 3 : i32
          %parallel_loop3A_164 = arith.index_cast %parallel_loop3A_163 : i32 to index
          %parallel_loop3A_165 = arith.index_cast %parallel_loop3A_162 : i32 to index
          %parallel_loop3A_166 = tpu.vector_load %arg9[%parallel_loop3A_164, %parallel_loop3A_165] {strides = array<i32>} : memref<8x1024xf32, #tpu.memory_space<vmem>>, vector<16xf32>,
          tpu.vector_store %arg9[%parallel_loop3A_164, %parallel_loop3A_165], %parallel_loop3A_160 {strides = array<i32>} : memref<8x1024xf32, #tpu.memory_space<vmem>>, vector<16xf32>,
          %parallel_loop3A_167 = arith.constant 4 : i32
          %parallel_loop3A_168 = vector.broadcast %parallel_loop3A_167 : i32 to vector<16xi32>
          %parallel_loop3A_169 = tpu.vector_load_idx %arg5[%parallel_loop3A_168, %parallel_loop3A_130] : memref<8x8192xf32, #tpu.memory_space<vmem>>[vector<16xi32>, vector<16xi32>], vector<16xf32>,
          %parallel_loop3A_170 = arith.constant 16 : i32
          %parallel_loop3A_171 = arith.muli %parallel_loop3A_124, %parallel_loop3A_170 : i32
          %parallel_loop3A_172 = arith.constant 4 : i32
          %parallel_loop3A_173 = arith.index_cast %parallel_loop3A_172 : i32 to index
          %parallel_loop3A_174 = arith.index_cast %parallel_loop3A_171 : i32 to index
          %parallel_loop3A_175 = tpu.vector_load %arg9[%parallel_loop3A_173, %parallel_loop3A_174] {strides = array<i32>} : memref<8x1024xf32, #tpu.memory_space<vmem>>, vector<16xf32>,
          tpu.vector_store %arg9[%parallel_loop3A_173, %parallel_loop3A_174], %parallel_loop3A_169 {strides = array<i32>} : memref<8x1024xf32, #tpu.memory_space<vmem>>, vector<16xf32>,
          %parallel_loop3A_176 = arith.constant 5 : i32
          %parallel_loop3A_177 = vector.broadcast %parallel_loop3A_176 : i32 to vector<16xi32>
          %parallel_loop3A_178 = tpu.vector_load_idx %arg5[%parallel_loop3A_177, %parallel_loop3A_130] : memref<8x8192xf32, #tpu.memory_space<vmem>>[vector<16xi32>, vector<16xi32>], vector<16xf32>,
          %parallel_loop3A_179 = arith.constant 16 : i32
          %parallel_loop3A_180 = arith.muli %parallel_loop3A_124, %parallel_loop3A_179 : i32
          %parallel_loop3A_181 = arith.constant 5 : i32
          %parallel_loop3A_182 = arith.index_cast %parallel_loop3A_181 : i32 to index
          %parallel_loop3A_183 = arith.index_cast %parallel_loop3A_180 : i32 to index
          %parallel_loop3A_184 = tpu.vector_load %arg9[%parallel_loop3A_182, %parallel_loop3A_183] {strides = array<i32>} : memref<8x1024xf32, #tpu.memory_space<vmem>>, vector<16xf32>,
          tpu.vector_store %arg9[%parallel_loop3A_182, %parallel_loop3A_183], %parallel_loop3A_178 {strides = array<i32>} : memref<8x1024xf32, #tpu.memory_space<vmem>>, vector<16xf32>,
          %parallel_loop3A_185 = arith.constant 6 : i32
          %parallel_loop3A_186 = vector.broadcast %parallel_loop3A_185 : i32 to vector<16xi32>
          %parallel_loop3A_187 = tpu.vector_load_idx %arg5[%parallel_loop3A_186, %parallel_loop3A_130] : memref<8x8192xf32, #tpu.memory_space<vmem>>[vector<16xi32>, vector<16xi32>], vector<16xf32>,
          %parallel_loop3A_188 = arith.constant 16 : i32
          %parallel_loop3A_189 = arith.muli %parallel_loop3A_124, %parallel_loop3A_188 : i32
          %parallel_loop3A_190 = arith.constant 6 : i32
          %parallel_loop3A_191 = arith.index_cast %parallel_loop3A_190 : i32 to index
          %parallel_loop3A_192 = arith.index_cast %parallel_loop3A_189 : i32 to index
          %parallel_loop3A_193 = tpu.vector_load %arg9[%parallel_loop3A_191, %parallel_loop3A_192] {strides = array<i32>} : memref<8x1024xf32, #tpu.memory_space<vmem>>, vector<16xf32>,
          tpu.vector_store %arg9[%parallel_loop3A_191, %parallel_loop3A_192], %parallel_loop3A_187 {strides = array<i32>} : memref<8x1024xf32, #tpu.memory_space<vmem>>, vector<16xf32>,
          %parallel_loop3A_194 = arith.constant 7 : i32
          %parallel_loop3A_195 = vector.broadcast %parallel_loop3A_194 : i32 to vector<16xi32>
          %parallel_loop3A_196 = tpu.vector_load_idx %arg5[%parallel_loop3A_195, %parallel_loop3A_130] : memref<8x8192xf32, #tpu.memory_space<vmem>>[vector<16xi32>, vector<16xi32>], vector<16xf32>,
          %parallel_loop3A_197 = arith.constant 16 : i32
          %parallel_loop3A_198 = arith.muli %parallel_loop3A_124, %parallel_loop3A_197 : i32
          %parallel_loop3A_199 = arith.constant 7 : i32
          %parallel_loop3A_200 = arith.index_cast %parallel_loop3A_199 : i32 to index
          %parallel_loop3A_201 = arith.index_cast %parallel_loop3A_198 : i32 to index
          %parallel_loop3A_202 = tpu.vector_load %arg9[%parallel_loop3A_200, %parallel_loop3A_201] {strides = array<i32>} : memref<8x1024xf32, #tpu.memory_space<vmem>>, vector<16xf32>,
          tpu.vector_store %arg9[%parallel_loop3A_200, %parallel_loop3A_201], %parallel_loop3A_196 {strides = array<i32>} : memref<8x1024xf32, #tpu.memory_space<vmem>>, vector<16xf32>,
        } {sc.loop_unroll_factor = 4 : i64, sc.parallel_access}
        %add3A_86 = arith.constant 1024 : i32
        %add3A_87 = arith.addi %mul3A_22, %add3A_86 : i32
        %dma_start3A_88 = tpu.memref_slice %arg4[%scan3A_45, %mul3A_20, %add3A_87] : memref<200x64x16384xf32, #tpu.memory_space<hbm>> -> memref<1x8x1024xf32, #tpu.memory_space<hbm>>
        %dma_start3A_89 = tpu.memref_squeeze %dma_start3A_88 : memref<1x8x1024xf32, #tpu.memory_space<hbm>> -> memref<8x1024xf32, #tpu.memory_space<hbm>>
        %dma_start3A_90 = tpu.memref_slice %arg4[%scan3A_45, %mul3A_20, %add3A_87] : memref<200x64x16384xf32, #tpu.memory_space<hbm>> -> memref<1x8x1024xf32, #tpu.memory_space<hbm>>
        %dma_start3A_91 = tpu.memref_squeeze %dma_start3A_90 : memref<1x8x1024xf32, #tpu.memory_space<hbm>> -> memref<8x1024xf32, #tpu.memory_space<hbm>>
        tpu.enqueue_dma source(%arg9 : memref<8x1024xf32, #tpu.memory_space<vmem>>) target(%dma_start3A_91 : memref<8x1024xf32, #tpu.memory_space<hbm>>) target_semaphore(%arg13 : memref<!tpu.dma_semaphore, #tpu.memory_space<semaphore_mem>>)
        %add3A_92 = arith.constant 2048 : i32
        %add3A_93 = arith.addi %mul3A_22, %add3A_92 : i32
        %dma_wait3A_94 = arith.constant 0 : i32
        %dma_wait3A_95 = tpu.memref_slice %arg4[%dma_wait3A_94, %mul3A_20, %add3A_93] : memref<200x64x16384xf32, #tpu.memory_space<hbm>> -> memref<1x8x1024xf32, #tpu.memory_space<hbm>>
        %dma_wait3A_96 = tpu.memref_squeeze %dma_wait3A_95 : memref<1x8x1024xf32, #tpu.memory_space<hbm>> -> memref<8x1024xf32, #tpu.memory_space<hbm>>
        %dma_wait3A_97 = tpu.memref_slice %arg4[%dma_wait3A_94, %mul3A_20, %add3A_93] : memref<200x64x16384xf32, #tpu.memory_space<hbm>> -> memref<1x8x1024xf32, #tpu.memory_space<hbm>>
        %dma_wait3A_98 = tpu.memref_squeeze %dma_wait3A_97 : memref<1x8x1024xf32, #tpu.memory_space<hbm>> -> memref<8x1024xf32, #tpu.memory_space<hbm>>
        tpu.wait_dma2 semaphore(%arg12 : memref<!tpu.dma_semaphore, #tpu.memory_space<semaphore_mem>>) src(%arg8 : memref<8x1024xf32, #tpu.memory_space<vmem>>) dst(%dma_wait3A_98 : memref<8x1024xf32, #tpu.memory_space<hbm>>)
        %parallel_loop3A_99 = arith.constant 0 : i32
        %parallel_loop3A_100 = arith.constant 64 : i32
        %parallel_loop3A_101 = arith.constant 1 : i32
        scf.for %parallel_loop3A_124 = %parallel_loop3A_99 to %parallel_loop3A_100 step %parallel_loop3A_101  : i32 {
          %parallel_loop3A_125 = arith.constant 16 : i32
          %parallel_loop3A_126 = arith.muli %parallel_loop3A_124, %parallel_loop3A_125 : i32
          %parallel_loop3A_127 = arith.constant 2048 : i32
          %parallel_loop3A_128 = arith.addi %parallel_loop3A_127, %parallel_loop3A_126 : i32
          %parallel_loop3A_129 = arith.index_cast %parallel_loop3A_128 : i32 to index
          %parallel_loop3A_130 = tpu.vector_load %arg6[%parallel_loop3A_129] {strides = array<i32>} : memref<4096xi32, #tpu.memory_space<vmem>>, vector<16xi32>,
          %parallel_loop3A_131 = arith.constant 0 : i32
          %parallel_loop3A_132 = vector.broadcast %parallel_loop3A_131 : i32 to vector<16xi32>
          %parallel_loop3A_133 = tpu.vector_load_idx %arg5[%parallel_loop3A_132, %parallel_loop3A_130] : memref<8x8192xf32, #tpu.memory_space<vmem>>[vector<16xi32>, vector<16xi32>], vector<16xf32>,
          %parallel_loop3A_134 = arith.constant 16 : i32
          %parallel_loop3A_135 = arith.muli %parallel_loop3A_124, %parallel_loop3A_134 : i32
          %parallel_loop3A_136 = arith.constant 0 : i32
          %parallel_loop3A_137 = arith.index_cast %parallel_loop3A_136 : i32 to index
          %parallel_loop3A_138 = arith.index_cast %parallel_loop3A_135 : i32 to index
          %parallel_loop3A_139 = tpu.vector_load %arg8[%parallel_loop3A_137, %parallel_loop3A_138] {strides = array<i32>} : memref<8x1024xf32, #tpu.memory_space<vmem>>, vector<16xf32>,
          tpu.vector_store %arg8[%parallel_loop3A_137, %parallel_loop3A_138], %parallel_loop3A_133 {strides = array<i32>} : memref<8x1024xf32, #tpu.memory_space<vmem>>, vector<16xf32>,
          %parallel_loop3A_140 = arith.constant 1 : i32
          %parallel_loop3A_141 = vector.broadcast %parallel_loop3A_140 : i32 to vector<16xi32>
          %parallel_loop3A_142 = tpu.vector_load_idx %arg5[%parallel_loop3A_141, %parallel_loop3A_130] : memref<8x8192xf32, #tpu.memory_space<vmem>>[vector<16xi32>, vector<16xi32>], vector<16xf32>,
          %parallel_loop3A_143 = arith.constant 16 : i32
          %parallel_loop3A_144 = arith.muli %parallel_loop3A_124, %parallel_loop3A_143 : i32
          %parallel_loop3A_145 = arith.constant 1 : i32
          %parallel_loop3A_146 = arith.index_cast %parallel_loop3A_145 : i32 to index
          %parallel_loop3A_147 = arith.index_cast %parallel_loop3A_144 : i32 to index
          %parallel_loop3A_148 = tpu.vector_load %arg8[%parallel_loop3A_146, %parallel_loop3A_147] {strides = array<i32>} : memref<8x1024xf32, #tpu.memory_space<vmem>>, vector<16xf32>,
          tpu.vector_store %arg8[%parallel_loop3A_146, %parallel_loop3A_147], %parallel_loop3A_142 {strides = array<i32>} : memref<8x1024xf32, #tpu.memory_space<vmem>>, vector<16xf32>,
          %parallel_loop3A_149 = arith.constant 2 : i32
          %parallel_loop3A_150 = vector.broadcast %parallel_loop3A_149 : i32 to vector<16xi32>
          %parallel_loop3A_151 = tpu.vector_load_idx %arg5[%parallel_loop3A_150, %parallel_loop3A_130] : memref<8x8192xf32, #tpu.memory_space<vmem>>[vector<16xi32>, vector<16xi32>], vector<16xf32>,
          %parallel_loop3A_152 = arith.constant 16 : i32
          %parallel_loop3A_153 = arith.muli %parallel_loop3A_124, %parallel_loop3A_152 : i32
          %parallel_loop3A_154 = arith.constant 2 : i32
          %parallel_loop3A_155 = arith.index_cast %parallel_loop3A_154 : i32 to index
          %parallel_loop3A_156 = arith.index_cast %parallel_loop3A_153 : i32 to index
          %parallel_loop3A_157 = tpu.vector_load %arg8[%parallel_loop3A_155, %parallel_loop3A_156] {strides = array<i32>} : memref<8x1024xf32, #tpu.memory_space<vmem>>, vector<16xf32>,
          tpu.vector_store %arg8[%parallel_loop3A_155, %parallel_loop3A_156], %parallel_loop3A_151 {strides = array<i32>} : memref<8x1024xf32, #tpu.memory_space<vmem>>, vector<16xf32>,
          %parallel_loop3A_158 = arith.constant 3 : i32
          %parallel_loop3A_159 = vector.broadcast %parallel_loop3A_158 : i32 to vector<16xi32>
          %parallel_loop3A_160 = tpu.vector_load_idx %arg5[%parallel_loop3A_159, %parallel_loop3A_130] : memref<8x8192xf32, #tpu.memory_space<vmem>>[vector<16xi32>, vector<16xi32>], vector<16xf32>,
          %parallel_loop3A_161 = arith.constant 16 : i32
          %parallel_loop3A_162 = arith.muli %parallel_loop3A_124, %parallel_loop3A_161 : i32
          %parallel_loop3A_163 = arith.constant 3 : i32
          %parallel_loop3A_164 = arith.index_cast %parallel_loop3A_163 : i32 to index
          %parallel_loop3A_165 = arith.index_cast %parallel_loop3A_162 : i32 to index
          %parallel_loop3A_166 = tpu.vector_load %arg8[%parallel_loop3A_164, %parallel_loop3A_165] {strides = array<i32>} : memref<8x1024xf32, #tpu.memory_space<vmem>>, vector<16xf32>,
          tpu.vector_store %arg8[%parallel_loop3A_164, %parallel_loop3A_165], %parallel_loop3A_160 {strides = array<i32>} : memref<8x1024xf32, #tpu.memory_space<vmem>>, vector<16xf32>,
          %parallel_loop3A_167 = arith.constant 4 : i32
          %parallel_loop3A_168 = vector.broadcast %parallel_loop3A_167 : i32 to vector<16xi32>
          %parallel_loop3A_169 = tpu.vector_load_idx %arg5[%parallel_loop3A_168, %parallel_loop3A_130] : memref<8x8192xf32, #tpu.memory_space<vmem>>[vector<16xi32>, vector<16xi32>], vector<16xf32>,
          %parallel_loop3A_170 = arith.constant 16 : i32
          %parallel_loop3A_171 = arith.muli %parallel_loop3A_124, %parallel_loop3A_170 : i32
          %parallel_loop3A_172 = arith.constant 4 : i32
          %parallel_loop3A_173 = arith.index_cast %parallel_loop3A_172 : i32 to index
          %parallel_loop3A_174 = arith.index_cast %parallel_loop3A_171 : i32 to index
          %parallel_loop3A_175 = tpu.vector_load %arg8[%parallel_loop3A_173, %parallel_loop3A_174] {strides = array<i32>} : memref<8x1024xf32, #tpu.memory_space<vmem>>, vector<16xf32>,
          tpu.vector_store %arg8[%parallel_loop3A_173, %parallel_loop3A_174], %parallel_loop3A_169 {strides = array<i32>} : memref<8x1024xf32, #tpu.memory_space<vmem>>, vector<16xf32>,
          %parallel_loop3A_176 = arith.constant 5 : i32
          %parallel_loop3A_177 = vector.broadcast %parallel_loop3A_176 : i32 to vector<16xi32>
          %parallel_loop3A_178 = tpu.vector_load_idx %arg5[%parallel_loop3A_177, %parallel_loop3A_130] : memref<8x8192xf32, #tpu.memory_space<vmem>>[vector<16xi32>, vector<16xi32>], vector<16xf32>,
          %parallel_loop3A_179 = arith.constant 16 : i32
          %parallel_loop3A_180 = arith.muli %parallel_loop3A_124, %parallel_loop3A_179 : i32
          %parallel_loop3A_181 = arith.constant 5 : i32
          %parallel_loop3A_182 = arith.index_cast %parallel_loop3A_181 : i32 to index
          %parallel_loop3A_183 = arith.index_cast %parallel_loop3A_180 : i32 to index
          %parallel_loop3A_184 = tpu.vector_load %arg8[%parallel_loop3A_182, %parallel_loop3A_183] {strides = array<i32>} : memref<8x1024xf32, #tpu.memory_space<vmem>>, vector<16xf32>,
          tpu.vector_store %arg8[%parallel_loop3A_182, %parallel_loop3A_183], %parallel_loop3A_178 {strides = array<i32>} : memref<8x1024xf32, #tpu.memory_space<vmem>>, vector<16xf32>,
          %parallel_loop3A_185 = arith.constant 6 : i32
          %parallel_loop3A_186 = vector.broadcast %parallel_loop3A_185 : i32 to vector<16xi32>
          %parallel_loop3A_187 = tpu.vector_load_idx %arg5[%parallel_loop3A_186, %parallel_loop3A_130] : memref<8x8192xf32, #tpu.memory_space<vmem>>[vector<16xi32>, vector<16xi32>], vector<16xf32>,
          %parallel_loop3A_188 = arith.constant 16 : i32
          %parallel_loop3A_189 = arith.muli %parallel_loop3A_124, %parallel_loop3A_188 : i32
          %parallel_loop3A_190 = arith.constant 6 : i32
          %parallel_loop3A_191 = arith.index_cast %parallel_loop3A_190 : i32 to index
          %parallel_loop3A_192 = arith.index_cast %parallel_loop3A_189 : i32 to index
          %parallel_loop3A_193 = tpu.vector_load %arg8[%parallel_loop3A_191, %parallel_loop3A_192] {strides = array<i32>} : memref<8x1024xf32, #tpu.memory_space<vmem>>, vector<16xf32>,
          tpu.vector_store %arg8[%parallel_loop3A_191, %parallel_loop3A_192], %parallel_loop3A_187 {strides = array<i32>} : memref<8x1024xf32, #tpu.memory_space<vmem>>, vector<16xf32>,
          %parallel_loop3A_194 = arith.constant 7 : i32
          %parallel_loop3A_195 = vector.broadcast %parallel_loop3A_194 : i32 to vector<16xi32>
          %parallel_loop3A_196 = tpu.vector_load_idx %arg5[%parallel_loop3A_195, %parallel_loop3A_130] : memref<8x8192xf32, #tpu.memory_space<vmem>>[vector<16xi32>, vector<16xi32>], vector<16xf32>,
          %parallel_loop3A_197 = arith.constant 16 : i32
          %parallel_loop3A_198 = arith.muli %parallel_loop3A_124, %parallel_loop3A_197 : i32
          %parallel_loop3A_199 = arith.constant 7 : i32
          %parallel_loop3A_200 = arith.index_cast %parallel_loop3A_199 : i32 to index
          %parallel_loop3A_201 = arith.index_cast %parallel_loop3A_198 : i32 to index
          %parallel_loop3A_202 = tpu.vector_load %arg8[%parallel_loop3A_200, %parallel_loop3A_201] {strides = array<i32>} : memref<8x1024xf32, #tpu.memory_space<vmem>>, vector<16xf32>,
          tpu.vector_store %arg8[%parallel_loop3A_200, %parallel_loop3A_201], %parallel_loop3A_196 {strides = array<i32>} : memref<8x1024xf32, #tpu.memory_space<vmem>>, vector<16xf32>,
        } {sc.loop_unroll_factor = 4 : i64, sc.parallel_access}
        %add3A_102 = arith.constant 2048 : i32
        %add3A_103 = arith.addi %mul3A_22, %add3A_102 : i32
        %dma_start3A_104 = tpu.memref_slice %arg4[%scan3A_45, %mul3A_20, %add3A_103] : memref<200x64x16384xf32, #tpu.memory_space<hbm>> -> memref<1x8x1024xf32, #tpu.memory_space<hbm>>
        %dma_start3A_105 = tpu.memref_squeeze %dma_start3A_104 : memref<1x8x1024xf32, #tpu.memory_space<hbm>> -> memref<8x1024xf32, #tpu.memory_space<hbm>>
        %dma_start3A_106 = tpu.memref_slice %arg4[%scan3A_45, %mul3A_20, %add3A_103] : memref<200x64x16384xf32, #tpu.memory_space<hbm>> -> memref<1x8x1024xf32, #tpu.memory_space<hbm>>
        %dma_start3A_107 = tpu.memref_squeeze %dma_start3A_106 : memref<1x8x1024xf32, #tpu.memory_space<hbm>> -> memref<8x1024xf32, #tpu.memory_space<hbm>>
        tpu.enqueue_dma source(%arg8 : memref<8x1024xf32, #tpu.memory_space<vmem>>) target(%dma_start3A_107 : memref<8x1024xf32, #tpu.memory_space<hbm>>) target_semaphore(%arg12 : memref<!tpu.dma_semaphore, #tpu.memory_space<semaphore_mem>>)
        %add3A_108 = arith.constant 3072 : i32
        %add3A_109 = arith.addi %mul3A_22, %add3A_108 : i32
        %dma_wait3A_110 = arith.constant 0 : i32
        %dma_wait3A_111 = tpu.memref_slice %arg4[%dma_wait3A_110, %mul3A_20, %add3A_109] : memref<200x64x16384xf32, #tpu.memory_space<hbm>> -> memref<1x8x1024xf32, #tpu.memory_space<hbm>>
        %dma_wait3A_112 = tpu.memref_squeeze %dma_wait3A_111 : memref<1x8x1024xf32, #tpu.memory_space<hbm>> -> memref<8x1024xf32, #tpu.memory_space<hbm>>
        %dma_wait3A_113 = tpu.memref_slice %arg4[%dma_wait3A_110, %mul3A_20, %add3A_109] : memref<200x64x16384xf32, #tpu.memory_space<hbm>> -> memref<1x8x1024xf32, #tpu.memory_space<hbm>>
        %dma_wait3A_114 = tpu.memref_squeeze %dma_wait3A_113 : memref<1x8x1024xf32, #tpu.memory_space<hbm>> -> memref<8x1024xf32, #tpu.memory_space<hbm>>
        tpu.wait_dma2 semaphore(%arg13 : memref<!tpu.dma_semaphore, #tpu.memory_space<semaphore_mem>>) src(%arg9 : memref<8x1024xf32, #tpu.memory_space<vmem>>) dst(%dma_wait3A_114 : memref<8x1024xf32, #tpu.memory_space<hbm>>)
        %parallel_loop3A_115 = arith.constant 0 : i32
        %parallel_loop3A_116 = arith.constant 64 : i32
        %parallel_loop3A_117 = arith.constant 1 : i32
        scf.for %parallel_loop3A_124 = %parallel_loop3A_115 to %parallel_loop3A_116 step %parallel_loop3A_117  : i32 {
          %parallel_loop3A_125 = arith.constant 16 : i32
          %parallel_loop3A_126 = arith.muli %parallel_loop3A_124, %parallel_loop3A_125 : i32
          %parallel_loop3A_127 = arith.constant 3072 : i32
          %parallel_loop3A_128 = arith.addi %parallel_loop3A_127, %parallel_loop3A_126 : i32
          %parallel_loop3A_129 = arith.index_cast %parallel_loop3A_128 : i32 to index
          %parallel_loop3A_130 = tpu.vector_load %arg6[%parallel_loop3A_129] {strides = array<i32>} : memref<4096xi32, #tpu.memory_space<vmem>>, vector<16xi32>,
          %parallel_loop3A_131 = arith.constant 0 : i32
          %parallel_loop3A_132 = vector.broadcast %parallel_loop3A_131 : i32 to vector<16xi32>
          %parallel_loop3A_133 = tpu.vector_load_idx %arg5[%parallel_loop3A_132, %parallel_loop3A_130] : memref<8x8192xf32, #tpu.memory_space<vmem>>[vector<16xi32>, vector<16xi32>], vector<16xf32>,
          %parallel_loop3A_134 = arith.constant 16 : i32
          %parallel_loop3A_135 = arith.muli %parallel_loop3A_124, %parallel_loop3A_134 : i32
          %parallel_loop3A_136 = arith.constant 0 : i32
          %parallel_loop3A_137 = arith.index_cast %parallel_loop3A_136 : i32 to index
          %parallel_loop3A_138 = arith.index_cast %parallel_loop3A_135 : i32 to index
          %parallel_loop3A_139 = tpu.vector_load %arg9[%parallel_loop3A_137, %parallel_loop3A_138] {strides = array<i32>} : memref<8x1024xf32, #tpu.memory_space<vmem>>, vector<16xf32>,
          tpu.vector_store %arg9[%parallel_loop3A_137, %parallel_loop3A_138], %parallel_loop3A_133 {strides = array<i32>} : memref<8x1024xf32, #tpu.memory_space<vmem>>, vector<16xf32>,
          %parallel_loop3A_140 = arith.constant 1 : i32
          %parallel_loop3A_141 = vector.broadcast %parallel_loop3A_140 : i32 to vector<16xi32>
          %parallel_loop3A_142 = tpu.vector_load_idx %arg5[%parallel_loop3A_141, %parallel_loop3A_130] : memref<8x8192xf32, #tpu.memory_space<vmem>>[vector<16xi32>, vector<16xi32>], vector<16xf32>,
          %parallel_loop3A_143 = arith.constant 16 : i32
          %parallel_loop3A_144 = arith.muli %parallel_loop3A_124, %parallel_loop3A_143 : i32
          %parallel_loop3A_145 = arith.constant 1 : i32
          %parallel_loop3A_146 = arith.index_cast %parallel_loop3A_145 : i32 to index
          %parallel_loop3A_147 = arith.index_cast %parallel_loop3A_144 : i32 to index
          %parallel_loop3A_148 = tpu.vector_load %arg9[%parallel_loop3A_146, %parallel_loop3A_147] {strides = array<i32>} : memref<8x1024xf32, #tpu.memory_space<vmem>>, vector<16xf32>,
          tpu.vector_store %arg9[%parallel_loop3A_146, %parallel_loop3A_147], %parallel_loop3A_142 {strides = array<i32>} : memref<8x1024xf32, #tpu.memory_space<vmem>>, vector<16xf32>,
          %parallel_loop3A_149 = arith.constant 2 : i32
          %parallel_loop3A_150 = vector.broadcast %parallel_loop3A_149 : i32 to vector<16xi32>
          %parallel_loop3A_151 = tpu.vector_load_idx %arg5[%parallel_loop3A_150, %parallel_loop3A_130] : memref<8x8192xf32, #tpu.memory_space<vmem>>[vector<16xi32>, vector<16xi32>], vector<16xf32>,
          %parallel_loop3A_152 = arith.constant 16 : i32
          %parallel_loop3A_153 = arith.muli %parallel_loop3A_124, %parallel_loop3A_152 : i32
          %parallel_loop3A_154 = arith.constant 2 : i32
          %parallel_loop3A_155 = arith.index_cast %parallel_loop3A_154 : i32 to index
          %parallel_loop3A_156 = arith.index_cast %parallel_loop3A_153 : i32 to index
          %parallel_loop3A_157 = tpu.vector_load %arg9[%parallel_loop3A_155, %parallel_loop3A_156] {strides = array<i32>} : memref<8x1024xf32, #tpu.memory_space<vmem>>, vector<16xf32>,
          tpu.vector_store %arg9[%parallel_loop3A_155, %parallel_loop3A_156], %parallel_loop3A_151 {strides = array<i32>} : memref<8x1024xf32, #tpu.memory_space<vmem>>, vector<16xf32>,
          %parallel_loop3A_158 = arith.constant 3 : i32
          %parallel_loop3A_159 = vector.broadcast %parallel_loop3A_158 : i32 to vector<16xi32>
          %parallel_loop3A_160 = tpu.vector_load_idx %arg5[%parallel_loop3A_159, %parallel_loop3A_130] : memref<8x8192xf32, #tpu.memory_space<vmem>>[vector<16xi32>, vector<16xi32>], vector<16xf32>,
          %parallel_loop3A_161 = arith.constant 16 : i32
          %parallel_loop3A_162 = arith.muli %parallel_loop3A_124, %parallel_loop3A_161 : i32
          %parallel_loop3A_163 = arith.constant 3 : i32
          %parallel_loop3A_164 = arith.index_cast %parallel_loop3A_163 : i32 to index
          %parallel_loop3A_165 = arith.index_cast %parallel_loop3A_162 : i32 to index
          %parallel_loop3A_166 = tpu.vector_load %arg9[%parallel_loop3A_164, %parallel_loop3A_165] {strides = array<i32>} : memref<8x1024xf32, #tpu.memory_space<vmem>>, vector<16xf32>,
          tpu.vector_store %arg9[%parallel_loop3A_164, %parallel_loop3A_165], %parallel_loop3A_160 {strides = array<i32>} : memref<8x1024xf32, #tpu.memory_space<vmem>>, vector<16xf32>,
          %parallel_loop3A_167 = arith.constant 4 : i32
          %parallel_loop3A_168 = vector.broadcast %parallel_loop3A_167 : i32 to vector<16xi32>
          %parallel_loop3A_169 = tpu.vector_load_idx %arg5[%parallel_loop3A_168, %parallel_loop3A_130] : memref<8x8192xf32, #tpu.memory_space<vmem>>[vector<16xi32>, vector<16xi32>], vector<16xf32>,
          %parallel_loop3A_170 = arith.constant 16 : i32
          %parallel_loop3A_171 = arith.muli %parallel_loop3A_124, %parallel_loop3A_170 : i32
          %parallel_loop3A_172 = arith.constant 4 : i32
          %parallel_loop3A_173 = arith.index_cast %parallel_loop3A_172 : i32 to index
          %parallel_loop3A_174 = arith.index_cast %parallel_loop3A_171 : i32 to index
          %parallel_loop3A_175 = tpu.vector_load %arg9[%parallel_loop3A_173, %parallel_loop3A_174] {strides = array<i32>} : memref<8x1024xf32, #tpu.memory_space<vmem>>, vector<16xf32>,
          tpu.vector_store %arg9[%parallel_loop3A_173, %parallel_loop3A_174], %parallel_loop3A_169 {strides = array<i32>} : memref<8x1024xf32, #tpu.memory_space<vmem>>, vector<16xf32>,
          %parallel_loop3A_176 = arith.constant 5 : i32
          %parallel_loop3A_177 = vector.broadcast %parallel_loop3A_176 : i32 to vector<16xi32>
          %parallel_loop3A_178 = tpu.vector_load_idx %arg5[%parallel_loop3A_177, %parallel_loop3A_130] : memref<8x8192xf32, #tpu.memory_space<vmem>>[vector<16xi32>, vector<16xi32>], vector<16xf32>,
          %parallel_loop3A_179 = arith.constant 16 : i32
          %parallel_loop3A_180 = arith.muli %parallel_loop3A_124, %parallel_loop3A_179 : i32
          %parallel_loop3A_181 = arith.constant 5 : i32
          %parallel_loop3A_182 = arith.index_cast %parallel_loop3A_181 : i32 to index
          %parallel_loop3A_183 = arith.index_cast %parallel_loop3A_180 : i32 to index
          %parallel_loop3A_184 = tpu.vector_load %arg9[%parallel_loop3A_182, %parallel_loop3A_183] {strides = array<i32>} : memref<8x1024xf32, #tpu.memory_space<vmem>>, vector<16xf32>,
          tpu.vector_store %arg9[%parallel_loop3A_182, %parallel_loop3A_183], %parallel_loop3A_178 {strides = array<i32>} : memref<8x1024xf32, #tpu.memory_space<vmem>>, vector<16xf32>,
          %parallel_loop3A_185 = arith.constant 6 : i32
          %parallel_loop3A_186 = vector.broadcast %parallel_loop3A_185 : i32 to vector<16xi32>
          %parallel_loop3A_187 = tpu.vector_load_idx %arg5[%parallel_loop3A_186, %parallel_loop3A_130] : memref<8x8192xf32, #tpu.memory_space<vmem>>[vector<16xi32>, vector<16xi32>], vector<16xf32>,
          %parallel_loop3A_188 = arith.constant 16 : i32
          %parallel_loop3A_189 = arith.muli %parallel_loop3A_124, %parallel_loop3A_188 : i32
          %parallel_loop3A_190 = arith.constant 6 : i32
          %parallel_loop3A_191 = arith.index_cast %parallel_loop3A_190 : i32 to index
          %parallel_loop3A_192 = arith.index_cast %parallel_loop3A_189 : i32 to index
          %parallel_loop3A_193 = tpu.vector_load %arg9[%parallel_loop3A_191, %parallel_loop3A_192] {strides = array<i32>} : memref<8x1024xf32, #tpu.memory_space<vmem>>, vector<16xf32>,
          tpu.vector_store %arg9[%parallel_loop3A_191, %parallel_loop3A_192], %parallel_loop3A_187 {strides = array<i32>} : memref<8x1024xf32, #tpu.memory_space<vmem>>, vector<16xf32>,
          %parallel_loop3A_194 = arith.constant 7 : i32
          %parallel_loop3A_195 = vector.broadcast %parallel_loop3A_194 : i32 to vector<16xi32>
          %parallel_loop3A_196 = tpu.vector_load_idx %arg5[%parallel_loop3A_195, %parallel_loop3A_130] : memref<8x8192xf32, #tpu.memory_space<vmem>>[vector<16xi32>, vector<16xi32>], vector<16xf32>,
          %parallel_loop3A_197 = arith.constant 16 : i32
          %parallel_loop3A_198 = arith.muli %parallel_loop3A_124, %parallel_loop3A_197 : i32
          %parallel_loop3A_199 = arith.constant 7 : i32
          %parallel_loop3A_200 = arith.index_cast %parallel_loop3A_199 : i32 to index
          %parallel_loop3A_201 = arith.index_cast %parallel_loop3A_198 : i32 to index
          %parallel_loop3A_202 = tpu.vector_load %arg9[%parallel_loop3A_200, %parallel_loop3A_201] {strides = array<i32>} : memref<8x1024xf32, #tpu.memory_space<vmem>>, vector<16xf32>,
          tpu.vector_store %arg9[%parallel_loop3A_200, %parallel_loop3A_201], %parallel_loop3A_196 {strides = array<i32>} : memref<8x1024xf32, #tpu.memory_space<vmem>>, vector<16xf32>,
        } {sc.loop_unroll_factor = 4 : i64, sc.parallel_access}
        %add3A_118 = arith.constant 3072 : i32
        %add3A_119 = arith.addi %mul3A_22, %add3A_118 : i32
        %dma_start3A_120 = tpu.memref_slice %arg4[%scan3A_45, %mul3A_20, %add3A_119] : memref<200x64x16384xf32, #tpu.memory_space<hbm>> -> memref<1x8x1024xf32, #tpu.memory_space<hbm>>
        %dma_start3A_121 = tpu.memref_squeeze %dma_start3A_120 : memref<1x8x1024xf32, #tpu.memory_space<hbm>> -> memref<8x1024xf32, #tpu.memory_space<hbm>>
        %dma_start3A_122 = tpu.memref_slice %arg4[%scan3A_45, %mul3A_20, %add3A_119] : memref<200x64x16384xf32, #tpu.memory_space<hbm>> -> memref<1x8x1024xf32, #tpu.memory_space<hbm>>
        %dma_start3A_123 = tpu.memref_squeeze %dma_start3A_122 : memref<1x8x1024xf32, #tpu.memory_space<hbm>> -> memref<8x1024xf32, #tpu.memory_space<hbm>>
        tpu.enqueue_dma source(%arg9 : memref<8x1024xf32, #tpu.memory_space<vmem>>) target(%dma_start3A_123 : memref<8x1024xf32, #tpu.memory_space<hbm>>) target_semaphore(%arg13 : memref<!tpu.dma_semaphore, #tpu.memory_space<semaphore_mem>>)
      } else {
      }
      %eq3A_50 = arith.constant 1 : i32
      %eq3A_51 = arith.cmpi eq, %rem3A_47, %eq3A_50 : i32
      %convert_element_type3A_52 = arith.extui %eq3A_51 : i1 to i32
      %cond3A_53 = arith.constant 0 : i32
      %cond3A_54 = arith.cmpi ne, %convert_element_type3A_52, %cond3A_53 : i32
      scf.if %cond3A_54 {
        %dma_wait3A_55 = arith.constant 0 : i32
        %dma_wait3A_56 = tpu.memref_slice %arg3[%dma_wait3A_55, %mul3A_22] : memref<200x16384xi32, #tpu.memory_space<hbm>> -> memref<1x4096xi32, #tpu.memory_space<hbm>>
        %dma_wait3A_57 = tpu.memref_squeeze %dma_wait3A_56 : memref<1x4096xi32, #tpu.memory_space<hbm>> -> memref<4096xi32, #tpu.memory_space<hbm>>
        %dma_wait3A_58 = tpu.memref_slice %arg3[%dma_wait3A_55, %mul3A_22] : memref<200x16384xi32, #tpu.memory_space<hbm>> -> memref<1x4096xi32, #tpu.memory_space<hbm>>
        %dma_wait3A_59 = tpu.memref_squeeze %dma_wait3A_58 : memref<1x4096xi32, #tpu.memory_space<hbm>> -> memref<4096xi32, #tpu.memory_space<hbm>>
        tpu.wait_dma2 semaphore(%arg11 : memref<!tpu.dma_semaphore, #tpu.memory_space<semaphore_mem>>) src(%dma_wait3A_59 : memref<4096xi32, #tpu.memory_space<hbm>>) dst(%arg7 : memref<4096xi32, #tpu.memory_space<vmem>>)
        %add3A_60 = arith.constant 1 : i32
        %add3A_61 = arith.addi %scan3A_45, %add3A_60 : i32
        %lt3A = arith.constant 200 : i32
        %lt3A_62 = arith.cmpi slt, %add3A_61, %lt3A : i32
        %convert_element_type3A_63 = arith.extui %lt3A_62 : i1 to i32
        %cond3A_64 = arith.constant 0 : i32
        %cond3A_65 = arith.cmpi ne, %convert_element_type3A_63, %cond3A_64 : i32
        scf.if %cond3A_65 {
          %add3A_124 = arith.constant 1 : i32
          %add3A_125 = arith.addi %scan3A_45, %add3A_124 : i32
          %dma_start3A_126 = tpu.memref_slice %arg3[%add3A_125, %mul3A_22] : memref<200x16384xi32, #tpu.memory_space<hbm>> -> memref<1x4096xi32, #tpu.memory_space<hbm>>
          %dma_start3A_127 = tpu.memref_squeeze %dma_start3A_126 : memref<1x4096xi32, #tpu.memory_space<hbm>> -> memref<4096xi32, #tpu.memory_space<hbm>>
          %dma_start3A_128 = tpu.memref_slice %arg3[%add3A_125, %mul3A_22] : memref<200x16384xi32, #tpu.memory_space<hbm>> -> memref<1x4096xi32, #tpu.memory_space<hbm>>
          %dma_start3A_129 = tpu.memref_squeeze %dma_start3A_128 : memref<1x4096xi32, #tpu.memory_space<hbm>> -> memref<4096xi32, #tpu.memory_space<hbm>>
          tpu.enqueue_dma source(%dma_start3A_129 : memref<4096xi32, #tpu.memory_space<hbm>>) target(%arg6 : memref<4096xi32, #tpu.memory_space<vmem>>) target_semaphore(%arg10 : memref<!tpu.dma_semaphore, #tpu.memory_space<semaphore_mem>>)
        } else {
        }
        %ge3A = arith.constant 1 : i32
        %ge3A_66 = arith.cmpi sge, %scan3A_45, %ge3A : i32
        %convert_element_type3A_67 = arith.extui %ge3A_66 : i1 to i32
        %cond3A_68 = arith.constant 0 : i32
        %cond3A_69 = arith.cmpi ne, %convert_element_type3A_67, %cond3A_68 : i32
        scf.if %cond3A_69 {
          %add3A_124 = arith.constant 0 : i32
          %add3A_125 = arith.addi %mul3A_22, %add3A_124 : i32
          %dma_wait3A_126 = arith.constant 0 : i32
          %dma_wait3A_127 = tpu.memref_slice %arg4[%dma_wait3A_126, %mul3A_20, %add3A_125] : memref<200x64x16384xf32, #tpu.memory_space<hbm>> -> memref<1x8x1024xf32, #tpu.memory_space<hbm>>
          %dma_wait3A_128 = tpu.memref_squeeze %dma_wait3A_127 : memref<1x8x1024xf32, #tpu.memory_space<hbm>> -> memref<8x1024xf32, #tpu.memory_space<hbm>>
          %dma_wait3A_129 = tpu.memref_slice %arg4[%dma_wait3A_126, %mul3A_20, %add3A_125] : memref<200x64x16384xf32, #tpu.memory_space<hbm>> -> memref<1x8x1024xf32, #tpu.memory_space<hbm>>
          %dma_wait3A_130 = tpu.memref_squeeze %dma_wait3A_129 : memref<1x8x1024xf32, #tpu.memory_space<hbm>> -> memref<8x1024xf32, #tpu.memory_space<hbm>>
          tpu.wait_dma2 semaphore(%arg12 : memref<!tpu.dma_semaphore, #tpu.memory_space<semaphore_mem>>) src(%arg8 : memref<8x1024xf32, #tpu.memory_space<vmem>>) dst(%dma_wait3A_130 : memref<8x1024xf32, #tpu.memory_space<hbm>>)
        } else {
        }
        %parallel_loop3A = arith.constant 0 : i32
        %parallel_loop3A_70 = arith.constant 64 : i32
        %parallel_loop3A_71 = arith.constant 1 : i32
        scf.for %parallel_loop3A_124 = %parallel_loop3A to %parallel_loop3A_70 step %parallel_loop3A_71  : i32 {
          %parallel_loop3A_125 = arith.constant 16 : i32
          %parallel_loop3A_126 = arith.muli %parallel_loop3A_124, %parallel_loop3A_125 : i32
          %parallel_loop3A_127 = arith.constant 0 : i32
          %parallel_loop3A_128 = arith.addi %parallel_loop3A_127, %parallel_loop3A_126 : i32
          %parallel_loop3A_129 = arith.index_cast %parallel_loop3A_128 : i32 to index
          %parallel_loop3A_130 = tpu.vector_load %arg7[%parallel_loop3A_129] {strides = array<i32>} : memref<4096xi32, #tpu.memory_space<vmem>>, vector<16xi32>,
          %parallel_loop3A_131 = arith.constant 0 : i32
          %parallel_loop3A_132 = vector.broadcast %parallel_loop3A_131 : i32 to vector<16xi32>
          %parallel_loop3A_133 = tpu.vector_load_idx %arg5[%parallel_loop3A_132, %parallel_loop3A_130] : memref<8x8192xf32, #tpu.memory_space<vmem>>[vector<16xi32>, vector<16xi32>], vector<16xf32>,
          %parallel_loop3A_134 = arith.constant 16 : i32
          %parallel_loop3A_135 = arith.muli %parallel_loop3A_124, %parallel_loop3A_134 : i32
          %parallel_loop3A_136 = arith.constant 0 : i32
          %parallel_loop3A_137 = arith.index_cast %parallel_loop3A_136 : i32 to index
          %parallel_loop3A_138 = arith.index_cast %parallel_loop3A_135 : i32 to index
          %parallel_loop3A_139 = tpu.vector_load %arg8[%parallel_loop3A_137, %parallel_loop3A_138] {strides = array<i32>} : memref<8x1024xf32, #tpu.memory_space<vmem>>, vector<16xf32>,
          tpu.vector_store %arg8[%parallel_loop3A_137, %parallel_loop3A_138], %parallel_loop3A_133 {strides = array<i32>} : memref<8x1024xf32, #tpu.memory_space<vmem>>, vector<16xf32>,
          %parallel_loop3A_140 = arith.constant 1 : i32
          %parallel_loop3A_141 = vector.broadcast %parallel_loop3A_140 : i32 to vector<16xi32>
          %parallel_loop3A_142 = tpu.vector_load_idx %arg5[%parallel_loop3A_141, %parallel_loop3A_130] : memref<8x8192xf32, #tpu.memory_space<vmem>>[vector<16xi32>, vector<16xi32>], vector<16xf32>,
          %parallel_loop3A_143 = arith.constant 16 : i32
          %parallel_loop3A_144 = arith.muli %parallel_loop3A_124, %parallel_loop3A_143 : i32
          %parallel_loop3A_145 = arith.constant 1 : i32
          %parallel_loop3A_146 = arith.index_cast %parallel_loop3A_145 : i32 to index
          %parallel_loop3A_147 = arith.index_cast %parallel_loop3A_144 : i32 to index
          %parallel_loop3A_148 = tpu.vector_load %arg8[%parallel_loop3A_146, %parallel_loop3A_147] {strides = array<i32>} : memref<8x1024xf32, #tpu.memory_space<vmem>>, vector<16xf32>,
          tpu.vector_store %arg8[%parallel_loop3A_146, %parallel_loop3A_147], %parallel_loop3A_142 {strides = array<i32>} : memref<8x1024xf32, #tpu.memory_space<vmem>>, vector<16xf32>,
          %parallel_loop3A_149 = arith.constant 2 : i32
          %parallel_loop3A_150 = vector.broadcast %parallel_loop3A_149 : i32 to vector<16xi32>
          %parallel_loop3A_151 = tpu.vector_load_idx %arg5[%parallel_loop3A_150, %parallel_loop3A_130] : memref<8x8192xf32, #tpu.memory_space<vmem>>[vector<16xi32>, vector<16xi32>], vector<16xf32>,
          %parallel_loop3A_152 = arith.constant 16 : i32
          %parallel_loop3A_153 = arith.muli %parallel_loop3A_124, %parallel_loop3A_152 : i32
          %parallel_loop3A_154 = arith.constant 2 : i32
          %parallel_loop3A_155 = arith.index_cast %parallel_loop3A_154 : i32 to index
          %parallel_loop3A_156 = arith.index_cast %parallel_loop3A_153 : i32 to index
          %parallel_loop3A_157 = tpu.vector_load %arg8[%parallel_loop3A_155, %parallel_loop3A_156] {strides = array<i32>} : memref<8x1024xf32, #tpu.memory_space<vmem>>, vector<16xf32>,
          tpu.vector_store %arg8[%parallel_loop3A_155, %parallel_loop3A_156], %parallel_loop3A_151 {strides = array<i32>} : memref<8x1024xf32, #tpu.memory_space<vmem>>, vector<16xf32>,
          %parallel_loop3A_158 = arith.constant 3 : i32
          %parallel_loop3A_159 = vector.broadcast %parallel_loop3A_158 : i32 to vector<16xi32>
          %parallel_loop3A_160 = tpu.vector_load_idx %arg5[%parallel_loop3A_159, %parallel_loop3A_130] : memref<8x8192xf32, #tpu.memory_space<vmem>>[vector<16xi32>, vector<16xi32>], vector<16xf32>,
          %parallel_loop3A_161 = arith.constant 16 : i32
          %parallel_loop3A_162 = arith.muli %parallel_loop3A_124, %parallel_loop3A_161 : i32
          %parallel_loop3A_163 = arith.constant 3 : i32
          %parallel_loop3A_164 = arith.index_cast %parallel_loop3A_163 : i32 to index
          %parallel_loop3A_165 = arith.index_cast %parallel_loop3A_162 : i32 to index
          %parallel_loop3A_166 = tpu.vector_load %arg8[%parallel_loop3A_164, %parallel_loop3A_165] {strides = array<i32>} : memref<8x1024xf32, #tpu.memory_space<vmem>>, vector<16xf32>,
          tpu.vector_store %arg8[%parallel_loop3A_164, %parallel_loop3A_165], %parallel_loop3A_160 {strides = array<i32>} : memref<8x1024xf32, #tpu.memory_space<vmem>>, vector<16xf32>,
          %parallel_loop3A_167 = arith.constant 4 : i32
          %parallel_loop3A_168 = vector.broadcast %parallel_loop3A_167 : i32 to vector<16xi32>
          %parallel_loop3A_169 = tpu.vector_load_idx %arg5[%parallel_loop3A_168, %parallel_loop3A_130] : memref<8x8192xf32, #tpu.memory_space<vmem>>[vector<16xi32>, vector<16xi32>], vector<16xf32>,
          %parallel_loop3A_170 = arith.constant 16 : i32
          %parallel_loop3A_171 = arith.muli %parallel_loop3A_124, %parallel_loop3A_170 : i32
          %parallel_loop3A_172 = arith.constant 4 : i32
          %parallel_loop3A_173 = arith.index_cast %parallel_loop3A_172 : i32 to index
          %parallel_loop3A_174 = arith.index_cast %parallel_loop3A_171 : i32 to index
          %parallel_loop3A_175 = tpu.vector_load %arg8[%parallel_loop3A_173, %parallel_loop3A_174] {strides = array<i32>} : memref<8x1024xf32, #tpu.memory_space<vmem>>, vector<16xf32>,
          tpu.vector_store %arg8[%parallel_loop3A_173, %parallel_loop3A_174], %parallel_loop3A_169 {strides = array<i32>} : memref<8x1024xf32, #tpu.memory_space<vmem>>, vector<16xf32>,
          %parallel_loop3A_176 = arith.constant 5 : i32
          %parallel_loop3A_177 = vector.broadcast %parallel_loop3A_176 : i32 to vector<16xi32>
          %parallel_loop3A_178 = tpu.vector_load_idx %arg5[%parallel_loop3A_177, %parallel_loop3A_130] : memref<8x8192xf32, #tpu.memory_space<vmem>>[vector<16xi32>, vector<16xi32>], vector<16xf32>,
          %parallel_loop3A_179 = arith.constant 16 : i32
          %parallel_loop3A_180 = arith.muli %parallel_loop3A_124, %parallel_loop3A_179 : i32
          %parallel_loop3A_181 = arith.constant 5 : i32
          %parallel_loop3A_182 = arith.index_cast %parallel_loop3A_181 : i32 to index
          %parallel_loop3A_183 = arith.index_cast %parallel_loop3A_180 : i32 to index
          %parallel_loop3A_184 = tpu.vector_load %arg8[%parallel_loop3A_182, %parallel_loop3A_183] {strides = array<i32>} : memref<8x1024xf32, #tpu.memory_space<vmem>>, vector<16xf32>,
          tpu.vector_store %arg8[%parallel_loop3A_182, %parallel_loop3A_183], %parallel_loop3A_178 {strides = array<i32>} : memref<8x1024xf32, #tpu.memory_space<vmem>>, vector<16xf32>,
          %parallel_loop3A_185 = arith.constant 6 : i32
          %parallel_loop3A_186 = vector.broadcast %parallel_loop3A_185 : i32 to vector<16xi32>
          %parallel_loop3A_187 = tpu.vector_load_idx %arg5[%parallel_loop3A_186, %parallel_loop3A_130] : memref<8x8192xf32, #tpu.memory_space<vmem>>[vector<16xi32>, vector<16xi32>], vector<16xf32>,
          %parallel_loop3A_188 = arith.constant 16 : i32
          %parallel_loop3A_189 = arith.muli %parallel_loop3A_124, %parallel_loop3A_188 : i32
          %parallel_loop3A_190 = arith.constant 6 : i32
          %parallel_loop3A_191 = arith.index_cast %parallel_loop3A_190 : i32 to index
          %parallel_loop3A_192 = arith.index_cast %parallel_loop3A_189 : i32 to index
          %parallel_loop3A_193 = tpu.vector_load %arg8[%parallel_loop3A_191, %parallel_loop3A_192] {strides = array<i32>} : memref<8x1024xf32, #tpu.memory_space<vmem>>, vector<16xf32>,
          tpu.vector_store %arg8[%parallel_loop3A_191, %parallel_loop3A_192], %parallel_loop3A_187 {strides = array<i32>} : memref<8x1024xf32, #tpu.memory_space<vmem>>, vector<16xf32>,
          %parallel_loop3A_194 = arith.constant 7 : i32
          %parallel_loop3A_195 = vector.broadcast %parallel_loop3A_194 : i32 to vector<16xi32>
          %parallel_loop3A_196 = tpu.vector_load_idx %arg5[%parallel_loop3A_195, %parallel_loop3A_130] : memref<8x8192xf32, #tpu.memory_space<vmem>>[vector<16xi32>, vector<16xi32>], vector<16xf32>,
          %parallel_loop3A_197 = arith.constant 16 : i32
          %parallel_loop3A_198 = arith.muli %parallel_loop3A_124, %parallel_loop3A_197 : i32
          %parallel_loop3A_199 = arith.constant 7 : i32
          %parallel_loop3A_200 = arith.index_cast %parallel_loop3A_199 : i32 to index
          %parallel_loop3A_201 = arith.index_cast %parallel_loop3A_198 : i32 to index
          %parallel_loop3A_202 = tpu.vector_load %arg8[%parallel_loop3A_200, %parallel_loop3A_201] {strides = array<i32>} : memref<8x1024xf32, #tpu.memory_space<vmem>>, vector<16xf32>,
          tpu.vector_store %arg8[%parallel_loop3A_200, %parallel_loop3A_201], %parallel_loop3A_196 {strides = array<i32>} : memref<8x1024xf32, #tpu.memory_space<vmem>>, vector<16xf32>,
        } {sc.loop_unroll_factor = 4 : i64, sc.parallel_access}
        %add3A_72 = arith.constant 0 : i32
        %add3A_73 = arith.addi %mul3A_22, %add3A_72 : i32
        %dma_start3A_74 = tpu.memref_slice %arg4[%scan3A_45, %mul3A_20, %add3A_73] : memref<200x64x16384xf32, #tpu.memory_space<hbm>> -> memref<1x8x1024xf32, #tpu.memory_space<hbm>>
        %dma_start3A_75 = tpu.memref_squeeze %dma_start3A_74 : memref<1x8x1024xf32, #tpu.memory_space<hbm>> -> memref<8x1024xf32, #tpu.memory_space<hbm>>
        %dma_start3A_76 = tpu.memref_slice %arg4[%scan3A_45, %mul3A_20, %add3A_73] : memref<200x64x16384xf32, #tpu.memory_space<hbm>> -> memref<1x8x1024xf32, #tpu.memory_space<hbm>>
        %dma_start3A_77 = tpu.memref_squeeze %dma_start3A_76 : memref<1x8x1024xf32, #tpu.memory_space<hbm>> -> memref<8x1024xf32, #tpu.memory_space<hbm>>
        tpu.enqueue_dma source(%arg8 : memref<8x1024xf32, #tpu.memory_space<vmem>>) target(%dma_start3A_77 : memref<8x1024xf32, #tpu.memory_space<hbm>>) target_semaphore(%arg12 : memref<!tpu.dma_semaphore, #tpu.memory_space<semaphore_mem>>)
        %ge3A_78 = arith.constant 1 : i32
        %ge3A_79 = arith.cmpi sge, %scan3A_45, %ge3A_78 : i32
        %convert_element_type3A_80 = arith.extui %ge3A_79 : i1 to i32
        %cond3A_81 = arith.constant 0 : i32
        %cond3A_82 = arith.cmpi ne, %convert_element_type3A_80, %cond3A_81 : i32
        scf.if %cond3A_82 {
          %add3A_124 = arith.constant 1024 : i32
          %add3A_125 = arith.addi %mul3A_22, %add3A_124 : i32
          %dma_wait3A_126 = arith.constant 0 : i32
          %dma_wait3A_127 = tpu.memref_slice %arg4[%dma_wait3A_126, %mul3A_20, %add3A_125] : memref<200x64x16384xf32, #tpu.memory_space<hbm>> -> memref<1x8x1024xf32, #tpu.memory_space<hbm>>
          %dma_wait3A_128 = tpu.memref_squeeze %dma_wait3A_127 : memref<1x8x1024xf32, #tpu.memory_space<hbm>> -> memref<8x1024xf32, #tpu.memory_space<hbm>>
          %dma_wait3A_129 = tpu.memref_slice %arg4[%dma_wait3A_126, %mul3A_20, %add3A_125] : memref<200x64x16384xf32, #tpu.memory_space<hbm>> -> memref<1x8x1024xf32, #tpu.memory_space<hbm>>
          %dma_wait3A_130 = tpu.memref_squeeze %dma_wait3A_129 : memref<1x8x1024xf32, #tpu.memory_space<hbm>> -> memref<8x1024xf32, #tpu.memory_space<hbm>>
          tpu.wait_dma2 semaphore(%arg13 : memref<!tpu.dma_semaphore, #tpu.memory_space<semaphore_mem>>) src(%arg9 : memref<8x1024xf32, #tpu.memory_space<vmem>>) dst(%dma_wait3A_130 : memref<8x1024xf32, #tpu.memory_space<hbm>>)
        } else {
        }
        %parallel_loop3A_83 = arith.constant 0 : i32
        %parallel_loop3A_84 = arith.constant 64 : i32
        %parallel_loop3A_85 = arith.constant 1 : i32
        scf.for %parallel_loop3A_124 = %parallel_loop3A_83 to %parallel_loop3A_84 step %parallel_loop3A_85  : i32 {
          %parallel_loop3A_125 = arith.constant 16 : i32
          %parallel_loop3A_126 = arith.muli %parallel_loop3A_124, %parallel_loop3A_125 : i32
          %parallel_loop3A_127 = arith.constant 1024 : i32
          %parallel_loop3A_128 = arith.addi %parallel_loop3A_127, %parallel_loop3A_126 : i32
          %parallel_loop3A_129 = arith.index_cast %parallel_loop3A_128 : i32 to index
          %parallel_loop3A_130 = tpu.vector_load %arg7[%parallel_loop3A_129] {strides = array<i32>} : memref<4096xi32, #tpu.memory_space<vmem>>, vector<16xi32>,
          %parallel_loop3A_131 = arith.constant 0 : i32
          %parallel_loop3A_132 = vector.broadcast %parallel_loop3A_131 : i32 to vector<16xi32>
          %parallel_loop3A_133 = tpu.vector_load_idx %arg5[%parallel_loop3A_132, %parallel_loop3A_130] : memref<8x8192xf32, #tpu.memory_space<vmem>>[vector<16xi32>, vector<16xi32>], vector<16xf32>,
          %parallel_loop3A_134 = arith.constant 16 : i32
          %parallel_loop3A_135 = arith.muli %parallel_loop3A_124, %parallel_loop3A_134 : i32
          %parallel_loop3A_136 = arith.constant 0 : i32
          %parallel_loop3A_137 = arith.index_cast %parallel_loop3A_136 : i32 to index
          %parallel_loop3A_138 = arith.index_cast %parallel_loop3A_135 : i32 to index
          %parallel_loop3A_139 = tpu.vector_load %arg9[%parallel_loop3A_137, %parallel_loop3A_138] {strides = array<i32>} : memref<8x1024xf32, #tpu.memory_space<vmem>>, vector<16xf32>,
          tpu.vector_store %arg9[%parallel_loop3A_137, %parallel_loop3A_138], %parallel_loop3A_133 {strides = array<i32>} : memref<8x1024xf32, #tpu.memory_space<vmem>>, vector<16xf32>,
          %parallel_loop3A_140 = arith.constant 1 : i32
          %parallel_loop3A_141 = vector.broadcast %parallel_loop3A_140 : i32 to vector<16xi32>
          %parallel_loop3A_142 = tpu.vector_load_idx %arg5[%parallel_loop3A_141, %parallel_loop3A_130] : memref<8x8192xf32, #tpu.memory_space<vmem>>[vector<16xi32>, vector<16xi32>], vector<16xf32>,
          %parallel_loop3A_143 = arith.constant 16 : i32
          %parallel_loop3A_144 = arith.muli %parallel_loop3A_124, %parallel_loop3A_143 : i32
          %parallel_loop3A_145 = arith.constant 1 : i32
          %parallel_loop3A_146 = arith.index_cast %parallel_loop3A_145 : i32 to index
          %parallel_loop3A_147 = arith.index_cast %parallel_loop3A_144 : i32 to index
          %parallel_loop3A_148 = tpu.vector_load %arg9[%parallel_loop3A_146, %parallel_loop3A_147] {strides = array<i32>} : memref<8x1024xf32, #tpu.memory_space<vmem>>, vector<16xf32>,
          tpu.vector_store %arg9[%parallel_loop3A_146, %parallel_loop3A_147], %parallel_loop3A_142 {strides = array<i32>} : memref<8x1024xf32, #tpu.memory_space<vmem>>, vector<16xf32>,
          %parallel_loop3A_149 = arith.constant 2 : i32
          %parallel_loop3A_150 = vector.broadcast %parallel_loop3A_149 : i32 to vector<16xi32>
          %parallel_loop3A_151 = tpu.vector_load_idx %arg5[%parallel_loop3A_150, %parallel_loop3A_130] : memref<8x8192xf32, #tpu.memory_space<vmem>>[vector<16xi32>, vector<16xi32>], vector<16xf32>,
          %parallel_loop3A_152 = arith.constant 16 : i32
          %parallel_loop3A_153 = arith.muli %parallel_loop3A_124, %parallel_loop3A_152 : i32
          %parallel_loop3A_154 = arith.constant 2 : i32
          %parallel_loop3A_155 = arith.index_cast %parallel_loop3A_154 : i32 to index
          %parallel_loop3A_156 = arith.index_cast %parallel_loop3A_153 : i32 to index
          %parallel_loop3A_157 = tpu.vector_load %arg9[%parallel_loop3A_155, %parallel_loop3A_156] {strides = array<i32>} : memref<8x1024xf32, #tpu.memory_space<vmem>>, vector<16xf32>,
          tpu.vector_store %arg9[%parallel_loop3A_155, %parallel_loop3A_156], %parallel_loop3A_151 {strides = array<i32>} : memref<8x1024xf32, #tpu.memory_space<vmem>>, vector<16xf32>,
          %parallel_loop3A_158 = arith.constant 3 : i32
          %parallel_loop3A_159 = vector.broadcast %parallel_loop3A_158 : i32 to vector<16xi32>
          %parallel_loop3A_160 = tpu.vector_load_idx %arg5[%parallel_loop3A_159, %parallel_loop3A_130] : memref<8x8192xf32, #tpu.memory_space<vmem>>[vector<16xi32>, vector<16xi32>], vector<16xf32>,
          %parallel_loop3A_161 = arith.constant 16 : i32
          %parallel_loop3A_162 = arith.muli %parallel_loop3A_124, %parallel_loop3A_161 : i32
          %parallel_loop3A_163 = arith.constant 3 : i32
          %parallel_loop3A_164 = arith.index_cast %parallel_loop3A_163 : i32 to index
          %parallel_loop3A_165 = arith.index_cast %parallel_loop3A_162 : i32 to index
          %parallel_loop3A_166 = tpu.vector_load %arg9[%parallel_loop3A_164, %parallel_loop3A_165] {strides = array<i32>} : memref<8x1024xf32, #tpu.memory_space<vmem>>, vector<16xf32>,
          tpu.vector_store %arg9[%parallel_loop3A_164, %parallel_loop3A_165], %parallel_loop3A_160 {strides = array<i32>} : memref<8x1024xf32, #tpu.memory_space<vmem>>, vector<16xf32>,
          %parallel_loop3A_167 = arith.constant 4 : i32
          %parallel_loop3A_168 = vector.broadcast %parallel_loop3A_167 : i32 to vector<16xi32>
          %parallel_loop3A_169 = tpu.vector_load_idx %arg5[%parallel_loop3A_168, %parallel_loop3A_130] : memref<8x8192xf32, #tpu.memory_space<vmem>>[vector<16xi32>, vector<16xi32>], vector<16xf32>,
          %parallel_loop3A_170 = arith.constant 16 : i32
          %parallel_loop3A_171 = arith.muli %parallel_loop3A_124, %parallel_loop3A_170 : i32
          %parallel_loop3A_172 = arith.constant 4 : i32
          %parallel_loop3A_173 = arith.index_cast %parallel_loop3A_172 : i32 to index
          %parallel_loop3A_174 = arith.index_cast %parallel_loop3A_171 : i32 to index
          %parallel_loop3A_175 = tpu.vector_load %arg9[%parallel_loop3A_173, %parallel_loop3A_174] {strides = array<i32>} : memref<8x1024xf32, #tpu.memory_space<vmem>>, vector<16xf32>,
          tpu.vector_store %arg9[%parallel_loop3A_173, %parallel_loop3A_174], %parallel_loop3A_169 {strides = array<i32>} : memref<8x1024xf32, #tpu.memory_space<vmem>>, vector<16xf32>,
          %parallel_loop3A_176 = arith.constant 5 : i32
          %parallel_loop3A_177 = vector.broadcast %parallel_loop3A_176 : i32 to vector<16xi32>
          %parallel_loop3A_178 = tpu.vector_load_idx %arg5[%parallel_loop3A_177, %parallel_loop3A_130] : memref<8x8192xf32, #tpu.memory_space<vmem>>[vector<16xi32>, vector<16xi32>], vector<16xf32>,
          %parallel_loop3A_179 = arith.constant 16 : i32
          %parallel_loop3A_180 = arith.muli %parallel_loop3A_124, %parallel_loop3A_179 : i32
          %parallel_loop3A_181 = arith.constant 5 : i32
          %parallel_loop3A_182 = arith.index_cast %parallel_loop3A_181 : i32 to index
          %parallel_loop3A_183 = arith.index_cast %parallel_loop3A_180 : i32 to index
          %parallel_loop3A_184 = tpu.vector_load %arg9[%parallel_loop3A_182, %parallel_loop3A_183] {strides = array<i32>} : memref<8x1024xf32, #tpu.memory_space<vmem>>, vector<16xf32>,
          tpu.vector_store %arg9[%parallel_loop3A_182, %parallel_loop3A_183], %parallel_loop3A_178 {strides = array<i32>} : memref<8x1024xf32, #tpu.memory_space<vmem>>, vector<16xf32>,
          %parallel_loop3A_185 = arith.constant 6 : i32
          %parallel_loop3A_186 = vector.broadcast %parallel_loop3A_185 : i32 to vector<16xi32>
          %parallel_loop3A_187 = tpu.vector_load_idx %arg5[%parallel_loop3A_186, %parallel_loop3A_130] : memref<8x8192xf32, #tpu.memory_space<vmem>>[vector<16xi32>, vector<16xi32>], vector<16xf32>,
          %parallel_loop3A_188 = arith.constant 16 : i32
          %parallel_loop3A_189 = arith.muli %parallel_loop3A_124, %parallel_loop3A_188 : i32
          %parallel_loop3A_190 = arith.constant 6 : i32
          %parallel_loop3A_191 = arith.index_cast %parallel_loop3A_190 : i32 to index
          %parallel_loop3A_192 = arith.index_cast %parallel_loop3A_189 : i32 to index
          %parallel_loop3A_193 = tpu.vector_load %arg9[%parallel_loop3A_191, %parallel_loop3A_192] {strides = array<i32>} : memref<8x1024xf32, #tpu.memory_space<vmem>>, vector<16xf32>,
          tpu.vector_store %arg9[%parallel_loop3A_191, %parallel_loop3A_192], %parallel_loop3A_187 {strides = array<i32>} : memref<8x1024xf32, #tpu.memory_space<vmem>>, vector<16xf32>,
          %parallel_loop3A_194 = arith.constant 7 : i32
          %parallel_loop3A_195 = vector.broadcast %parallel_loop3A_194 : i32 to vector<16xi32>
          %parallel_loop3A_196 = tpu.vector_load_idx %arg5[%parallel_loop3A_195, %parallel_loop3A_130] : memref<8x8192xf32, #tpu.memory_space<vmem>>[vector<16xi32>, vector<16xi32>], vector<16xf32>,
          %parallel_loop3A_197 = arith.constant 16 : i32
          %parallel_loop3A_198 = arith.muli %parallel_loop3A_124, %parallel_loop3A_197 : i32
          %parallel_loop3A_199 = arith.constant 7 : i32
          %parallel_loop3A_200 = arith.index_cast %parallel_loop3A_199 : i32 to index
          %parallel_loop3A_201 = arith.index_cast %parallel_loop3A_198 : i32 to index
          %parallel_loop3A_202 = tpu.vector_load %arg9[%parallel_loop3A_200, %parallel_loop3A_201] {strides = array<i32>} : memref<8x1024xf32, #tpu.memory_space<vmem>>, vector<16xf32>,
          tpu.vector_store %arg9[%parallel_loop3A_200, %parallel_loop3A_201], %parallel_loop3A_196 {strides = array<i32>} : memref<8x1024xf32, #tpu.memory_space<vmem>>, vector<16xf32>,
        } {sc.loop_unroll_factor = 4 : i64, sc.parallel_access}
        %add3A_86 = arith.constant 1024 : i32
        %add3A_87 = arith.addi %mul3A_22, %add3A_86 : i32
        %dma_start3A_88 = tpu.memref_slice %arg4[%scan3A_45, %mul3A_20, %add3A_87] : memref<200x64x16384xf32, #tpu.memory_space<hbm>> -> memref<1x8x1024xf32, #tpu.memory_space<hbm>>
        %dma_start3A_89 = tpu.memref_squeeze %dma_start3A_88 : memref<1x8x1024xf32, #tpu.memory_space<hbm>> -> memref<8x1024xf32, #tpu.memory_space<hbm>>
        %dma_start3A_90 = tpu.memref_slice %arg4[%scan3A_45, %mul3A_20, %add3A_87] : memref<200x64x16384xf32, #tpu.memory_space<hbm>> -> memref<1x8x1024xf32, #tpu.memory_space<hbm>>
        %dma_start3A_91 = tpu.memref_squeeze %dma_start3A_90 : memref<1x8x1024xf32, #tpu.memory_space<hbm>> -> memref<8x1024xf32, #tpu.memory_space<hbm>>
        tpu.enqueue_dma source(%arg9 : memref<8x1024xf32, #tpu.memory_space<vmem>>) target(%dma_start3A_91 : memref<8x1024xf32, #tpu.memory_space<hbm>>) target_semaphore(%arg13 : memref<!tpu.dma_semaphore, #tpu.memory_space<semaphore_mem>>)
        %add3A_92 = arith.constant 2048 : i32
        %add3A_93 = arith.addi %mul3A_22, %add3A_92 : i32
        %dma_wait3A_94 = arith.constant 0 : i32
        %dma_wait3A_95 = tpu.memref_slice %arg4[%dma_wait3A_94, %mul3A_20, %add3A_93] : memref<200x64x16384xf32, #tpu.memory_space<hbm>> -> memref<1x8x1024xf32, #tpu.memory_space<hbm>>
        %dma_wait3A_96 = tpu.memref_squeeze %dma_wait3A_95 : memref<1x8x1024xf32, #tpu.memory_space<hbm>> -> memref<8x1024xf32, #tpu.memory_space<hbm>>
        %dma_wait3A_97 = tpu.memref_slice %arg4[%dma_wait3A_94, %mul3A_20, %add3A_93] : memref<200x64x16384xf32, #tpu.memory_space<hbm>> -> memref<1x8x1024xf32, #tpu.memory_space<hbm>>
        %dma_wait3A_98 = tpu.memref_squeeze %dma_wait3A_97 : memref<1x8x1024xf32, #tpu.memory_space<hbm>> -> memref<8x1024xf32, #tpu.memory_space<hbm>>
        tpu.wait_dma2 semaphore(%arg12 : memref<!tpu.dma_semaphore, #tpu.memory_space<semaphore_mem>>) src(%arg8 : memref<8x1024xf32, #tpu.memory_space<vmem>>) dst(%dma_wait3A_98 : memref<8x1024xf32, #tpu.memory_space<hbm>>)
        %parallel_loop3A_99 = arith.constant 0 : i32
        %parallel_loop3A_100 = arith.constant 64 : i32
        %parallel_loop3A_101 = arith.constant 1 : i32
        scf.for %parallel_loop3A_124 = %parallel_loop3A_99 to %parallel_loop3A_100 step %parallel_loop3A_101  : i32 {
          %parallel_loop3A_125 = arith.constant 16 : i32
          %parallel_loop3A_126 = arith.muli %parallel_loop3A_124, %parallel_loop3A_125 : i32
          %parallel_loop3A_127 = arith.constant 2048 : i32
          %parallel_loop3A_128 = arith.addi %parallel_loop3A_127, %parallel_loop3A_126 : i32
          %parallel_loop3A_129 = arith.index_cast %parallel_loop3A_128 : i32 to index
          %parallel_loop3A_130 = tpu.vector_load %arg7[%parallel_loop3A_129] {strides = array<i32>} : memref<4096xi32, #tpu.memory_space<vmem>>, vector<16xi32>,
          %parallel_loop3A_131 = arith.constant 0 : i32
          %parallel_loop3A_132 = vector.broadcast %parallel_loop3A_131 : i32 to vector<16xi32>
          %parallel_loop3A_133 = tpu.vector_load_idx %arg5[%parallel_loop3A_132, %parallel_loop3A_130] : memref<8x8192xf32, #tpu.memory_space<vmem>>[vector<16xi32>, vector<16xi32>], vector<16xf32>,
          %parallel_loop3A_134 = arith.constant 16 : i32
          %parallel_loop3A_135 = arith.muli %parallel_loop3A_124, %parallel_loop3A_134 : i32
          %parallel_loop3A_136 = arith.constant 0 : i32
          %parallel_loop3A_137 = arith.index_cast %parallel_loop3A_136 : i32 to index
          %parallel_loop3A_138 = arith.index_cast %parallel_loop3A_135 : i32 to index
          %parallel_loop3A_139 = tpu.vector_load %arg8[%parallel_loop3A_137, %parallel_loop3A_138] {strides = array<i32>} : memref<8x1024xf32, #tpu.memory_space<vmem>>, vector<16xf32>,
          tpu.vector_store %arg8[%parallel_loop3A_137, %parallel_loop3A_138], %parallel_loop3A_133 {strides = array<i32>} : memref<8x1024xf32, #tpu.memory_space<vmem>>, vector<16xf32>,
          %parallel_loop3A_140 = arith.constant 1 : i32
          %parallel_loop3A_141 = vector.broadcast %parallel_loop3A_140 : i32 to vector<16xi32>
          %parallel_loop3A_142 = tpu.vector_load_idx %arg5[%parallel_loop3A_141, %parallel_loop3A_130] : memref<8x8192xf32, #tpu.memory_space<vmem>>[vector<16xi32>, vector<16xi32>], vector<16xf32>,
          %parallel_loop3A_143 = arith.constant 16 : i32
          %parallel_loop3A_144 = arith.muli %parallel_loop3A_124, %parallel_loop3A_143 : i32
          %parallel_loop3A_145 = arith.constant 1 : i32
          %parallel_loop3A_146 = arith.index_cast %parallel_loop3A_145 : i32 to index
          %parallel_loop3A_147 = arith.index_cast %parallel_loop3A_144 : i32 to index
          %parallel_loop3A_148 = tpu.vector_load %arg8[%parallel_loop3A_146, %parallel_loop3A_147] {strides = array<i32>} : memref<8x1024xf32, #tpu.memory_space<vmem>>, vector<16xf32>,
          tpu.vector_store %arg8[%parallel_loop3A_146, %parallel_loop3A_147], %parallel_loop3A_142 {strides = array<i32>} : memref<8x1024xf32, #tpu.memory_space<vmem>>, vector<16xf32>,
          %parallel_loop3A_149 = arith.constant 2 : i32
          %parallel_loop3A_150 = vector.broadcast %parallel_loop3A_149 : i32 to vector<16xi32>
          %parallel_loop3A_151 = tpu.vector_load_idx %arg5[%parallel_loop3A_150, %parallel_loop3A_130] : memref<8x8192xf32, #tpu.memory_space<vmem>>[vector<16xi32>, vector<16xi32>], vector<16xf32>,
          %parallel_loop3A_152 = arith.constant 16 : i32
          %parallel_loop3A_153 = arith.muli %parallel_loop3A_124, %parallel_loop3A_152 : i32
          %parallel_loop3A_154 = arith.constant 2 : i32
          %parallel_loop3A_155 = arith.index_cast %parallel_loop3A_154 : i32 to index
          %parallel_loop3A_156 = arith.index_cast %parallel_loop3A_153 : i32 to index
          %parallel_loop3A_157 = tpu.vector_load %arg8[%parallel_loop3A_155, %parallel_loop3A_156] {strides = array<i32>} : memref<8x1024xf32, #tpu.memory_space<vmem>>, vector<16xf32>,
          tpu.vector_store %arg8[%parallel_loop3A_155, %parallel_loop3A_156], %parallel_loop3A_151 {strides = array<i32>} : memref<8x1024xf32, #tpu.memory_space<vmem>>, vector<16xf32>,
          %parallel_loop3A_158 = arith.constant 3 : i32
          %parallel_loop3A_159 = vector.broadcast %parallel_loop3A_158 : i32 to vector<16xi32>
          %parallel_loop3A_160 = tpu.vector_load_idx %arg5[%parallel_loop3A_159, %parallel_loop3A_130] : memref<8x8192xf32, #tpu.memory_space<vmem>>[vector<16xi32>, vector<16xi32>], vector<16xf32>,
          %parallel_loop3A_161 = arith.constant 16 : i32
          %parallel_loop3A_162 = arith.muli %parallel_loop3A_124, %parallel_loop3A_161 : i32
          %parallel_loop3A_163 = arith.constant 3 : i32
          %parallel_loop3A_164 = arith.index_cast %parallel_loop3A_163 : i32 to index
          %parallel_loop3A_165 = arith.index_cast %parallel_loop3A_162 : i32 to index
          %parallel_loop3A_166 = tpu.vector_load %arg8[%parallel_loop3A_164, %parallel_loop3A_165] {strides = array<i32>} : memref<8x1024xf32, #tpu.memory_space<vmem>>, vector<16xf32>,
          tpu.vector_store %arg8[%parallel_loop3A_164, %parallel_loop3A_165], %parallel_loop3A_160 {strides = array<i32>} : memref<8x1024xf32, #tpu.memory_space<vmem>>, vector<16xf32>,
          %parallel_loop3A_167 = arith.constant 4 : i32
          %parallel_loop3A_168 = vector.broadcast %parallel_loop3A_167 : i32 to vector<16xi32>
          %parallel_loop3A_169 = tpu.vector_load_idx %arg5[%parallel_loop3A_168, %parallel_loop3A_130] : memref<8x8192xf32, #tpu.memory_space<vmem>>[vector<16xi32>, vector<16xi32>], vector<16xf32>,
          %parallel_loop3A_170 = arith.constant 16 : i32
          %parallel_loop3A_171 = arith.muli %parallel_loop3A_124, %parallel_loop3A_170 : i32
          %parallel_loop3A_172 = arith.constant 4 : i32
          %parallel_loop3A_173 = arith.index_cast %parallel_loop3A_172 : i32 to index
          %parallel_loop3A_174 = arith.index_cast %parallel_loop3A_171 : i32 to index
          %parallel_loop3A_175 = tpu.vector_load %arg8[%parallel_loop3A_173, %parallel_loop3A_174] {strides = array<i32>} : memref<8x1024xf32, #tpu.memory_space<vmem>>, vector<16xf32>,
          tpu.vector_store %arg8[%parallel_loop3A_173, %parallel_loop3A_174], %parallel_loop3A_169 {strides = array<i32>} : memref<8x1024xf32, #tpu.memory_space<vmem>>, vector<16xf32>,
          %parallel_loop3A_176 = arith.constant 5 : i32
          %parallel_loop3A_177 = vector.broadcast %parallel_loop3A_176 : i32 to vector<16xi32>
          %parallel_loop3A_178 = tpu.vector_load_idx %arg5[%parallel_loop3A_177, %parallel_loop3A_130] : memref<8x8192xf32, #tpu.memory_space<vmem>>[vector<16xi32>, vector<16xi32>], vector<16xf32>,
          %parallel_loop3A_179 = arith.constant 16 : i32
          %parallel_loop3A_180 = arith.muli %parallel_loop3A_124, %parallel_loop3A_179 : i32
          %parallel_loop3A_181 = arith.constant 5 : i32
          %parallel_loop3A_182 = arith.index_cast %parallel_loop3A_181 : i32 to index
          %parallel_loop3A_183 = arith.index_cast %parallel_loop3A_180 : i32 to index
          %parallel_loop3A_184 = tpu.vector_load %arg8[%parallel_loop3A_182, %parallel_loop3A_183] {strides = array<i32>} : memref<8x1024xf32, #tpu.memory_space<vmem>>, vector<16xf32>,
          tpu.vector_store %arg8[%parallel_loop3A_182, %parallel_loop3A_183], %parallel_loop3A_178 {strides = array<i32>} : memref<8x1024xf32, #tpu.memory_space<vmem>>, vector<16xf32>,
          %parallel_loop3A_185 = arith.constant 6 : i32
          %parallel_loop3A_186 = vector.broadcast %parallel_loop3A_185 : i32 to vector<16xi32>
          %parallel_loop3A_187 = tpu.vector_load_idx %arg5[%parallel_loop3A_186, %parallel_loop3A_130] : memref<8x8192xf32, #tpu.memory_space<vmem>>[vector<16xi32>, vector<16xi32>], vector<16xf32>,
          %parallel_loop3A_188 = arith.constant 16 : i32
          %parallel_loop3A_189 = arith.muli %parallel_loop3A_124, %parallel_loop3A_188 : i32
          %parallel_loop3A_190 = arith.constant 6 : i32
          %parallel_loop3A_191 = arith.index_cast %parallel_loop3A_190 : i32 to index
          %parallel_loop3A_192 = arith.index_cast %parallel_loop3A_189 : i32 to index
          %parallel_loop3A_193 = tpu.vector_load %arg8[%parallel_loop3A_191, %parallel_loop3A_192] {strides = array<i32>} : memref<8x1024xf32, #tpu.memory_space<vmem>>, vector<16xf32>,
          tpu.vector_store %arg8[%parallel_loop3A_191, %parallel_loop3A_192], %parallel_loop3A_187 {strides = array<i32>} : memref<8x1024xf32, #tpu.memory_space<vmem>>, vector<16xf32>,
          %parallel_loop3A_194 = arith.constant 7 : i32
          %parallel_loop3A_195 = vector.broadcast %parallel_loop3A_194 : i32 to vector<16xi32>
          %parallel_loop3A_196 = tpu.vector_load_idx %arg5[%parallel_loop3A_195, %parallel_loop3A_130] : memref<8x8192xf32, #tpu.memory_space<vmem>>[vector<16xi32>, vector<16xi32>], vector<16xf32>,
          %parallel_loop3A_197 = arith.constant 16 : i32
          %parallel_loop3A_198 = arith.muli %parallel_loop3A_124, %parallel_loop3A_197 : i32
          %parallel_loop3A_199 = arith.constant 7 : i32
          %parallel_loop3A_200 = arith.index_cast %parallel_loop3A_199 : i32 to index
          %parallel_loop3A_201 = arith.index_cast %parallel_loop3A_198 : i32 to index
          %parallel_loop3A_202 = tpu.vector_load %arg8[%parallel_loop3A_200, %parallel_loop3A_201] {strides = array<i32>} : memref<8x1024xf32, #tpu.memory_space<vmem>>, vector<16xf32>,
          tpu.vector_store %arg8[%parallel_loop3A_200, %parallel_loop3A_201], %parallel_loop3A_196 {strides = array<i32>} : memref<8x1024xf32, #tpu.memory_space<vmem>>, vector<16xf32>,
        } {sc.loop_unroll_factor = 4 : i64, sc.parallel_access}
        %add3A_102 = arith.constant 2048 : i32
        %add3A_103 = arith.addi %mul3A_22, %add3A_102 : i32
        %dma_start3A_104 = tpu.memref_slice %arg4[%scan3A_45, %mul3A_20, %add3A_103] : memref<200x64x16384xf32, #tpu.memory_space<hbm>> -> memref<1x8x1024xf32, #tpu.memory_space<hbm>>
        %dma_start3A_105 = tpu.memref_squeeze %dma_start3A_104 : memref<1x8x1024xf32, #tpu.memory_space<hbm>> -> memref<8x1024xf32, #tpu.memory_space<hbm>>
        %dma_start3A_106 = tpu.memref_slice %arg4[%scan3A_45, %mul3A_20, %add3A_103] : memref<200x64x16384xf32, #tpu.memory_space<hbm>> -> memref<1x8x1024xf32, #tpu.memory_space<hbm>>
        %dma_start3A_107 = tpu.memref_squeeze %dma_start3A_106 : memref<1x8x1024xf32, #tpu.memory_space<hbm>> -> memref<8x1024xf32, #tpu.memory_space<hbm>>
        tpu.enqueue_dma source(%arg8 : memref<8x1024xf32, #tpu.memory_space<vmem>>) target(%dma_start3A_107 : memref<8x1024xf32, #tpu.memory_space<hbm>>) target_semaphore(%arg12 : memref<!tpu.dma_semaphore, #tpu.memory_space<semaphore_mem>>)
        %add3A_108 = arith.constant 3072 : i32
        %add3A_109 = arith.addi %mul3A_22, %add3A_108 : i32
        %dma_wait3A_110 = arith.constant 0 : i32
        %dma_wait3A_111 = tpu.memref_slice %arg4[%dma_wait3A_110, %mul3A_20, %add3A_109] : memref<200x64x16384xf32, #tpu.memory_space<hbm>> -> memref<1x8x1024xf32, #tpu.memory_space<hbm>>
        %dma_wait3A_112 = tpu.memref_squeeze %dma_wait3A_111 : memref<1x8x1024xf32, #tpu.memory_space<hbm>> -> memref<8x1024xf32, #tpu.memory_space<hbm>>
        %dma_wait3A_113 = tpu.memref_slice %arg4[%dma_wait3A_110, %mul3A_20, %add3A_109] : memref<200x64x16384xf32, #tpu.memory_space<hbm>> -> memref<1x8x1024xf32, #tpu.memory_space<hbm>>
        %dma_wait3A_114 = tpu.memref_squeeze %dma_wait3A_113 : memref<1x8x1024xf32, #tpu.memory_space<hbm>> -> memref<8x1024xf32, #tpu.memory_space<hbm>>
        tpu.wait_dma2 semaphore(%arg13 : memref<!tpu.dma_semaphore, #tpu.memory_space<semaphore_mem>>) src(%arg9 : memref<8x1024xf32, #tpu.memory_space<vmem>>) dst(%dma_wait3A_114 : memref<8x1024xf32, #tpu.memory_space<hbm>>)
        %parallel_loop3A_115 = arith.constant 0 : i32
        %parallel_loop3A_116 = arith.constant 64 : i32
        %parallel_loop3A_117 = arith.constant 1 : i32
        scf.for %parallel_loop3A_124 = %parallel_loop3A_115 to %parallel_loop3A_116 step %parallel_loop3A_117  : i32 {
          %parallel_loop3A_125 = arith.constant 16 : i32
          %parallel_loop3A_126 = arith.muli %parallel_loop3A_124, %parallel_loop3A_125 : i32
          %parallel_loop3A_127 = arith.constant 3072 : i32
          %parallel_loop3A_128 = arith.addi %parallel_loop3A_127, %parallel_loop3A_126 : i32
          %parallel_loop3A_129 = arith.index_cast %parallel_loop3A_128 : i32 to index
          %parallel_loop3A_130 = tpu.vector_load %arg7[%parallel_loop3A_129] {strides = array<i32>} : memref<4096xi32, #tpu.memory_space<vmem>>, vector<16xi32>,
          %parallel_loop3A_131 = arith.constant 0 : i32
          %parallel_loop3A_132 = vector.broadcast %parallel_loop3A_131 : i32 to vector<16xi32>
          %parallel_loop3A_133 = tpu.vector_load_idx %arg5[%parallel_loop3A_132, %parallel_loop3A_130] : memref<8x8192xf32, #tpu.memory_space<vmem>>[vector<16xi32>, vector<16xi32>], vector<16xf32>,
          %parallel_loop3A_134 = arith.constant 16 : i32
          %parallel_loop3A_135 = arith.muli %parallel_loop3A_124, %parallel_loop3A_134 : i32
          %parallel_loop3A_136 = arith.constant 0 : i32
          %parallel_loop3A_137 = arith.index_cast %parallel_loop3A_136 : i32 to index
          %parallel_loop3A_138 = arith.index_cast %parallel_loop3A_135 : i32 to index
          %parallel_loop3A_139 = tpu.vector_load %arg9[%parallel_loop3A_137, %parallel_loop3A_138] {strides = array<i32>} : memref<8x1024xf32, #tpu.memory_space<vmem>>, vector<16xf32>,
          tpu.vector_store %arg9[%parallel_loop3A_137, %parallel_loop3A_138], %parallel_loop3A_133 {strides = array<i32>} : memref<8x1024xf32, #tpu.memory_space<vmem>>, vector<16xf32>,
          %parallel_loop3A_140 = arith.constant 1 : i32
          %parallel_loop3A_141 = vector.broadcast %parallel_loop3A_140 : i32 to vector<16xi32>
          %parallel_loop3A_142 = tpu.vector_load_idx %arg5[%parallel_loop3A_141, %parallel_loop3A_130] : memref<8x8192xf32, #tpu.memory_space<vmem>>[vector<16xi32>, vector<16xi32>], vector<16xf32>,
          %parallel_loop3A_143 = arith.constant 16 : i32
          %parallel_loop3A_144 = arith.muli %parallel_loop3A_124, %parallel_loop3A_143 : i32
          %parallel_loop3A_145 = arith.constant 1 : i32
          %parallel_loop3A_146 = arith.index_cast %parallel_loop3A_145 : i32 to index
          %parallel_loop3A_147 = arith.index_cast %parallel_loop3A_144 : i32 to index
          %parallel_loop3A_148 = tpu.vector_load %arg9[%parallel_loop3A_146, %parallel_loop3A_147] {strides = array<i32>} : memref<8x1024xf32, #tpu.memory_space<vmem>>, vector<16xf32>,
          tpu.vector_store %arg9[%parallel_loop3A_146, %parallel_loop3A_147], %parallel_loop3A_142 {strides = array<i32>} : memref<8x1024xf32, #tpu.memory_space<vmem>>, vector<16xf32>,
          %parallel_loop3A_149 = arith.constant 2 : i32
          %parallel_loop3A_150 = vector.broadcast %parallel_loop3A_149 : i32 to vector<16xi32>
          %parallel_loop3A_151 = tpu.vector_load_idx %arg5[%parallel_loop3A_150, %parallel_loop3A_130] : memref<8x8192xf32, #tpu.memory_space<vmem>>[vector<16xi32>, vector<16xi32>], vector<16xf32>,
          %parallel_loop3A_152 = arith.constant 16 : i32
          %parallel_loop3A_153 = arith.muli %parallel_loop3A_124, %parallel_loop3A_152 : i32
          %parallel_loop3A_154 = arith.constant 2 : i32
          %parallel_loop3A_155 = arith.index_cast %parallel_loop3A_154 : i32 to index
          %parallel_loop3A_156 = arith.index_cast %parallel_loop3A_153 : i32 to index
          %parallel_loop3A_157 = tpu.vector_load %arg9[%parallel_loop3A_155, %parallel_loop3A_156] {strides = array<i32>} : memref<8x1024xf32, #tpu.memory_space<vmem>>, vector<16xf32>,
          tpu.vector_store %arg9[%parallel_loop3A_155, %parallel_loop3A_156], %parallel_loop3A_151 {strides = array<i32>} : memref<8x1024xf32, #tpu.memory_space<vmem>>, vector<16xf32>,
          %parallel_loop3A_158 = arith.constant 3 : i32
          %parallel_loop3A_159 = vector.broadcast %parallel_loop3A_158 : i32 to vector<16xi32>
          %parallel_loop3A_160 = tpu.vector_load_idx %arg5[%parallel_loop3A_159, %parallel_loop3A_130] : memref<8x8192xf32, #tpu.memory_space<vmem>>[vector<16xi32>, vector<16xi32>], vector<16xf32>,
          %parallel_loop3A_161 = arith.constant 16 : i32
          %parallel_loop3A_162 = arith.muli %parallel_loop3A_124, %parallel_loop3A_161 : i32
          %parallel_loop3A_163 = arith.constant 3 : i32
          %parallel_loop3A_164 = arith.index_cast %parallel_loop3A_163 : i32 to index
          %parallel_loop3A_165 = arith.index_cast %parallel_loop3A_162 : i32 to index
          %parallel_loop3A_166 = tpu.vector_load %arg9[%parallel_loop3A_164, %parallel_loop3A_165] {strides = array<i32>} : memref<8x1024xf32, #tpu.memory_space<vmem>>, vector<16xf32>,
          tpu.vector_store %arg9[%parallel_loop3A_164, %parallel_loop3A_165], %parallel_loop3A_160 {strides = array<i32>} : memref<8x1024xf32, #tpu.memory_space<vmem>>, vector<16xf32>,
          %parallel_loop3A_167 = arith.constant 4 : i32
          %parallel_loop3A_168 = vector.broadcast %parallel_loop3A_167 : i32 to vector<16xi32>
          %parallel_loop3A_169 = tpu.vector_load_idx %arg5[%parallel_loop3A_168, %parallel_loop3A_130] : memref<8x8192xf32, #tpu.memory_space<vmem>>[vector<16xi32>, vector<16xi32>], vector<16xf32>,
          %parallel_loop3A_170 = arith.constant 16 : i32
          %parallel_loop3A_171 = arith.muli %parallel_loop3A_124, %parallel_loop3A_170 : i32
          %parallel_loop3A_172 = arith.constant 4 : i32
          %parallel_loop3A_173 = arith.index_cast %parallel_loop3A_172 : i32 to index
          %parallel_loop3A_174 = arith.index_cast %parallel_loop3A_171 : i32 to index
          %parallel_loop3A_175 = tpu.vector_load %arg9[%parallel_loop3A_173, %parallel_loop3A_174] {strides = array<i32>} : memref<8x1024xf32, #tpu.memory_space<vmem>>, vector<16xf32>,
          tpu.vector_store %arg9[%parallel_loop3A_173, %parallel_loop3A_174], %parallel_loop3A_169 {strides = array<i32>} : memref<8x1024xf32, #tpu.memory_space<vmem>>, vector<16xf32>,
          %parallel_loop3A_176 = arith.constant 5 : i32
          %parallel_loop3A_177 = vector.broadcast %parallel_loop3A_176 : i32 to vector<16xi32>
          %parallel_loop3A_178 = tpu.vector_load_idx %arg5[%parallel_loop3A_177, %parallel_loop3A_130] : memref<8x8192xf32, #tpu.memory_space<vmem>>[vector<16xi32>, vector<16xi32>], vector<16xf32>,
          %parallel_loop3A_179 = arith.constant 16 : i32
          %parallel_loop3A_180 = arith.muli %parallel_loop3A_124, %parallel_loop3A_179 : i32
          %parallel_loop3A_181 = arith.constant 5 : i32
          %parallel_loop3A_182 = arith.index_cast %parallel_loop3A_181 : i32 to index
          %parallel_loop3A_183 = arith.index_cast %parallel_loop3A_180 : i32 to index
          %parallel_loop3A_184 = tpu.vector_load %arg9[%parallel_loop3A_182, %parallel_loop3A_183] {strides = array<i32>} : memref<8x1024xf32, #tpu.memory_space<vmem>>, vector<16xf32>,
          tpu.vector_store %arg9[%parallel_loop3A_182, %parallel_loop3A_183], %parallel_loop3A_178 {strides = array<i32>} : memref<8x1024xf32, #tpu.memory_space<vmem>>, vector<16xf32>,
          %parallel_loop3A_185 = arith.constant 6 : i32
          %parallel_loop3A_186 = vector.broadcast %parallel_loop3A_185 : i32 to vector<16xi32>
          %parallel_loop3A_187 = tpu.vector_load_idx %arg5[%parallel_loop3A_186, %parallel_loop3A_130] : memref<8x8192xf32, #tpu.memory_space<vmem>>[vector<16xi32>, vector<16xi32>], vector<16xf32>,
          %parallel_loop3A_188 = arith.constant 16 : i32
          %parallel_loop3A_189 = arith.muli %parallel_loop3A_124, %parallel_loop3A_188 : i32
          %parallel_loop3A_190 = arith.constant 6 : i32
          %parallel_loop3A_191 = arith.index_cast %parallel_loop3A_190 : i32 to index
          %parallel_loop3A_192 = arith.index_cast %parallel_loop3A_189 : i32 to index
          %parallel_loop3A_193 = tpu.vector_load %arg9[%parallel_loop3A_191, %parallel_loop3A_192] {strides = array<i32>} : memref<8x1024xf32, #tpu.memory_space<vmem>>, vector<16xf32>,
          tpu.vector_store %arg9[%parallel_loop3A_191, %parallel_loop3A_192], %parallel_loop3A_187 {strides = array<i32>} : memref<8x1024xf32, #tpu.memory_space<vmem>>, vector<16xf32>,
          %parallel_loop3A_194 = arith.constant 7 : i32
          %parallel_loop3A_195 = vector.broadcast %parallel_loop3A_194 : i32 to vector<16xi32>
          %parallel_loop3A_196 = tpu.vector_load_idx %arg5[%parallel_loop3A_195, %parallel_loop3A_130] : memref<8x8192xf32, #tpu.memory_space<vmem>>[vector<16xi32>, vector<16xi32>], vector<16xf32>,
          %parallel_loop3A_197 = arith.constant 16 : i32
          %parallel_loop3A_198 = arith.muli %parallel_loop3A_124, %parallel_loop3A_197 : i32
          %parallel_loop3A_199 = arith.constant 7 : i32
          %parallel_loop3A_200 = arith.index_cast %parallel_loop3A_199 : i32 to index
          %parallel_loop3A_201 = arith.index_cast %parallel_loop3A_198 : i32 to index
          %parallel_loop3A_202 = tpu.vector_load %arg9[%parallel_loop3A_200, %parallel_loop3A_201] {strides = array<i32>} : memref<8x1024xf32, #tpu.memory_space<vmem>>, vector<16xf32>,
          tpu.vector_store %arg9[%parallel_loop3A_200, %parallel_loop3A_201], %parallel_loop3A_196 {strides = array<i32>} : memref<8x1024xf32, #tpu.memory_space<vmem>>, vector<16xf32>,
        } {sc.loop_unroll_factor = 4 : i64, sc.parallel_access}
        %add3A_118 = arith.constant 3072 : i32
        %add3A_119 = arith.addi %mul3A_22, %add3A_118 : i32
        %dma_start3A_120 = tpu.memref_slice %arg4[%scan3A_45, %mul3A_20, %add3A_119] : memref<200x64x16384xf32, #tpu.memory_space<hbm>> -> memref<1x8x1024xf32, #tpu.memory_space<hbm>>
        %dma_start3A_121 = tpu.memref_squeeze %dma_start3A_120 : memref<1x8x1024xf32, #tpu.memory_space<hbm>> -> memref<8x1024xf32, #tpu.memory_space<hbm>>
        %dma_start3A_122 = tpu.memref_slice %arg4[%scan3A_45, %mul3A_20, %add3A_119] : memref<200x64x16384xf32, #tpu.memory_space<hbm>> -> memref<1x8x1024xf32, #tpu.memory_space<hbm>>
        %dma_start3A_123 = tpu.memref_squeeze %dma_start3A_122 : memref<1x8x1024xf32, #tpu.memory_space<hbm>> -> memref<8x1024xf32, #tpu.memory_space<hbm>>
        tpu.enqueue_dma source(%arg9 : memref<8x1024xf32, #tpu.memory_space<vmem>>) target(%dma_start3A_123 : memref<8x1024xf32, #tpu.memory_space<hbm>>) target_semaphore(%arg13 : memref<!tpu.dma_semaphore, #tpu.memory_space<semaphore_mem>>)
      } else {
      }
    }
    %scan3A_31 = arith.constant 200 : i32
    %add3A_32 = arith.constant 0 : i32
    %add3A_33 = arith.addi %mul3A_22, %add3A_32 : i32
    %dma_wait3A = arith.constant 0 : i32
    %dma_wait3A_34 = tpu.memref_slice %arg4[%dma_wait3A, %mul3A_20, %add3A_33] : memref<200x64x16384xf32, #tpu.memory_space<hbm>> -> memref<1x8x1024xf32, #tpu.memory_space<hbm>>
    %dma_wait3A_35 = tpu.memref_squeeze %dma_wait3A_34 : memref<1x8x1024xf32, #tpu.memory_space<hbm>> -> memref<8x1024xf32, #tpu.memory_space<hbm>>
    %dma_wait3A_36 = tpu.memref_slice %arg4[%dma_wait3A, %mul3A_20, %add3A_33] : memref<200x64x16384xf32, #tpu.memory_space<hbm>> -> memref<1x8x1024xf32, #tpu.memory_space<hbm>>
    %dma_wait3A_37 = tpu.memref_squeeze %dma_wait3A_36 : memref<1x8x1024xf32, #tpu.memory_space<hbm>> -> memref<8x1024xf32, #tpu.memory_space<hbm>>
    tpu.wait_dma2 semaphore(%arg12 : memref<!tpu.dma_semaphore, #tpu.memory_space<semaphore_mem>>) src(%arg8 : memref<8x1024xf32, #tpu.memory_space<vmem>>) dst(%dma_wait3A_37 : memref<8x1024xf32, #tpu.memory_space<hbm>>)
    %add3A_38 = arith.constant 1024 : i32
    %add3A_39 = arith.addi %mul3A_22, %add3A_38 : i32
    %dma_wait3A_40 = arith.constant 0 : i32
    %dma_wait3A_41 = tpu.memref_slice %arg4[%dma_wait3A_40, %mul3A_20, %add3A_39] : memref<200x64x16384xf32, #tpu.memory_space<hbm>> -> memref<1x8x1024xf32, #tpu.memory_space<hbm>>
    %dma_wait3A_42 = tpu.memref_squeeze %dma_wait3A_41 : memref<1x8x1024xf32, #tpu.memory_space<hbm>> -> memref<8x1024xf32, #tpu.memory_space<hbm>>
    %dma_wait3A_43 = tpu.memref_slice %arg4[%dma_wait3A_40, %mul3A_20, %add3A_39] : memref<200x64x16384xf32, #tpu.memory_space<hbm>> -> memref<1x8x1024xf32, #tpu.memory_space<hbm>>
    %dma_wait3A_44 = tpu.memref_squeeze %dma_wait3A_43 : memref<1x8x1024xf32, #tpu.memory_space<hbm>> -> memref<8x1024xf32, #tpu.memory_space<hbm>>
    tpu.wait_dma2 semaphore(%arg13 : memref<!tpu.dma_semaphore, #tpu.memory_space<semaphore_mem>>) src(%arg9 : memref<8x1024xf32, #tpu.memory_space<vmem>>) dst(%dma_wait3A_44 : memref<8x1024xf32, #tpu.memory_space<hbm>>)
    return
  }
}

</mosaic_0001>

<sc_bundles>
// kernel: kernel.3.cloned.1.call-start
scs
__scs_entry_jumppad:
0x0: {  	(pc) =	sbr.rel $0x88, $3  }
0x1: {  	(tag) =	ssettag $0x0;
	lr =	simm.s32 $0x1  }
0x2: {  	[smem:$0x3F9F] =	sst lr;
	_ =	strace $0xD0000000  }
0x3: {  	_ = 	snop  }
0x4: {  	_ = 	snop  }
0x5: {  	_ = 	snop  }
0x6: {  	_ = 	snop  }
0x7: {  	_ = 	snop  }
__scs_overlays_trampoline_lowered:
0x8: {  	[smem:$0x3FAE] =	sst s0  }
0x9: {  	[smem:$0x3FAF] =	sst s1  }
0xa: {  	[smem:$0x3FB0] =	sst s2  }
0xb: {  	[smem:$0x3FB1] =	sst s3  }
0xc: {  	[smem:$0x3FB2] =	sst s4  }
0xd: {  	[smem:$0x3FB3] =	sst s5  }
0xe: {  	[smem:$0x3FB4] =	sst s6  }
0xf: {  	[smem:$0x3FB5] =	sst s7  }
0x10: {  	[smem:$0x3FB6] =	sst s8  }
0x11: {  	[smem:$0x3FB7] =	sst s9;
	s0 =	simm.s32 @!p0 $0x0  }
0x12: {  	s1 =	sld [smem:$0x3F9D];
	s0 =	simm.s32 @p0 $0x1  }
0x13: {  	[smem:$0x3FB8] =	sst s0;
	s0 =	simm.s32 @!p1 $0x0  }
0x14: {  	s2 =	sld [smem:$0x3F9C];
	s0 =	simm.s32 @p1 $0x1  }
0x15: {  	[smem:$0x3FB9] =	sst s0;
	s0 =	simm.s32 @!p2 $0x0  }
0x16: {  	s3 =	sld [smem:$0x3FDB];
	s0 =	simm.s32 @p2 $0x1  }
0x17: {  	s4 =	simm.s32 $0x1BF5;
	[smem:$0x3FBB] =	sst s0  }
0x18: {  	s0 =	sld [smem:$0x3F9E];
	_ =	swait.ge [sflag:s4], $0x0  }
0x19: {  	s7 =	sld [smem:$0x3F9F]  }
0x1a: {  	s8 =	sadd.s32 $0xFFFFE003, lr  }
0x1b: {  	s9 =	sadd.s32 $0xFFFFFEF7, lr;
	s5 =	simm.s32 $0xFFFFFFFF;
	p2 =	slt.u32 s8, $0xFFFFF086  }
0x1c: {  	p1 =	slt.u32 s9, $0xF7A;
	s5 =	simm.s32 @!p2 $0x0  }
0x1d: {  	s5 =	simm.s32 @p1 $0x1;
	p0 =	seq.s32 s7, s2  }
0x1e: {  	s7 =	smul.u32 @!p0 $0xF7A, s2;
	p2 =	seq.s32 @!p0 s5, $0x0  }
0x1f: {  	s9 =	smul.u32 $0xF7A, s1;
	s8 =	simm.s32 @!p0 $0x1BF5;
	p2 =	por !p2, p0  }
0x20: {  	[sflag:s8] =	ssyncset.s32 @!p0 $0xFFFFF086;
	s6 =	sadd.s32 @!p0 s3, s7;
	s7 =	simm.s32 @!p0 $0x108  }
0x21: {  	s3 =	sadd.s32 s3, s9;
	s6 =	sadd.s32 @!p0 $0x88, s6;
	s7 =	simm.s32 @p2 $0x1082  }
0x22: {  	[simem:s7], [sflag:s8] =	dma.local @!p0 [hbm:s6], $0xF7A  }
0x23: {  	s9 =	sor.u32 $0xD0000000, s2;
	s6 =	simm.s32 $0x108;
	_ =	swait.ge @!p0 [sflag:s8], $0x0  }
0x24: {  	s3 =	sadd.s32 $0x88, s3;
	s6 =	simm.s32 @!p1 $0x1082;
	[sflag:s4] =	ssyncset.s32 $0xFFFFF086  }
0x25: {  	[simem:s6], [sflag:s4] =	dma.local [hbm:s3], $0xF7A  }
0x26: {  	[smem:$0x3F9F] =	sst s1;
	(tag) =	ssettag s2;
	_ =	strace s9  }
0x27: {  	s1 =	sld [smem:$0x3FAF]  }
0x28: {  	s2 =	sld [smem:$0x3FB0]  }
0x29: {  	s4 =	sld [smem:$0x3FB2]  }
0x2a: {  	p0 =	seq.s32 s5, $0x0;
	s5 =	sld [smem:$0x3FB3]  }
0x2b: {  	s6 =	sld [smem:$0x3FB4]  }
0x2c: {  	s7 =	sld [smem:$0x3FB5]  }
0x2d: {  	s3 =	simm.s32 $0x108;
	s8 =	sld [smem:$0x3FB6]  }
0x2e: {  	s3 =	simm.s32 @!p0 $0x1082;
	s9 =	sld [smem:$0x3FB7]  }
0x2f: {  	lr =	sadd.s32 s0, s3;
	s0 =	sld [smem:$0x3FAE]  }
0x30: {  	s3 =	sld [smem:$0x3FB1]  }
0x31: {  	[smem:$0x3FBA] =	sst s10  }
0x32: {  	s10 =	sld [smem:$0x3FB8];
	_ =	sdelay $0x3  }
0x33: {  	p0 =	seq.s32 s10, $0x1;
	s10 =	sld [smem:$0x3FBA];
	_ =	sdelay $0x3  }
0x34: {  	[smem:$0x3FBA] =	sst s10  }
0x35: {  	s10 =	sld [smem:$0x3FB9];
	_ =	sdelay $0x3  }
0x36: {  	p1 =	seq.s32 s10, $0x1;
	s10 =	sld [smem:$0x3FBA];
	_ =	sdelay $0x3  }
0x37: {  	[smem:$0x3FBA] =	sst s10  }
0x38: {  	s10 =	sld [smem:$0x3FBB]  }
0x39: {  	_ = 	snop;
	(pc) =	sbr.ind lr, $3  }
0x3a: {  	_ = 	snop  }
0x3b: {  	_ = 	snop  }
0x3c: {  	p2 =	seq.s32 s10, $0x1;
	s10 =	sld [smem:$0x3FBA]  }
0x3d: {  	_ =	shalt  }
0x3e: {  	_ =	shalt  }
0x3f: {  	_ =	shalt  }
0x40: {  	_ =	shalt  }
0x41: {  	_ =	shalt  }
0x42: {  	_ =	shalt  }
0x43: {  	_ =	shalt  }
0x44: {  	_ =	shalt  }
0x45: {  	_ =	shalt  }
0x46: {  	_ =	shalt  }
0x47: {  	_ =	shalt  }
0x48: {  	_ =	shalt  }
0x49: {  	_ =	shalt  }
0x4a: {  	_ =	shalt  }
0x4b: {  	_ =	shalt  }
0x4c: {  	_ =	shalt  }
0x4d: {  	_ =	shalt  }
0x4e: {  	_ =	shalt  }
0x4f: {  	_ =	shalt  }
0x50: {  	_ =	shalt  }
0x51: {  	_ =	shalt  }
0x52: {  	_ =	shalt  }
0x53: {  	_ =	shalt  }
0x54: {  	_ =	shalt  }
0x55: {  	_ =	shalt  }
0x56: {  	_ =	shalt  }
0x57: {  	_ =	shalt  }
0x58: {  	_ =	shalt  }
0x59: {  	_ =	shalt  }
0x5a: {  	_ =	shalt  }
0x5b: {  	_ =	shalt  }
0x5c: {  	_ =	shalt  }
0x5d: {  	_ =	shalt  }
0x5e: {  	_ =	shalt  }
0x5f: {  	_ =	shalt  }
0x60: {  	_ =	shalt  }
0x61: {  	_ =	shalt  }
0x62: {  	_ =	shalt  }
0x63: {  	_ =	shalt  }
0x64: {  	_ =	shalt  }
0x65: {  	_ =	shalt  }
0x66: {  	_ =	shalt  }
0x67: {  	_ =	shalt  }
0x68: {  	_ =	shalt  }
0x69: {  	_ =	shalt  }
0x6a: {  	_ =	shalt  }
0x6b: {  	_ =	shalt  }
0x6c: {  	_ =	shalt  }
0x6d: {  	_ =	shalt  }
0x6e: {  	_ =	shalt  }
0x6f: {  	_ =	shalt  }
0x70: {  	_ =	shalt  }
0x71: {  	_ =	shalt  }
0x72: {  	_ =	shalt  }
0x73: {  	_ =	shalt  }
0x74: {  	_ =	shalt  }
0x75: {  	_ =	shalt  }
0x76: {  	_ =	shalt  }
0x77: {  	_ =	shalt  }
0x78: {  	_ =	shalt  }
0x79: {  	_ =	shalt  }
0x7a: {  	_ =	shalt  }
0x7b: {  	_ =	shalt  }
0x7c: {  	_ =	shalt  }
0x7d: {  	_ =	shalt  }
0x7e: {  	_ =	shalt  }
0x7f: {  	_ =	shalt  }
0x80: {  	_ =	shalt  }
0x81: {  	_ =	shalt  }
0x82: {  	_ =	shalt  }
0x83: {  	_ =	shalt  }
0x84: {  	_ =	shalt  }
0x85: {  	_ =	shalt  }
0x86: {  	_ =	shalt  }
0x87: {  	_ =	shalt  }
.Lfunc_end0:
.L_simem_size_0:
called_computation_lowered:
.L_overlay_start_0:
0x88: {  	s2 =	sld [smem:$0x3FD9]  }
0x89: {  	s3 =	sld [smem:$0x3FFE];
	_ =	sdelay $0x1  }
0x8a: {  	s1 =	srdreg.scid  }
0x8b: {  	s0 =	sand.u32 $0x1, s1  }
0x8c: {  	s18 =	sshll.u32 s0, $0xA;
	s2 =	sadd.s32 s3, s2  }
0x8d: {  	s2 =	sadd.s32 s2, s18  }
0x8e: {  	[smem:$0x3FC6] =	sst s2  }
0x8f: {  	_ = 	snop  }
0x90: {  	s2 =	sld [smem:$0x3FC9]  }
0x91: {  	s19 =	sld [smem:$0x3FC8]  }
0x92: {  	s4 =	sld [smem:$0x3FD0];
	(tm) =	ssettm $0x1  }
0x93: {  	s5 =	sld [smem:$0x3FFB];
	_ =	sdelay $0x3  }
0x94: {  	_ =	strace s5  }
0x95: {  	s5 =	sld [smem:$0x3FFC];
	_ =	sdelay $0x3  }
0x96: {  	_ =	strace s5  }
0x97: {  	s5 =	sld [smem:$0x3FFD];
	_ =	sdelay $0x3  }
0x98: {  	_ =	strace s5  }
0x99: {  	_ =	strace $0x8FFFFFFF  }
0x9a: {  	s20 =	sld [smem:$0x3FDB];
	_ =	sdelay $0x1  }
0x9b: {  	s6 =	simm.s32 $_scs_section_size  }
0x9c: {  	s7 =	simm.s32 $_size__tile_overlayer_lowered;
	s8 =	simm.s32 $_tile_overlayer_lowered  }
0x9d: {  	s23 =	simm.s32 $0x1BFF;
	s22 =	sshll.u32 s8, $0x1;
	s5 =	sadd.s32 s6, s20  }
0x9e: {  	s9 =	simm.s32 $0x0;
	s21 =	sshll.u32 s7, $0x1;
	s7 =	sadd.s32 s22, s5  }
0x9f: {  	[timem:s9], [sflag:s23] =	dma.local [hbm:s7], s21  }
0xa0: {  	_ =	swait.ge [sflag:s23], s21  }
0xa1: {  	s6 =	ssub.s32 $0x0, s21;
	[sflag:s23] =	ssyncset.done $0x0  }
0xa2: {  	[sflag:s23] =	ssyncadd.s32 s6;
	_ =	sdelay $0x1  }
0xa3: {  	s24 =	simm.s32 $0x1B8B  }
0xa4: {  	_ =	swait.ge [sflag:s24], $0x1  }
0xa5: {  	[sflag:s24] =	ssyncset.done $0x0  }
0xa6: {  	s25 =	simm.s32 $0x1B8E;
	[sflag:s24] =	ssyncadd.s32 $0xFFFFFFFF  }
0xa7: {  	s26 =	simm.s32 $execute0_lowered;
	[smem:$0x3FD2] =	sst s25  }
0xa8: {  	s6 =	sshll.u32 s26, $0x1;
	_ =	strace $0x80000046;
	[dreg:$0x1] =	wrdreg $0xFFFFFFFF  }
0xa9: {  	s28 =	simm.s32 $_size_execute0_lowered;
	s5 =	sadd.s32 s5, s6;
	[dreg:$0x0] =	wrdreg $0x0  }
0xaa: {  	s6 =	sshll.u32 s28, $0x1;
	[dreg:$0x2] =	wrdreg s5  }
0xab: {  	[dreg:$0x3] =	wrdreg s6  }
0xac: {  	[dreg:$0x4] =	wrdreg $0xC0  }
0xad: {  	_ =	task [dreg:s9], $0x5FFFF  }
0xae: {  	[dreg:$0x1] =	wrdreg $0xFFFFFFFF  }
0xaf: {  	[dreg:$0x0] =	wrdreg $0x60  }
0xb0: {  	[dreg:$0x2] =	wrdreg s19  }
0xb1: {  	[dreg:$0x3] =	wrdreg s2  }
0xb2: {  	[dreg:$0x4] =	wrdreg s4  }
0xb3: {  	[dreg:$0x5] =	wrdreg $0x9  }
0xb4: {  	_ =	task.clear_ibuf [dreg:s9], $0x6FFFF;
	_ =	strace $0x90000046  }
0xb5: {  	s29 =	simm.s32 $0x9;
	_ =	strace $0x80000048  }
0xb6: {  	_ =	swait.ge [sflag:s29], $0x1  }
0xb7: {  	[sflag:s29] =	ssyncadd.s32 $0xFFFFFFFF  }
0xb8: {  	_ =	strace $0x90000048  }
0xb9: {  	_ =	sfence  }
0xba: {  	s30 =	sld [smem:$0x0];
	_ =	sdelay $0x2  }
0xbb: {  	s31 =	sshll.u32 s1, $0xD;
	s1 =	sshrl.u32 s1, $0x2  }
0xbc: {  	s3 =	sand.u32 $0x4000, s31;
	s1 =	sadd.s32 s1, s30  }
0xbd: {  	s0 =	sor.u32 s3, s0;
	s1 =	sshll.u32 s1, $0x11  }
0xbe: {  	s0 =	sor.u32 s1, s0  }
0xbf: {  	s0 =	sadd.s32 $0x8F2B, s0  }
0xc0: {  	[sflag:s0] =	ssyncadd.remote.s32 $0x1  }
0xc1: {  	_ =	sfence.sel $0xFFFF  }
0xc2: {  	[dreg:$0x0] =	wrdreg $0xFFFFFFFF;
	(pc) =	sbr.abs _section_cstart, $3  }
0xc3: {  	[dreg:$0x1] =	wrdreg $0xFFFFFFFF  }
0xc4: {  	_ =	task.clear_ibuf [dreg:s9], $0x2FFFF;
	_ =	strace $0x9FFFFFFF  }
0xc5: {  	(tm) =	ssettm $0x7FFFFFFF  }
tec
execute0_lowered:
.L_overlay_start_1:
0x0: {  	(tag) =	ssettag $0x1  }
0x1: {  	s0 =	rddreg [dreg:$0x0]  }
0x2: {  	s1 =	rddreg [dreg:$0x1]  }
0x3: {  	s9 =	rddreg [dreg:$0x2]  }
0x4: {  	s3 =	simm.s32 $0x0;
	s2 =	srdreg.scid;
	s6 =	stileid.u32  }
0x5: {  	s16 =	simm.s32 $0x3;
	s19 =	simm.s32 $0x4;
	[smem:$0x7FF] =	sst s3  }
0x6: {  	s2 =	sand.u32 $0x1, s2;
	s4 =	sshll.u32 s6, $0x9;
	s6 =	sand.u32 $0x7, s6  }
0x7: {  	_ =	strace $0x80000047;
	s5 =	sshll.u32 s2, $0xD;
	s4 =	sand.u32 $0x1000, s4  }
0x8: {  	s2 =	ssub.s32 $0x2, s2;
	s7 =	sshll.u32 s6, $0xD;
	s29 =	sshll.u32 s6, $0x11  }
0x9: {  	s4 =	sor.u32 s5, s4;
	s0 =	sadd.s32 s0, s7;
	[dreg:$0x7] =	wrdreg s29  }
.Ltmp0:
0xa: {  	s8 =	sadd.s32 s1, s4;
	[dreg:$0x5] =	wrdreg s0;
	(pc) =	sbr.rel .LBB2_1-.Ltmp0, $4  }
0xb: {  	s25 =	sshrl.u32 s2, $0x1;
	s30 =	sadd.s32 s9, s4;
	[dreg:$0x4] =	wrdreg s8  }
0xc: {  	s26 =	ssub.s32 s2, s25;
	s28 =	sadd.s32 $0x10, s8;
	[dreg:$0x8] =	wrdreg s30  }
0xd: {  	s20 =	simm.s32 $0x14000;
	s31 =	smax.u32 s26, $0x1;
	[dreg:$0x6] =	wrdreg s28  }
0xe: {  	s18 =	smov.u32 s4;
	s1 =	simm.s32 $0x0;
	[dreg:$0x9] =	wrdreg s31  }
.LBB2_22:
0xf: {  	_ =	swait.ge [sflag:s16], $0x2000  }
0x10: {  	[sflag:s16] =	ssyncset.done $0x0  }
0x11: {  	[sflag:s16] =	ssyncadd.s32 $0xFFFFE000  }
0x12: {  	_ =	swait.ge [sflag:s19], $0x2000  }
0x13: {  	s1 =	rddreg [dreg:$0xa]  }
0x14: {  	s0 =	rddreg [dreg:$0x9];
	s1 =	sadd.s32 $0x1, s1  }
0x15: {  	p0 =	sne.s32 s1, s0  }
.Ltmp1:
0x16: {  	_ = 	snop;
	(pc) =	sbr.rel @!p0 .LBB2_23-.Ltmp1, $3  }
0x17: {  	_ =	sdelay $0x1  }
0x18: {  	[sflag:s19] =	ssyncset.done $0x0  }
0x19: {  	[sflag:s19] =	ssyncadd.s32 $0xFFFFE000  }
.LBB2_1:
0x1a: {  	s0 =	rddreg [dreg:$0x5]  }
0x1b: {  	[tilespmem:s3], [sflag:$0x5] =	stream.linear.gather [hbm4b:s0+s3], $0x10000, $0x38;
	[tilespmem:$0x16000] =	vst v63  }
.Ltmp2:
0x1c: {  	[dreg:$0xa] =	wrdreg s1;
	s29 =	simm.s32 $0x5;
	(pc) =	sbr.rel .LBB2_2-.Ltmp2, $4  }
0x1d: {  	s31 =	simm.s32 $0x80;
	_ =	swait.ge [sflag:s29], $0x10000  }
0x1e: {  	s2 =	simm.s32 $0x400;
	s4 =	simm.s32 $0x10000;
	[sflag:s29] =	ssyncset.done $0x0  }
0x1f: {  	s23 =	simm.s32 $0x0;
	s30 =	rddreg [dreg:$0x4];
	[sflag:s29] =	ssyncadd.s32 $0xFFFF0000  }
0x20: {  	[tilespmem:s4], [sflag:$0x1] =	stream.strided.gather [hbm4b:s30+s31], $0x1000, s2, s31, $0x38;
	[tilespmem:$0x16000] =	vst v63  }
.LBB2_11:
0x21: {  	_ = 	snop  }
0x22: {  	s2 =	sand.u32 $0x40, s26;
	s4 =	sand.u32 $0x1C00, s28;
	v19 =	vor.u32 $0x80, v4  }
0x23: {  	v20 =	vor.u32 $0x80, v5;
	s2 =	sor.u32 s2, s4  }
0x24: {  	[tilespmem:s2+$0x14000] =	vst v16  }
0x25: {  	[tilespmem:s2+$0x14010] =	vst v9;
	v16 =	vld.idx.msk [tilespmem:v17+s3+$0x0], $0xffff  }
0x26: {  	v61 =	vor.u32 $0x100, v7;
	[tilespmem:s2+$0x14020] =	vst v10;
	v9 =	vld.idx.msk [tilespmem:v18+s3+$0x0], $0xffff  }
0x27: {  	v63 =	vor.u32 $0x100, v6;
	[tilespmem:s2+$0x14030] =	vst v11;
	v62 =	vld.idx.msk [tilespmem:v19+s3+$0x0], $0xffff  }
0x28: {  	v25 =	vor.u32 $0x100, v4;
	v24 =	vld.idx.msk [tilespmem:v20+s3+$0x0], $0xffff  }
0x29: {  	v26 =	vor.u32 $0x100, v5  }
0x2a: {  	[tilespmem:s2+$0x14080] =	vst v16  }
0x2b: {  	[tilespmem:s2+$0x14090] =	vst v9;
	v10 =	vld.idx.msk [tilespmem:v61+s3+$0x0], $0xffff  }
0x2c: {  	v27 =	vor.u32 $0x180, v7;
	v9 =	vld.idx.msk [tilespmem:v63+s3+$0x0], $0xffff;
	[tilespmem:s2+$0x140A0] =	vst v62  }
0x2d: {  	v29 =	vor.u32 $0x180, v6;
	[tilespmem:s2+$0x140B0] =	vst v24;
	v28 =	vld.idx.msk [tilespmem:v25+s3+$0x0], $0xffff  }
0x2e: {  	v31 =	vor.u32 $0x180, v4;
	[tilespmem:s5+$0x14000] =	vst v13;
	v30 =	vld.idx.msk [tilespmem:v26+s3+$0x0], $0xffff  }
0x2f: {  	v32 =	vor.u32 $0x180, v5;
	[tilespmem:s7+$0x14000] =	vst v12  }
0x30: {  	[tilespmem:s2+$0x14100] =	vst v10  }
0x31: {  	v33 =	vor.u32 $0x300, v2;
	[tilespmem:s2+$0x14110] =	vst v9;
	v11 =	vld.idx.msk [tilespmem:v27+s3+$0x0], $0xffff  }
0x32: {  	v34 =	vor.u32 $0x200, v7;
	v9 =	vld.idx.msk [tilespmem:v29+s3+$0x0], $0xffff;
	[tilespmem:s2+$0x14120] =	vst v28  }
0x33: {  	s15 =	sor.u32 $0x280, s21;
	v36 =	vor.u32 $0x200, v6;
	[tilespmem:s2+$0x14130] =	vst v30;
	v35 =	vld.idx.msk [tilespmem:v31+s3+$0x0], $0xffff  }
0x34: {  	v37 =	vor.u32 $0x200, v4;
	[tilespmem:s15+$0x14000] =	vst v14;
	v13 =	vld.idx.msk [tilespmem:v32+s3+$0x0], $0xffff  }
0x35: {  	v38 =	vor.u32 $0x200, v5;
	[tilespmem:s12+$0x14000] =	vst v8;
	v15 =	vld.idx.msk [tilespmem:v15+s3+$0x0], $0xffff  }
0x36: {  	v45 =	vor.u32 $0x300, v1;
	v10 =	vld.idx.msk [tilespmem:v33+s3+$0x0], $0xffff;
	[tilespmem:s2+$0x14180] =	vst v11  }
0x37: {  	v3 =	vor.u32 $0x380, v3;
	p0 =	por !p0, !p0;
	s4 =	simm.s32 $0x1;
	[tilespmem:s2+$0x14190] =	vst v9;
	v16 =	vld.idx.msk [tilespmem:v34+s3+$0x0], $0xffff  }
0x38: {  	v40 =	vor.u32 $0x280, v7;
	s4 =	simm.s32 @!p0 $0x0;
	v9 =	vld.idx.msk [tilespmem:v36+s3+$0x0], $0xffff;
	[tilespmem:s2+$0x141A0] =	vst v35  }
0x39: {  	s17 =	sor.u32 $0x300, s21;
	v41 =	vor.u32 $0x280, v6;
	s4 =	sshll.u32 s4, $0x6;
	[tilespmem:s2+$0x141B0] =	vst v13;
	v12 =	vld.idx.msk [tilespmem:v37+s3+$0x0], $0xffff  }
0x3a: {  	v43 =	vor.u32 $0x280, v4;
	s4 =	sadd.s32 s4, s28;
	[tilespmem:s17+$0x14000] =	vst v15;
	v42 =	vld.idx.msk [tilespmem:v38+s3+$0x0], $0xffff  }
0x3b: {  	v44 =	vor.u32 $0x280, v5;
	s21 =	sor.u32 $0x200, s4;
	v53 =	vld.idx.msk [tilespmem:v45+s3+$0x0], $0xffff;
	[tilespmem:s22+$0x14000] =	vst v10;
	s2 =	sadd.s32 $0x10, s4  }
0x3c: {  	v56 =	vor.u32 $0x380, v1;
	s5 =	sadd.s32 $0x20, s4;
	v3 =	vld.idx.msk [tilespmem:v3+s3+$0x0], $0xffff;
	s22 =	sor.u32 $0x200, s2;
	[tilespmem:s21+$0x14000] =	vst v16  }
0x3d: {  	v39 =	vor.u32 $0x300, v0;
	s10 =	sadd.s32 $0x30, s4;
	s8 =	sor.u32 $0x200, s5;
	[tilespmem:s22+$0x14000] =	vst v9;
	v14 =	vld.idx.msk [tilespmem:v40+s3+$0x0], $0xffff  }
0x3e: {  	v47 =	vor.u32 $0x300, v7;
	s31 =	sor.u32 $0x200, s10;
	v48 =	vld.idx.msk [tilespmem:v41+s3+$0x0], $0xffff;
	[tilespmem:s8+$0x14000] =	vst v12  }
0x3f: {  	s0 =	sor.u32 s0, s25;
	v50 =	vor.u32 $0x300, v6;
	[tilespmem:s31+$0x14000] =	vst v42;
	v49 =	vld.idx.msk [tilespmem:v43+s3+$0x0], $0xffff  }
0x40: {  	v52 =	vor.u32 $0x300, v4;
	s0 =	sor.u32 $0x380, s0;
	[tilespmem:s14+$0x14000] =	vst v53;
	v51 =	vld.idx.msk [tilespmem:v44+s3+$0x0], $0xffff  }
0x41: {  	v54 =	vor.u32 $0x300, v5;
	s11 =	sor.u32 $0x280, s4;
	v1 =	vld.idx.msk [tilespmem:v56+s3+$0x0], $0xffff;
	[tilespmem:s0+$0x14000] =	vst v3  }
0x42: {  	v46 =	vor.u32 $0x380, v2;
	v11 =	vld.idx.msk [tilespmem:v39+s3+$0x0], $0xffff;
	s12 =	sor.u32 $0x280, s2;
	[tilespmem:s11+$0x14000] =	vst v14  }
0x43: {  	v55 =	vor.u32 $0x380, v0;
	s13 =	sor.u32 $0x280, s5;
	[tilespmem:s12+$0x14000] =	vst v48;
	v9 =	vld.idx.msk [tilespmem:v47+s3+$0x0], $0xffff  }
0x44: {  	v57 =	vor.u32 $0x380, v7;
	s15 =	sor.u32 $0x280, s10;
	v8 =	vld.idx.msk [tilespmem:v50+s3+$0x0], $0xffff;
	[tilespmem:s13+$0x14000] =	vst v49  }
0x45: {  	v58 =	vor.u32 $0x380, v6;
	[tilespmem:s15+$0x14000] =	vst v51;
	v10 =	vld.idx.msk [tilespmem:v52+s3+$0x0], $0xffff  }
0x46: {  	v59 =	vor.u32 $0x380, v4;
	[tilespmem:s30+$0x14000] =	vst v1;
	v3 =	vld.idx.msk [tilespmem:v54+s3+$0x0], $0xffff  }
0x47: {  	v60 =	vor.u32 $0x380, v5;
	s17 =	sor.u32 $0x300, s4;
	v2 =	vld.idx.msk [tilespmem:v46+s3+$0x0], $0xffff;
	[tilespmem:s6+$0x14000] =	vst v11  }
0x48: {  	v0 =	vld.idx.msk [tilespmem:v55+s3+$0x0], $0xffff;
	s21 =	sor.u32 $0x300, s2;
	[tilespmem:s17+$0x14000] =	vst v9  }
0x49: {  	s22 =	sor.u32 $0x300, s5;
	[tilespmem:s21+$0x14000] =	vst v8;
	v61 =	vld.idx.msk [tilespmem:v57+s3+$0x0], $0xffff  }
0x4a: {  	s25 =	sor.u32 $0x300, s10;
	v6 =	vld.idx.msk [tilespmem:v58+s3+$0x0], $0xffff;
	[tilespmem:s22+$0x14000] =	vst v10  }
0x4b: {  	[tilespmem:s25+$0x14000] =	vst v3;
	v62 =	vld.idx.msk [tilespmem:v59+s3+$0x0], $0xffff  }
0x4c: {  	s28 =	sor.u32 s28, s26;
	[tilespmem:s1+$0x14000] =	vst v2;
	v63 =	vld.idx.msk [tilespmem:v60+s3+$0x0], $0xffff  }
0x4d: {  	s0 =	sor.u32 $0x380, s28;
	[tilespmem:s29+$0x14000] =	vst v0  }
0x4e: {  	s29 =	sor.u32 $0x380, s2;
	[tilespmem:s0+$0x14000] =	vst v61  }
0x4f: {  	s30 =	sor.u32 $0x380, s5;
	[tilespmem:s29+$0x14000] =	vst v6  }
0x50: {  	s31 =	sor.u32 $0x380, s10;
	[tilespmem:s30+$0x14000] =	vst v62  }
0x51: {  	[tilespmem:s31+$0x14000] =	vst v63  }
.LBB2_21:
0x52: {  	s23 =	sadd.s32 $0x1, s23  }
0x53: {  	p0 =	sne.s32 s23, $0xC8  }
.Ltmp3:
0x54: {  	_ = 	snop;
	(pc) =	sbr.rel @!p0 .LBB2_22-.Ltmp3, $4  }
0x55: {  	_ = 	snop  }
0x56: {  	s0 =	sadd.s32 s24, s9  }
0x57: {  	s0 =	sadd.s32 $0xC00, s0  }
0x58: {  	[hbm4b:s0+s3] =	stream.linear.scatter [tilespmem:s20], [sflag:$0x4], $0x2000, $0x38;
	[tilespmem:$0x16000] =	vst v63  }
.LBB2_2:
0x59: {  	s0 =	sand.u32 $0x1, s23  }
0x5a: {  	p0 =	seq.s32 s0, $0x1  }
.Ltmp4:
0x5b: {  	_ = 	snop;
	(pc) =	sbr.rel @!p0 .LBB2_3-.Ltmp4, $1  }
0x5c: {  	_ =	sdelay $0x3  }
0x5d: {  	p0 =	seq.s32 s23, $0xC7;
	s2 =	simm.s32 $0x2  }
0x5e: {  	s0 =	sadd.s32 @!p0 $0x1, s23;
	_ =	swait.ge [sflag:s2], $0x1000  }
0x5f: {  	s4 =	simm.s32 @!p0 $0x10000;
	s1 =	sshll.u32 @!p0 s0, $0x4;
	s0 =	sshll.u32 @!p0 s0, $0xB  }
0x60: {  	[sflag:s2] =	ssyncset.done $0x0;
	s1 =	sand.u32 @!p0 $0x60, s1;
	s0 =	sand.u32 @!p0 $0xFC000, s0  }
0x61: {  	[sflag:s2] =	ssyncadd.s32 $0xFFFFF000;
	s0 =	sor.u32 @!p0 s1, s0;
	s1 =	rddreg [dreg:$0x4]  }
0x62: {  	s2 =	simm.s32 @!p0 $0x400;
	s0 =	sadd.s32 @!p0 s0, s1;
	s1 =	simm.s32 @!p0 $0x80  }
0x63: {  	[tilespmem:s4], [sflag:$0x1] =	stream.strided.gather @!p0 [hbm4b:s0+s1], $0x1000, s2, s1, $0x38;
	[tilespmem:$0x16000] =	vst v63  }
0x64: {  	s0 =	simm.s32 $0x0  }
0x65: {  	_ =	swait.ge [sflag:s16], $0x2000;
	s15 =	sand.u32 $0x40, s0;
	s17 =	sand.u32 $0x380, s0  }
0x66: {  	[sflag:s16] =	ssyncset.done $0x0;
	s2 =	sor.u32 $0x11000, s17;
	s21 =	sor.u32 $0x30, s15  }
0x67: {  	[sflag:s16] =	ssyncadd.s32 $0xFFFFE000;
	s5 =	sor.u32 s21, s2  }
0x68: {  	s6 =	simm.s32 $0x11000;
	v0 =	vld [tilespmem:s5+$0x0]  }
0x69: {  	s22 =	sor.u32 $0x10, s15;
	v1 =	vld [tilespmem:s6+$0x0]  }
0x6a: {  	s7 =	sor.u32 $0x20, s15;
	s24 =	sor.u32 s22, s2  }
0x6b: {  	s2 =	sor.u32 s7, s2;
	v2 =	vld [tilespmem:s24+$0x0]  }
0x6c: {  	v3 =	vld [tilespmem:s2+$0x0]  }
0x6d: {  	v4 =	vshll.u32 v0, $0x3  }
0x6e: {  	v5 =	vshll.u32 v1, $0x3;
	v0 =	vand.u32 $0x7F, v0;
	v4 =	vand.u32 $0xFFFFFC00, v4  }
0x6f: {  	v1 =	vand.u32 $0x7F, v1;
	v6 =	vand.u32 $0xFFFFFC00, v5;
	v5 =	vor.u32 v0, v4  }
0x70: {  	v0 =	vor.u32 v1, v6;
	v1 =	vshll.u32 v2, $0x3  }
0x71: {  	v4 =	vshll.u32 v3, $0x3;
	v2 =	vand.u32 $0x7F, v2;
	v1 =	vand.u32 $0xFFFFFC00, v1  }
0x72: {  	v6 =	vand.u32 $0xFFFFFC00, v4;
	v4 =	vor.u32 v2, v1;
	v1 =	vand.u32 $0x7F, v3  }
0x73: {  	v3 =	vor.u32 v1, v6  }
0x74: {  	v1 =	vld.idx.msk [tilespmem:v5+s3+$0x0], $0xffff  }
0x75: {  	v6 =	vor.u32 $0x80, v5;
	v2 =	vld.idx.msk [tilespmem:v0+s3+$0x0], $0xffff  }
0x76: {  	s25 =	sand.u32 $0x1C00, s0;
	v7 =	vor.u32 $0x80, v0  }
0x77: {  	s2 =	sor.u32 $0x12000, s25;
	v8 =	vld.idx.msk [tilespmem:v4+s3+$0x0], $0xffff  }
0x78: {  	s4 =	sor.u32 s21, s2;
	v9 =	vor.u32 $0x80, v4;
	v10 =	vld.idx.msk [tilespmem:v3+s3+$0x0], $0xffff  }
0x79: {  	s26 =	sor.u32 s15, s2;
	v11 =	vor.u32 $0x80, v3;
	[tilespmem:s4+$0x0] =	vst v1  }
0x7a: {  	[tilespmem:s26+$0x0] =	vst v2;
	v1 =	vld.idx.msk [tilespmem:v6+s3+$0x0], $0xffff  }
0x7b: {  	s6 =	sor.u32 s22, s2;
	v2 =	vld.idx.msk [tilespmem:v7+s3+$0x0], $0xffff;
	v6 =	vor.u32 $0x100, v5  }
0x7c: {  	s2 =	sor.u32 s7, s2;
	v7 =	vor.u32 $0x100, v0;
	[tilespmem:s6+$0x0] =	vst v8  }
0x7d: {  	v8 =	vld.idx.msk [tilespmem:v9+s3+$0x0], $0xffff;
	[tilespmem:s2+$0x0] =	vst v10  }
0x7e: {  	v9 =	vor.u32 $0x100, v4;
	v10 =	vld.idx.msk [tilespmem:v11+s3+$0x0], $0xffff  }
0x7f: {  	v11 =	vor.u32 $0x100, v3;
	[tilespmem:s4+$0x80] =	vst v1  }
0x80: {  	[tilespmem:s26+$0x80] =	vst v2;
	v1 =	vld.idx.msk [tilespmem:v6+s3+$0x0], $0xffff  }
0x81: {  	v2 =	vld.idx.msk [tilespmem:v7+s3+$0x0], $0xffff;
	v6 =	vor.u32 $0x180, v5  }
0x82: {  	v7 =	vor.u32 $0x180, v0;
	[tilespmem:s6+$0x80] =	vst v8  }
0x83: {  	v8 =	vld.idx.msk [tilespmem:v9+s3+$0x0], $0xffff;
	[tilespmem:s2+$0x80] =	vst v10  }
0x84: {  	s11 =	simm.s32 $0x11040;
	s24 =	simm.s32 $0x40;
	v9 =	vor.u32 $0x180, v4;
	v10 =	vld.idx.msk [tilespmem:v11+s3+$0x0], $0xffff  }
0x85: {  	s1 =	sand.u32 $0x40, s24;
	s12 =	sand.u32 $0x380, s24;
	v11 =	vld [tilespmem:s11+$0x0];
	[tilespmem:s4+$0x100] =	vst v1  }
0x86: {  	s7 =	sor.u32 $0x11000, s12;
	s11 =	sor.u32 $0x30, s1;
	[tilespmem:s26+$0x100] =	vst v2;
	v1 =	vld.idx.msk [tilespmem:v6+s3+$0x0], $0xffff  }
0x87: {  	s8 =	sor.u32 s11, s7;
	v2 =	vor.u32 $0x180, v3;
	v6 =	vld.idx.msk [tilespmem:v7+s3+$0x0], $0xffff  }
0x88: {  	s10 =	sor.u32 $0x10, s1;
	v7 =	vor.u32 $0x200, v5;
	[tilespmem:s6+$0x100] =	vst v8;
	v8 =	vld [tilespmem:s8+$0x0]  }
0x89: {  	s12 =	sor.u32 $0x20, s1;
	s13 =	sor.u32 s10, s7;
	v9 =	vld.idx.msk [tilespmem:v9+s3+$0x0], $0xffff  }
0x8a: {  	v13 =	vld [tilespmem:s13+$0x0];
	v12 =	vor.u32 $0x200, v4;
	s7 =	sor.u32 s12, s7;
	v14 =	vshll.u32 v11, $0x3  }
0x8b: {  	v15 =	vld [tilespmem:s7+$0x0];
	[tilespmem:s2+$0x100] =	vst v10;
	v10 =	vor.u32 $0x200, v0;
	v11 =	vand.u32 $0x7F, v11;
	v14 =	vand.u32 $0xFFFFFC00, v14  }
0x8c: {  	p0 =	por $0x0, $0x0;
	v16 =	vld.idx.msk [tilespmem:v2+s3+$0x0], $0xffff;
	[tilespmem:s4+$0x180] =	vst v1;
	v1 =	vor.u32 v11, v14;
	s4 =	simm.s32 $0x1  }
0x8d: {  	v11 =	vor.u32 $0x200, v3;
	v7 =	vld.idx.msk [tilespmem:v7+s3+$0x0], $0xffff;
	v2 =	vshll.u32 v8, $0x3;
	s4 =	simm.s32 @!p0 $0x0  }
0x8e: {  	v8 =	vand.u32 $0x7F, v8;
	[tilespmem:s6+$0x180] =	vst v9;
	v2 =	vand.u32 $0xFFFFFC00, v2;
	s4 =	sshll.u32 s4, $0x6;
	v9 =	vor.u32 $0x280, v5  }
0x8f: {  	v14 =	vor.u32 $0x280, v4;
	[tilespmem:s26+$0x180] =	vst v6;
	v6 =	vld.idx.msk [tilespmem:v12+s3+$0x0], $0xffff;
	v12 =	vshll.u32 v13, $0x3;
	v2 =	vor.u32 v8, v2;
	s6 =	sadd.s32 $0x0, s4  }
0x90: {  	v8 =	vld.idx.msk [tilespmem:v10+s3+$0x0], $0xffff;
	v10 =	vshll.u32 v15, $0x3;
	v13 =	vand.u32 $0x7F, v13;
	v12 =	vand.u32 $0xFFFFFC00, v12;
	s5 =	sadd.s32 $0x30, s6  }
0x91: {  	v10 =	vand.u32 $0xFFFFFC00, v10;
	[tilespmem:s2+$0x180] =	vst v16;
	v17 =	vld.idx.msk [tilespmem:v1+s3+$0x0], $0xffff;
	v21 =	vor.u32 v13, v12;
	v12 =	vand.u32 $0x7F, v15;
	s14 =	sor.u32 $0x200, s5  }
0x92: {  	s7 =	sadd.s32 $0x10, s6;
	v11 =	vld.idx.msk [tilespmem:v11+s3+$0x0], $0xffff;
	v10 =	vor.u32 v12, v10;
	[tilespmem:s14+$0x12000] =	vst v7  }
0x93: {  	s15 =	sor.u32 $0x200, s7;
	v7 =	vor.u32 $0x280, v0;
	v9 =	vld.idx.msk [tilespmem:v9+s3+$0x0], $0xffff  }
0x94: {  	s26 =	simm.s32 $0x200;
	s17 =	sor.u32 $0x200, s6;
	v12 =	vor.u32 $0x280, v3;
	v13 =	vld.idx.msk [tilespmem:v2+s3+$0x0], $0xffff;
	[tilespmem:s15+$0x12000] =	vst v6  }
0x95: {  	s22 =	sand.u32 $0x1C00, s26;
	s13 =	sadd.s32 $0x20, s6;
	[tilespmem:s17+$0x12000] =	vst v8;
	v8 =	vor.u32 $0x80, v1;
	v6 =	vld.idx.msk [tilespmem:v14+s3+$0x0], $0xffff  }
0x96: {  	s2 =	sor.u32 $0x12000, s22;
	s21 =	sor.u32 $0x200, s13;
	v14 =	vor.u32 $0x300, v5;
	v15 =	vld.idx.msk [tilespmem:v21+s3+$0x0], $0xffff  }
0x97: {  	v16 =	vor.u32 $0x80, v2;
	s30 =	sor.u32 s1, s2;
	[tilespmem:s21+$0x12000] =	vst v11;
	v18 =	vld.idx.msk [tilespmem:v10+s3+$0x0], $0xffff  }
0x98: {  	s25 =	sor.u32 $0x280, s5;
	v19 =	vor.u32 $0x80, v21;
	[tilespmem:s30+$0x0] =	vst v17;
	v22 =	vld.idx.msk [tilespmem:v7+s3+$0x0], $0xffff  }
0x99: {  	s22 =	sor.u32 s11, s2;
	v7 =	vor.u32 $0x80, v10;
	v11 =	vld.idx.msk [tilespmem:v12+s3+$0x0], $0xffff;
	[tilespmem:s25+$0x12000] =	vst v9  }
0x9a: {  	s8 =	sor.u32 $0x280, s7;
	v9 =	vor.u32 $0x300, v4;
	[tilespmem:s22+$0x0] =	vst v13;
	v8 =	vld.idx.msk [tilespmem:v8+s3+$0x0], $0xffff  }
0x9b: {  	s11 =	sor.u32 s10, s2;
	v13 =	vor.u32 $0x300, v3;
	v12 =	vld.idx.msk [tilespmem:v14+s3+$0x0], $0xffff;
	[tilespmem:s8+$0x12000] =	vst v6  }
0x9c: {  	s1 =	sor.u32 s12, s2;
	v5 =	vor.u32 $0x380, v5;
	v16 =	vld.idx.msk [tilespmem:v16+s3+$0x0], $0xffff;
	[tilespmem:s11+$0x0] =	vst v15  }
0x9d: {  	s10 =	sor.u32 $0x280, s13;
	v17 =	vor.u32 $0x100, v2;
	v15 =	vld.idx.msk [tilespmem:v19+s3+$0x0], $0xffff;
	[tilespmem:s1+$0x0] =	vst v18  }
0x9e: {  	s14 =	sor.u32 $0x280, s6;
	v19 =	vor.u32 $0x100, v1;
	[tilespmem:s10+$0x12000] =	vst v11;
	v7 =	vld.idx.msk [tilespmem:v7+s3+$0x0], $0xffff  }
0x9f: {  	s12 =	sor.u32 $0x300, s5;
	v6 =	vor.u32 $0x100, v21;
	[tilespmem:s14+$0x12000] =	vst v22;
	v23 =	vld.idx.msk [tilespmem:v9+s3+$0x0], $0xffff  }
0xa0: {  	v20 =	vor.u32 $0x100, v10;
	v14 =	vld.idx.msk [tilespmem:v13+s3+$0x0], $0xffff;
	[tilespmem:s12+$0x12000] =	vst v12  }
0xa1: {  	[tilespmem:s22+$0x80] =	vst v16;
	v16 =	vor.u32 $0x300, v0;
	v24 =	vld.idx.msk [tilespmem:v5+s3+$0x0], $0xffff  }
0xa2: {  	v25 =	vor.u32 $0x380, v4;
	[tilespmem:s30+$0x80] =	vst v8;
	v18 =	vld.idx.msk [tilespmem:v17+s3+$0x0], $0xffff  }
0xa3: {  	v4 =	vor.u32 $0x380, v21;
	v17 =	vld.idx.msk [tilespmem:v19+s3+$0x0], $0xffff;
	[tilespmem:s11+$0x80] =	vst v15  }
0xa4: {  	s0 =	sor.u32 s0, s0;
	s31 =	sor.u32 $0x300, s13;
	s17 =	sor.u32 s26, s24;
	v11 =	vor.u32 $0x200, v21;
	v22 =	vor.u32 $0x180, v2;
	v13 =	vor.u32 $0x180, v21;
	v19 =	vld.idx.msk [tilespmem:v6+s3+$0x0], $0xffff;
	[tilespmem:s1+$0x80] =	vst v7  }
0xa5: {  	s29 =	sor.u32 $0x380, s13;
	s15 =	sor.u32 $0x300, s7;
	s28 =	sor.u32 $0x380, s17;
	v8 =	vor.u32 $0x280, v21;
	v6 =	vor.u32 $0x300, v21;
	v21 =	vor.u32 $0x180, v1;
	v20 =	vld.idx.msk [tilespmem:v20+s3+$0x0], $0xffff  }
0xa6: {  	s21 =	sor.u32 $0x380, s5;
	s25 =	sor.u32 $0x380, s0;
	s0 =	simm.s32 $0x4;
	v3 =	vor.u32 $0x380, v3;
	v9 =	vor.u32 $0x200, v10;
	v12 =	vor.u32 $0x180, v10;
	[tilespmem:s15+$0x12000] =	vst v23;
	v15 =	vld.idx.msk [tilespmem:v16+s3+$0x0], $0xffff  }
0xa7: {  	s10 =	sor.u32 $0x300, s6;
	s14 =	sor.u32 $0x380, s7;
	s6 =	simm.s32 $0x11080;
	v5 =	vor.u32 $0x300, v10;
	v7 =	vor.u32 $0x280, v10;
	v10 =	vor.u32 $0x380, v10;
	v16 =	vld.idx.msk [tilespmem:v25+s3+$0x0], $0xffff;
	[tilespmem:s21+$0x12000] =	vst v24  }
.LBB2_13:
0xa8: {  	v23 =	vld [tilespmem:s6+$0x0];
	[tilespmem:s22+$0x100] =	vst v18;
	s24 =	sadd.s32 $0x40, s24  }
0xa9: {  	s0 =	sadd.s32 $0x4, s0;
	s12 =	sand.u32 $0x40, s24;
	s2 =	sand.u32 $0x380, s24;
	[tilespmem:s30+$0x100] =	vst v17;
	v17 =	vld.idx.msk [tilespmem:v22+s3+$0x0], $0xffff  }
0xaa: {  	p1 =	slt.u32 s0, $0x3C;
	s2 =	sor.u32 $0x11000, s2;
	s13 =	sor.u32 $0x30, s12;
	v18 =	vld.idx.msk [tilespmem:v21+s3+$0x0], $0xffff;
	[tilespmem:s11+$0x100] =	vst v19  }
0xab: {  	s7 =	sor.u32 $0x10, s12;
	s21 =	sor.u32 $0x20, s12;
	v19 =	vor.u32 $0x200, v2;
	s4 =	sor.u32 s13, s2;
	v13 =	vld.idx.msk [tilespmem:v13+s3+$0x0], $0xffff;
	[tilespmem:s1+$0x100] =	vst v20  }
0xac: {  	v21 =	vor.u32 $0x200, v1;
	s5 =	sor.u32 s7, s2;
	s2 =	sor.u32 s21, s2;
	v20 =	vld [tilespmem:s4+$0x0];
	[tilespmem:s31+$0x12000] =	vst v14  }
0xad: {  	v14 =	vld [tilespmem:s5+$0x0];
	[tilespmem:s10+$0x12000] =	vst v15  }
0xae: {  	v15 =	vshll.u32 v23, $0x3;
	v22 =	vld [tilespmem:s2+$0x0];
	[tilespmem:s14+$0x12000] =	vst v16  }
0xaf: {  	v16 =	vand.u32 $0x7F, v23;
	v15 =	vand.u32 $0xFFFFFC00, v15;
	v12 =	vld.idx.msk [tilespmem:v12+s3+$0x0], $0xffff;
	[tilespmem:s22+$0x180] =	vst v17;
	v17 =	vor.u32 $0x380, v0;
	v0 =	vmovc v1  }
0xb0: {  	p0 =	por !p0, !p0;
	s2 =	simm.s32 $0x1;
	v1 =	vor.u32 v16, v15;
	[tilespmem:s30+$0x180] =	vst v18;
	v15 =	vld.idx.msk [tilespmem:v19+s3+$0x0], $0xffff  }
0xb1: {  	s2 =	simm.s32 @!p0 $0x0;
	v16 =	vshll.u32 v20, $0x3;
	v18 =	vld.idx.msk [tilespmem:v21+s3+$0x0], $0xffff;
	[tilespmem:s11+$0x180] =	vst v13  }
0xb2: {  	s2 =	sshll.u32 s2, $0x6;
	v13 =	vand.u32 $0x7F, v20;
	v16 =	vand.u32 $0xFFFFFC00, v16;
	v19 =	vld.idx.msk [tilespmem:v11+s3+$0x0], $0xffff;
	v11 =	vor.u32 $0x280, v2  }
0xb3: {  	s4 =	sadd.s32 s2, s26;
	v20 =	vshll.u32 v14, $0x3;
	v21 =	vshll.u32 v22, $0x3;
	v16 =	vor.u32 v13, v16;
	v23 =	vld.idx.msk [tilespmem:v3+s3+$0x0], $0xffff;
	v3 =	vmovc v10  }
0xb4: {  	s11 =	sadd.s32 $0x10, s4;
	s22 =	sadd.s32 $0x20, s4;
	s5 =	sadd.s32 $0x30, s4;
	v10 =	vand.u32 $0x7F, v14;
	v13 =	vand.u32 $0xFFFFFC00, v20;
	v14 =	vand.u32 $0xFFFFFC00, v21;
	v17 =	vld.idx.msk [tilespmem:v17+s3+$0x0], $0xffff  }
0xb5: {  	s14 =	sor.u32 $0x200, s11;
	s10 =	sor.u32 $0x200, s5;
	v10 =	vor.u32 v10, v13;
	v13 =	vand.u32 $0x7F, v22;
	v21 =	vor.u32 $0x280, v0;
	v20 =	vld.idx.msk [tilespmem:v1+s3+$0x0], $0xffff;
	[tilespmem:s1+$0x180] =	vst v12;
	s1 =	sor.u32 $0x200, s22  }
0xb6: {  	s15 =	sor.u32 $0x200, s4;
	s8 =	sor.u32 $0x280, s11;
	s2 =	sor.u32 $0x280, s22;
	v22 =	vor.u32 $0x80, v10;
	v24 =	vor.u32 $0x100, v10;
	v14 =	vor.u32 v13, v14;
	v25 =	vld.idx.msk [tilespmem:v9+s3+$0x0], $0xffff;
	[tilespmem:s10+$0x12000] =	vst v15  }
0xb7: {  	s17 =	sor.u32 $0x280, s4;
	s31 =	sor.u32 $0x300, s22;
	v13 =	vor.u32 $0x180, v10;
	v15 =	vor.u32 $0x80, v14;
	v26 =	vor.u32 $0x100, v14;
	[tilespmem:s15+$0x12000] =	vst v18;
	s15 =	sor.u32 $0x300, s11;
	v18 =	vld.idx.msk [tilespmem:v11+s3+$0x0], $0xffff  }
0xb8: {  	v12 =	vor.u32 $0x180, v14;
	v9 =	vor.u32 $0x200, v14;
	s10 =	sor.u32 $0x300, s4;
	s4 =	sor.u32 $0x380, s22;
	v11 =	vor.u32 $0x200, v10;
	v27 =	vld.idx.msk [tilespmem:v16+s3+$0x0], $0xffff;
	[tilespmem:s14+$0x12000] =	vst v19;
	s14 =	sor.u32 $0x380, s11  }
0xb9: {  	v29 =	vor.u32 $0x300, v2;
	v19 =	vor.u32 $0x280, v14;
	v28 =	vld.idx.msk [tilespmem:v8+s3+$0x0], $0xffff;
	v8 =	vor.u32 $0x280, v10;
	[tilespmem:s29+$0x12000] =	vst v23;
	s29 =	smov.u32 s4  }
0xba: {  	s26 =	sadd.s32 $0x200, s26;
	v32 =	vor.u32 $0x80, v16;
	v30 =	vor.u32 $0x300, v10;
	v31 =	vor.u32 $0x300, v14;
	v23 =	vld.idx.msk [tilespmem:v10+s3+$0x0], $0xffff;
	[tilespmem:s25+$0x12000] =	vst v17;
	s25 =	smov.u32 s28  }
0xbb: {  	v33 =	vor.u32 $0x380, v10;
	s11 =	sor.u32 s26, s24;
	s4 =	sand.u32 $0x1C00, s26;
	v17 =	vor.u32 $0x80, v1;
	v10 =	vor.u32 $0x380, v14;
	v34 =	vld.idx.msk [tilespmem:v14+s3+$0x0], $0xffff  }
0xbc: {  	s4 =	sor.u32 $0x12000, s4;
	s28 =	sor.u32 $0x380, s11;
	v35 =	vld.idx.msk [tilespmem:v21+s3+$0x0], $0xffff;
	[tilespmem:s1+$0x12000] =	vst v25;
	s1 =	sor.u32 $0x280, s5  }
0xbd: {  	s30 =	sor.u32 s12, s4;
	s11 =	sor.u32 s7, s4;
	s22 =	sor.u32 s13, s4;
	v14 =	vld.idx.msk [tilespmem:v7+s3+$0x0], $0xffff;
	[tilespmem:s1+$0x12000] =	vst v18;
	v7 =	vmov v19  }
0xbe: {  	s1 =	sor.u32 s21, s4;
	[tilespmem:s22+$0x0] =	vst v27;
	v18 =	vld.idx.msk [tilespmem:v29+s3+$0x0], $0xffff  }
0xbf: {  	[tilespmem:s30+$0x0] =	vst v20;
	v19 =	vld.idx.msk [tilespmem:v32+s3+$0x0], $0xffff  }
0xc0: {  	v20 =	vor.u32 $0x380, v2;
	v2 =	vmov v16;
	v17 =	vld.idx.msk [tilespmem:v17+s3+$0x0], $0xffff;
	[tilespmem:s11+$0x0] =	vst v23  }
0xc1: {  	v21 =	vor.u32 $0x100, v2;
	v16 =	vld.idx.msk [tilespmem:v22+s3+$0x0], $0xffff;
	[tilespmem:s1+$0x0] =	vst v34  }
0xc2: {  	v22 =	vor.u32 $0x100, v1;
	v15 =	vld.idx.msk [tilespmem:v15+s3+$0x0], $0xffff;
	[tilespmem:s8+$0x12000] =	vst v28  }
0xc3: {  	v23 =	vld.idx.msk [tilespmem:v6+s3+$0x0], $0xffff;
	[tilespmem:s2+$0x12000] =	vst v14;
	s2 =	sor.u32 $0x300, s5;
	v6 =	vmov v30  }
0xc4: {  	v14 =	vld.idx.msk [tilespmem:v5+s3+$0x0], $0xffff;
	[tilespmem:s2+$0x12000] =	vst v18;
	v5 =	vmov v31  }
0xc5: {  	v25 =	vor.u32 $0x300, v0;
	[tilespmem:s22+$0x80] =	vst v19;
	v27 =	vld.idx.msk [tilespmem:v20+s3+$0x0], $0xffff  }
0xc6: {  	[tilespmem:s30+$0x80] =	vst v17;
	v18 =	vld.idx.msk [tilespmem:v21+s3+$0x0], $0xffff  }
.Ltmp5:
0xc7: {  	v17 =	vld.idx.msk [tilespmem:v22+s3+$0x0], $0xffff;
	[tilespmem:s11+$0x80] =	vst v16;
	(pc) =	sbr.rel @p1 .LBB2_13-.Ltmp5, $4  }
0xc8: {  	v22 =	vor.u32 $0x180, v2;
	v19 =	vld.idx.msk [tilespmem:v24+s3+$0x0], $0xffff;
	[tilespmem:s1+$0x80] =	vst v15  }
0xc9: {  	v21 =	vor.u32 $0x180, v1;
	v20 =	vld.idx.msk [tilespmem:v26+s3+$0x0], $0xffff;
	[tilespmem:s17+$0x12000] =	vst v35  }
0xca: {  	s2 =	sor.u32 $0x380, s5;
	v15 =	vld.idx.msk [tilespmem:v25+s3+$0x0], $0xffff;
	[tilespmem:s15+$0x12000] =	vst v23  }
0xcb: {  	s6 =	sadd.s32 $0x40, s6;
	v16 =	vld.idx.msk [tilespmem:v4+s3+$0x0], $0xffff;
	[tilespmem:s2+$0x12000] =	vst v27;
	v4 =	vmov v33  }
0xcc: {  	_ =	sdelay $0x2  }
0xcd: {  	[tilespmem:s22+$0x100] =	vst v18  }
0xce: {  	v18 =	vld.idx.msk [tilespmem:v22+s3+$0x0], $0xffff;
	[tilespmem:s11+$0x100] =	vst v19  }
0xcf: {  	v19 =	vor.u32 $0x200, v2;
	v13 =	vld.idx.msk [tilespmem:v13+s3+$0x0], $0xffff;
	[tilespmem:s1+$0x100] =	vst v20  }
0xd0: {  	[tilespmem:s30+$0x100] =	vst v17;
	v12 =	vld.idx.msk [tilespmem:v12+s3+$0x0], $0xffff  }
0xd1: {  	v17 =	vld.idx.msk [tilespmem:v21+s3+$0x0], $0xffff  }
0xd2: {  	v20 =	vor.u32 $0x200, v1  }
0xd3: {  	p0 =	por !p0, !p0;
	s0 =	simm.s32 $0x1;
	[tilespmem:s22+$0x180] =	vst v18  }
0xd4: {  	s0 =	simm.s32 @!p0 $0x0;
	v18 =	vld.idx.msk [tilespmem:v19+s3+$0x0], $0xffff;
	[tilespmem:s11+$0x180] =	vst v13  }
0xd5: {  	s0 =	sshll.u32 s0, $0x6;
	v13 =	vor.u32 $0x280, v2;
	v11 =	vld.idx.msk [tilespmem:v11+s3+$0x0], $0xffff;
	[tilespmem:s1+$0x180] =	vst v12  }
0xd6: {  	s0 =	sadd.s32 s0, s26;
	[tilespmem:s30+$0x180] =	vst v17;
	v9 =	vld.idx.msk [tilespmem:v9+s3+$0x0], $0xffff  }
0xd7: {  	s26 =	sadd.s32 $0x30, s0;
	v12 =	vld.idx.msk [tilespmem:v20+s3+$0x0], $0xffff  }
0xd8: {  	s2 =	sadd.s32 $0x10, s0;
	s4 =	sor.u32 $0x200, s26;
	v17 =	vor.u32 $0x280, v1  }
0xd9: {  	s5 =	sadd.s32 $0x20, s0;
	s6 =	sor.u32 $0x200, s2;
	[tilespmem:s4+$0x12000] =	vst v18  }
0xda: {  	s7 =	sor.u32 $0x200, s5;
	v13 =	vld.idx.msk [tilespmem:v13+s3+$0x0], $0xffff;
	[tilespmem:s6+$0x12000] =	vst v11  }
0xdb: {  	s8 =	sor.u32 $0x200, s0;
	v11 =	vor.u32 $0x300, v2;
	v8 =	vld.idx.msk [tilespmem:v8+s3+$0x0], $0xffff;
	[tilespmem:s7+$0x12000] =	vst v9  }
0xdc: {  	[tilespmem:s8+$0x12000] =	vst v12;
	v7 =	vld.idx.msk [tilespmem:v7+s3+$0x0], $0xffff  }
0xdd: {  	v9 =	vld.idx.msk [tilespmem:v17+s3+$0x0], $0xffff  }
0xde: {  	[tilespmem:s31+$0x12000] =	vst v14;
	s11 =	sor.u32 $0x280, s26;
	v12 =	vor.u32 $0x300, v1  }
0xdf: {  	s12 =	sor.u32 $0x280, s2;
	[tilespmem:s11+$0x12000] =	vst v13  }
0xe0: {  	v0 =	vor.u32 $0x380, v0;
	s13 =	sor.u32 $0x280, s5;
	v11 =	vld.idx.msk [tilespmem:v11+s3+$0x0], $0xffff;
	[tilespmem:s12+$0x12000] =	vst v8  }
0xe1: {  	s15 =	sor.u32 $0x280, s0;
	v2 =	vor.u32 $0x380, v2;
	v6 =	vld.idx.msk [tilespmem:v6+s3+$0x0], $0xffff;
	[tilespmem:s13+$0x12000] =	vst v7  }
0xe2: {  	[tilespmem:s15+$0x12000] =	vst v9;
	v5 =	vld.idx.msk [tilespmem:v5+s3+$0x0], $0xffff  }
0xe3: {  	[tilespmem:s10+$0x12000] =	vst v15;
	v7 =	vld.idx.msk [tilespmem:v12+s3+$0x0], $0xffff  }
0xe4: {  	v3 =	vld.idx.msk [tilespmem:v3+s3+$0x0], $0xffff;
	[tilespmem:s14+$0x12000] =	vst v16;
	s17 =	sor.u32 $0x300, s26;
	v1 =	vor.u32 $0x380, v1  }
0xe5: {  	v0 =	vld.idx.msk [tilespmem:v0+s3+$0x0], $0xffff;
	s21 =	sor.u32 $0x300, s2;
	[tilespmem:s17+$0x12000] =	vst v11  }
0xe6: {  	s22 =	sor.u32 $0x300, s5;
	v2 =	vld.idx.msk [tilespmem:v2+s3+$0x0], $0xffff;
	[tilespmem:s21+$0x12000] =	vst v6  }
0xe7: {  	s0 =	sor.u32 $0x300, s0;
	v4 =	vld.idx.msk [tilespmem:v4+s3+$0x0], $0xffff;
	[tilespmem:s22+$0x12000] =	vst v5  }
0xe8: {  	[tilespmem:s0+$0x12000] =	vst v7;
	v5 =	vld.idx.msk [tilespmem:v10+s3+$0x0], $0xffff  }
0xe9: {  	[tilespmem:s29+$0x12000] =	vst v3;
	v1 =	vld.idx.msk [tilespmem:v1+s3+$0x0], $0xffff  }
0xea: {  	s24 =	sor.u32 $0x380, s26;
	[tilespmem:s25+$0x12000] =	vst v0  }
0xeb: {  	s25 =	sor.u32 $0x380, s2;
	[tilespmem:s24+$0x12000] =	vst v2  }
0xec: {  	s31 =	sor.u32 $0x380, s5;
	[tilespmem:s25+$0x12000] =	vst v4  }
0xed: {  	s26 =	sshll.u32 s23, $0x14;
	s1 =	rddreg [dreg:$0x7];
	[tilespmem:s31+$0x12000] =	vst v5  }
0xee: {  	[tilespmem:s28+$0x12000] =	vst v1;
	s0 =	sor.u32 s1, s26  }
0xef: {  	s4 =	rddreg [dreg:$0x8];
	s24 =	sshrl.u32 s0, $0x3  }
0xf0: {  	s15 =	simm.s32 $0x12000;
	s25 =	simm.s32 $0x0;
	s0 =	sadd.s32 s24, s4  }
0xf1: {  	[hbm4b:s0+s25] =	stream.linear.scatter [tilespmem:s15], [sflag:$0x3], $0x2000, $0x38;
	[tilespmem:$0x16000] =	vst v63  }
0xf2: {  	_ =	swait.ge [sflag:s19], $0x2000  }
0xf3: {  	[sflag:s19] =	ssyncset.done $0x0  }
0xf4: {  	s5 =	simm.s32 $0x11430;
	[sflag:s19] =	ssyncadd.s32 $0xFFFFE000  }
0xf5: {  	s6 =	sand.u32 $0x3C0, s25;
	v0 =	vld [tilespmem:s5+$0xFFFFFFE0]  }
0xf6: {  	v1 =	vld [tilespmem:s6+$0x11400];
	_ =	sdelay $0x1  }
0xf7: {  	v4 =	vld [tilespmem:s5+$0xFFFFFFF0];
	_ =	sdelay $0x1  }
0xf8: {  	v5 =	vld [tilespmem:s5+$0x0]  }
0xf9: {  	v2 =	vshll.u32 v0, $0x3;
	v3 =	vshll.u32 v1, $0x3  }
0xfa: {  	v0 =	vand.u32 $0x7F, v0;
	v1 =	vand.u32 $0x7F, v1;
	v3 =	vand.u32 $0xFFFFFC00, v3  }
0xfb: {  	v6 =	vshll.u32 v4, $0x3;
	v2 =	vand.u32 $0xFFFFFC00, v2;
	v3 =	vor.u32 v1, v3  }
0xfc: {  	v2 =	vor.u32 v0, v2;
	v0 =	vand.u32 $0x7F, v4;
	v1 =	vand.u32 $0xFFFFFC00, v6  }
0xfd: {  	v4 =	vshll.u32 v5, $0x3;
	v0 =	vor.u32 v0, v1  }
0xfe: {  	v1 =	vand.u32 $0x7F, v5;
	v4 =	vand.u32 $0xFFFFFC00, v4  }
0xff: {  	v1 =	vor.u32 v1, v4  }
0x100: {  	v4 =	vld.idx.msk [tilespmem:v3+s3+$0x0], $0xffff  }
0x101: {  	v6 =	vor.u32 $0x80, v3;
	v5 =	vld.idx.msk [tilespmem:v2+s3+$0x0], $0xffff  }
0x102: {  	v8 =	vor.u32 $0x80, v2;
	v7 =	vld.idx.msk [tilespmem:v0+s3+$0x0], $0xffff  }
0x103: {  	s7 =	sand.u32 $0x40, s25;
	s8 =	sand.u32 $0x1C00, s25;
	v9 =	vor.u32 $0x80, v0  }
0x104: {  	s0 =	sor.u32 s7, s8;
	v10 =	vld.idx.msk [tilespmem:v1+s3+$0x0], $0xffff  }
0x105: {  	v11 =	vor.u32 $0x80, v1;
	[tilespmem:s0+$0x14000] =	vst v4  }
0x106: {  	[tilespmem:s0+$0x14010] =	vst v5;
	v4 =	vld.idx.msk [tilespmem:v6+s3+$0x0], $0xffff  }
0x107: {  	v5 =	vld.idx.msk [tilespmem:v8+s3+$0x0], $0xffff;
	[tilespmem:s0+$0x14020] =	vst v7;
	v6 =	vor.u32 $0x100, v3  }
0x108: {  	v8 =	vor.u32 $0x100, v2;
	v7 =	vld.idx.msk [tilespmem:v9+s3+$0x0], $0xffff  }
0x109: {  	[tilespmem:s0+$0x14030] =	vst v10;
	v9 =	vor.u32 $0x100, v0  }
0x10a: {  	s10 =	simm.s32 $0x11470;
	v10 =	vld.idx.msk [tilespmem:v11+s3+$0x0], $0xffff  }
0x10b: {  	v13 =	vld [tilespmem:s10+$0x0];
	[tilespmem:s0+$0x14080] =	vst v4  }
0x10c: {  	v12 =	vor.u32 $0x100, v1;
	[tilespmem:s0+$0x14090] =	vst v5;
	v4 =	vld.idx.msk [tilespmem:v6+s3+$0x0], $0xffff  }
0x10d: {  	v5 =	vld.idx.msk [tilespmem:v8+s3+$0x0], $0xffff;
	[tilespmem:s0+$0x140A0] =	vst v7;
	v6 =	vor.u32 $0x180, v3  }
0x10e: {  	v8 =	vor.u32 $0x180, v2;
	v7 =	vld.idx.msk [tilespmem:v9+s3+$0x0], $0xffff  }
0x10f: {  	v11 =	vld [tilespmem:s10+$0xFFFFFFE0];
	[tilespmem:s0+$0x140B0] =	vst v10;
	v10 =	vor.u32 $0x180, v0  }
0x110: {  	v9 =	vld [tilespmem:s10+$0xFFFFFFF0]  }
0x111: {  	v12 =	vld.idx.msk [tilespmem:v12+s3+$0x0], $0xffff;
	[tilespmem:s0+$0x14100] =	vst v4  }
0x112: {  	v4 =	vor.u32 $0x180, v1;
	[tilespmem:s0+$0x14110] =	vst v5;
	v14 =	vld.idx.msk [tilespmem:v6+s3+$0x0], $0xffff  }
0x113: {  	s26 =	simm.s32 $0x40;
	v5 =	vld.idx.msk [tilespmem:v8+s3+$0x0], $0xffff;
	[tilespmem:s0+$0x14120] =	vst v7  }
0x114: {  	s11 =	sand.u32 $0x3C0, s26;
	v7 =	vor.u32 $0x200, v3;
	v8 =	vld.idx.msk [tilespmem:v10+s3+$0x0], $0xffff  }
0x115: {  	v15 =	vor.u32 $0x200, v2;
	v6 =	vshll.u32 v11, $0x3;
	v10 =	vld [tilespmem:s11+$0x11400]  }
0x116: {  	v11 =	vand.u32 $0x7F, v11;
	[tilespmem:s0+$0x14130] =	vst v12;
	v6 =	vand.u32 $0xFFFFFC00, v6;
	v12 =	vor.u32 $0x200, v0  }
0x117: {  	v6 =	vor.u32 v11, v6;
	v16 =	vld.idx.msk [tilespmem:v4+s3+$0x0], $0xffff;
	v4 =	vand.u32 $0x7F, v9;
	v9 =	vshll.u32 v9, $0x3  }
0x118: {  	v11 =	vshll.u32 v13, $0x3;
	v9 =	vand.u32 $0xFFFFFC00, v9;
	[tilespmem:s0+$0x14180] =	vst v14;
	v14 =	vor.u32 $0x200, v1  }
0x119: {  	v11 =	vand.u32 $0xFFFFFC00, v11;
	[tilespmem:s0+$0x14190] =	vst v5;
	v4 =	vor.u32 v4, v9;
	v9 =	vand.u32 $0x7F, v13;
	v13 =	vld.idx.msk [tilespmem:v7+s3+$0x0], $0xffff  }
0x11a: {  	p0 =	por $0x0, $0x0;
	s1 =	simm.s32 $0x1;
	v7 =	vshll.u32 v10, $0x3;
	v15 =	vld.idx.msk [tilespmem:v15+s3+$0x0], $0xffff;
	[tilespmem:s0+$0x141A0] =	vst v8;
	v5 =	vor.u32 v9, v11  }
0x11b: {  	s1 =	simm.s32 @!p0 $0x0;
	v17 =	vor.u32 $0x280, v3;
	v8 =	vand.u32 $0x7F, v10;
	v7 =	vand.u32 $0xFFFFFC00, v7;
	v12 =	vld.idx.msk [tilespmem:v12+s3+$0x0], $0xffff  }
0x11c: {  	s1 =	sshll.u32 s1, $0x6;
	v9 =	vld.idx.msk [tilespmem:v6+s3+$0x0], $0xffff;
	v7 =	vor.u32 v8, v7;
	[tilespmem:s0+$0x141B0] =	vst v16  }
0x11d: {  	s21 =	sadd.s32 $0x0, s1;
	v8 =	vor.u32 $0x280, v2;
	v18 =	vld.idx.msk [tilespmem:v14+s3+$0x0], $0xffff  }
0x11e: {  	s28 =	simm.s32 $0x200;
	s12 =	sor.u32 $0x200, s21;
	v19 =	vor.u32 $0x280, v0;
	v10 =	vld.idx.msk [tilespmem:v4+s3+$0x0], $0xffff  }
0x11f: {  	s1 =	sadd.s32 $0x10, s21;
	s13 =	sadd.s32 $0x20, s21;
	s8 =	sadd.s32 $0x30, s21;
	v20 =	vor.u32 $0x280, v1;
	[tilespmem:s12+$0x14000] =	vst v13;
	v11 =	vld.idx.msk [tilespmem:v5+s3+$0x0], $0xffff  }
0x120: {  	s14 =	sor.u32 $0x200, s1;
	s17 =	sor.u32 $0x200, s13;
	s7 =	sor.u32 $0x280, s13;
	v14 =	vld.idx.msk [tilespmem:v17+s3+$0x0], $0xffff  }
0x121: {  	s31 =	sor.u32 $0x200, s8;
	s22 =	sor.u32 $0x300, s1;
	s29 =	sor.u32 $0x380, s13;
	[tilespmem:s14+$0x14000] =	vst v15;
	v16 =	vld.idx.msk [tilespmem:v7+s3+$0x0], $0xffff  }
0x122: {  	s30 =	sor.u32 $0x380, s8;
	s5 =	sor.u32 $0x280, s1;
	s6 =	sor.u32 $0x300, s13;
	v15 =	vor.u32 $0x300, v3;
	[tilespmem:s17+$0x14000] =	vst v12;
	v13 =	vld.idx.msk [tilespmem:v8+s3+$0x0], $0xffff  }
0x123: {  	s1 =	sor.u32 $0x380, s1;
	s10 =	simm.s32 $0x4;
	s11 =	simm.s32 $0x114B0;
	v17 =	vor.u32 $0x80, v7;
	v12 =	vld.idx.msk [tilespmem:v19+s3+$0x0], $0xffff;
	[tilespmem:s31+$0x14000] =	vst v18  }
0x124: {  	s0 =	simm.s32 $0x0;
	s12 =	sor.u32 $0x280, s8;
	s14 =	sor.u32 $0x300, s8;
	v18 =	vor.u32 $0x80, v6;
	v8 =	vld.idx.msk [tilespmem:v20+s3+$0x0], $0xffff  }
.LBB2_15:
0x125: {  	v19 =	vld [tilespmem:s11+$0xFFFFFFE0];
	s2 =	sand.u32 $0x40, s26;
	s4 =	sand.u32 $0x1C00, s28;
	v20 =	vor.u32 $0x80, v4;
	s8 =	sor.u32 $0x280, s21  }
0x126: {  	v22 =	vor.u32 $0x80, v5;
	v21 =	vld [tilespmem:s11+$0xFFFFFFF0];
	s13 =	sor.u32 s2, s4;
	[tilespmem:s8+$0x14000] =	vst v14  }
0x127: {  	[tilespmem:s13+$0x14000] =	vst v16;
	v14 =	vld.idx.msk [tilespmem:v15+s3+$0x0], $0xffff;
	v15 =	vor.u32 $0x300, v2  }
0x128: {  	v16 =	vld.idx.msk [tilespmem:v17+s3+$0x0], $0xffff;
	[tilespmem:s13+$0x14010] =	vst v9;
	v9 =	vor.u32 $0x300, v0  }
0x129: {  	v17 =	vld.idx.msk [tilespmem:v18+s3+$0x0], $0xffff;
	[tilespmem:s13+$0x14020] =	vst v10;
	v10 =	vor.u32 $0x380, v3;
	v3 =	vmov v7  }
0x12a: {  	v7 =	vor.u32 $0x100, v3;
	v18 =	vld.idx.msk [tilespmem:v20+s3+$0x0], $0xffff;
	[tilespmem:s13+$0x14030] =	vst v11  }
0x12b: {  	v11 =	vor.u32 $0x100, v6;
	v20 =	vld.idx.msk [tilespmem:v22+s3+$0x0], $0xffff;
	[tilespmem:s5+$0x14000] =	vst v13  }
0x12c: {  	s2 =	sor.u32 $0x300, s21;
	v13 =	vor.u32 $0x100, v4;
	v15 =	vld.idx.msk [tilespmem:v15+s3+$0x0], $0xffff;
	[tilespmem:s7+$0x14000] =	vst v12  }
0x12d: {  	v12 =	vor.u32 $0x100, v5;
	[tilespmem:s2+$0x14000] =	vst v14;
	v9 =	vld.idx.msk [tilespmem:v9+s3+$0x0], $0xffff  }
0x12e: {  	v14 =	vor.u32 $0x300, v1;
	[tilespmem:s13+$0x14080] =	vst v16;
	v10 =	vld.idx.msk [tilespmem:v10+s3+$0x0], $0xffff  }
0x12f: {  	v16 =	vor.u32 $0x380, v2;
	v2 =	vmov v6;
	v7 =	vld.idx.msk [tilespmem:v7+s3+$0x0], $0xffff;
	[tilespmem:s13+$0x14090] =	vst v17  }
0x130: {  	v6 =	vld.idx.msk [tilespmem:v11+s3+$0x0], $0xffff;
	[tilespmem:s13+$0x140A0] =	vst v18  }
0x131: {  	v11 =	vor.u32 $0x180, v3;
	v13 =	vld.idx.msk [tilespmem:v13+s3+$0x0], $0xffff;
	[tilespmem:s13+$0x140B0] =	vst v20  }
0x132: {  	s2 =	sor.u32 s0, s25;
	s25 =	smov.u32 s26;
	s0 =	smov.u32 s28;
	v17 =	vor.u32 $0x180, v2;
	v12 =	vld.idx.msk [tilespmem:v12+s3+$0x0], $0xffff;
	[tilespmem:s12+$0x14000] =	vst v8  }
0x133: {  	s2 =	sor.u32 $0x380, s2;
	v8 =	vor.u32 $0x180, v4;
	[tilespmem:s22+$0x14000] =	vst v15;
	v14 =	vld.idx.msk [tilespmem:v14+s3+$0x0], $0xffff  }
0x134: {  	[tilespmem:s2+$0x14000] =	vst v10;
	v10 =	vld.idx.msk [tilespmem:v16+s3+$0x0], $0xffff  }
0x135: {  	v15 =	vld [tilespmem:s11+$0x0];
	[tilespmem:s13+$0x14100] =	vst v7;
	v7 =	vor.u32 $0x180, v5  }
0x136: {  	v16 =	vor.u32 $0x380, v0;
	v0 =	vmov v4;
	v11 =	vld.idx.msk [tilespmem:v11+s3+$0x0], $0xffff;
	[tilespmem:s13+$0x14110] =	vst v6  }
0x137: {  	s26 =	sadd.s32 $0x40, s26;
	v4 =	vor.u32 $0x380, v1;
	v1 =	vmov v5;
	v17 =	vld.idx.msk [tilespmem:v17+s3+$0x0], $0xffff;
	[tilespmem:s13+$0x14120] =	vst v13  }
0x138: {  	s10 =	sadd.s32 $0x4, s10;
	s2 =	sand.u32 $0x3C0, s26;
	v5 =	vor.u32 $0x200, v3;
	v8 =	vld.idx.msk [tilespmem:v8+s3+$0x0], $0xffff;
	[tilespmem:s13+$0x14130] =	vst v12  }
0x139: {  	p1 =	slt.u32 s10, $0x3C;
	v6 =	vshll.u32 v19, $0x3;
	v13 =	vor.u32 $0x200, v2;
	v12 =	vld [tilespmem:s2+$0x11400];
	[tilespmem:s6+$0x14000] =	vst v9  }
0x13a: {  	v18 =	vor.u32 $0x200, v0;
	v6 =	vand.u32 $0xFFFFFC00, v6;
	v9 =	vand.u32 $0x7F, v19;
	v19 =	vld.idx.msk [tilespmem:v7+s3+$0x0], $0xffff;
	[tilespmem:s14+$0x14000] =	vst v14  }
0x13b: {  	v6 =	vor.u32 v9, v6;
	v7 =	vand.u32 $0x7F, v21;
	v9 =	vshll.u32 v21, $0x3;
	[tilespmem:s1+$0x14000] =	vst v10;
	v10 =	vld.idx.msk [tilespmem:v16+s3+$0x0], $0xffff  }
0x13c: {  	v14 =	vshll.u32 v15, $0x3;
	v9 =	vand.u32 $0xFFFFFC00, v9;
	[tilespmem:s13+$0x14180] =	vst v11;
	v11 =	vor.u32 $0x200, v1;
	v16 =	vld.idx.msk [tilespmem:v4+s3+$0x0], $0xffff  }
0x13d: {  	p0 =	por !p0, !p0;
	s1 =	simm.s32 $0x1;
	v4 =	vor.u32 v7, v9;
	v7 =	vand.u32 $0x7F, v15;
	v9 =	vand.u32 $0xFFFFFC00, v14;
	v14 =	vld.idx.msk [tilespmem:v5+s3+$0x0], $0xffff;
	[tilespmem:s13+$0x14190] =	vst v17  }
0x13e: {  	s1 =	simm.s32 @!p0 $0x0;
	v5 =	vor.u32 v7, v9;
	v15 =	vshll.u32 v12, $0x3;
	v13 =	vld.idx.msk [tilespmem:v13+s3+$0x0], $0xffff;
	[tilespmem:s13+$0x141A0] =	vst v8  }
0x13f: {  	s1 =	sshll.u32 s1, $0x6;
	v7 =	vand.u32 $0x7F, v12;
	v12 =	vor.u32 $0x280, v3;
	v8 =	vand.u32 $0xFFFFFC00, v15;
	v15 =	vld.idx.msk [tilespmem:v18+s3+$0x0], $0xffff  }
0x140: {  	s21 =	sadd.s32 s1, s28;
	v7 =	vor.u32 v7, v8;
	v9 =	vld.idx.msk [tilespmem:v6+s3+$0x0], $0xffff;
	[tilespmem:s13+$0x141B0] =	vst v19  }
0x141: {  	s1 =	sor.u32 $0x200, s21;
	v8 =	vor.u32 $0x280, v2;
	v18 =	vld.idx.msk [tilespmem:v11+s3+$0x0], $0xffff;
	[tilespmem:s29+$0x14000] =	vst v10  }
0x142: {  	s2 =	sadd.s32 $0x10, s21;
	s4 =	sadd.s32 $0x20, s21;
	s8 =	sadd.s32 $0x30, s21;
	v19 =	vor.u32 $0x280, v0;
	v10 =	vld.idx.msk [tilespmem:v4+s3+$0x0], $0xffff;
	[tilespmem:s30+$0x14000] =	vst v16  }
0x143: {  	v20 =	vor.u32 $0x280, v1;
	s6 =	sor.u32 $0x200, s4;
	s5 =	sor.u32 $0x280, s2;
	v11 =	vld.idx.msk [tilespmem:v5+s3+$0x0], $0xffff;
	[tilespmem:s1+$0x14000] =	vst v14;
	s1 =	sor.u32 $0x200, s2  }
.Ltmp6:
0x144: {  	s7 =	sor.u32 $0x280, s4;
	s13 =	sor.u32 $0x200, s8;
	v14 =	vld.idx.msk [tilespmem:v12+s3+$0x0], $0xffff;
	[tilespmem:s1+$0x14000] =	vst v13;
	(pc) =	sbr.rel @p1 .LBB2_15-.Ltmp6, $4  }
0x145: {  	s22 =	sor.u32 $0x300, s2;
	s12 =	sor.u32 $0x280, s8;
	v16 =	vld.idx.msk [tilespmem:v7+s3+$0x0], $0xffff;
	[tilespmem:s6+$0x14000] =	vst v15;
	s6 =	sor.u32 $0x300, s4  }
0x146: {  	s14 =	sor.u32 $0x300, s8;
	s29 =	sor.u32 $0x380, s4;
	s1 =	sor.u32 $0x380, s2;
	v15 =	vor.u32 $0x300, v3;
	v13 =	vld.idx.msk [tilespmem:v8+s3+$0x0], $0xffff  }
0x147: {  	v17 =	vor.u32 $0x80, v7;
	s30 =	sor.u32 $0x380, s8;
	v12 =	vld.idx.msk [tilespmem:v19+s3+$0x0], $0xffff;
	[tilespmem:s13+$0x14000] =	vst v18  }
0x148: {  	s11 =	sadd.s32 $0x40, s11;
	s28 =	sadd.s32 $0x200, s28;
	v18 =	vor.u32 $0x80, v6;
	v8 =	vld.idx.msk [tilespmem:v20+s3+$0x0], $0xffff  }
0x149: {  	_ = 	snop  }
0x14a: {  	s2 =	sand.u32 $0x40, s26;
	s4 =	sand.u32 $0x1C00, s28;
	v19 =	vor.u32 $0x80, v4  }
0x14b: {  	v20 =	vor.u32 $0x80, v5;
	s2 =	sor.u32 s2, s4  }
0x14c: {  	[tilespmem:s2+$0x14000] =	vst v16  }
0x14d: {  	[tilespmem:s2+$0x14010] =	vst v9;
	v16 =	vld.idx.msk [tilespmem:v17+s3+$0x0], $0xffff  }
0x14e: {  	[tilespmem:s2+$0x14020] =	vst v10;
	v10 =	vor.u32 $0x100, v7;
	v9 =	vld.idx.msk [tilespmem:v18+s3+$0x0], $0xffff  }
0x14f: {  	[tilespmem:s2+$0x14030] =	vst v11;
	v11 =	vor.u32 $0x100, v6;
	v17 =	vld.idx.msk [tilespmem:v19+s3+$0x0], $0xffff  }
0x150: {  	v18 =	vld.idx.msk [tilespmem:v20+s3+$0x0], $0xffff;
	v19 =	vor.u32 $0x100, v4  }
0x151: {  	v20 =	vor.u32 $0x100, v5  }
0x152: {  	[tilespmem:s2+$0x14080] =	vst v16  }
0x153: {  	[tilespmem:s2+$0x14090] =	vst v9;
	v10 =	vld.idx.msk [tilespmem:v10+s3+$0x0], $0xffff  }
0x154: {  	v9 =	vld.idx.msk [tilespmem:v11+s3+$0x0], $0xffff;
	v11 =	vor.u32 $0x180, v7;
	[tilespmem:s2+$0x140A0] =	vst v17  }
0x155: {  	s8 =	sor.u32 $0x280, s21;
	[tilespmem:s2+$0x140B0] =	vst v18;
	v17 =	vor.u32 $0x180, v6;
	v16 =	vld.idx.msk [tilespmem:v19+s3+$0x0], $0xffff  }
0x156: {  	[tilespmem:s8+$0x14000] =	vst v14;
	v18 =	vor.u32 $0x180, v4;
	v14 =	vld.idx.msk [tilespmem:v20+s3+$0x0], $0xffff  }
0x157: {  	[tilespmem:s5+$0x14000] =	vst v13;
	v13 =	vor.u32 $0x180, v5  }
0x158: {  	v15 =	vld.idx.msk [tilespmem:v15+s3+$0x0], $0xffff;
	[tilespmem:s2+$0x14100] =	vst v10  }
0x159: {  	v10 =	vor.u32 $0x300, v2;
	[tilespmem:s2+$0x14110] =	vst v9;
	v11 =	vld.idx.msk [tilespmem:v11+s3+$0x0], $0xffff  }
0x15a: {  	v9 =	vld.idx.msk [tilespmem:v17+s3+$0x0], $0xffff;
	[tilespmem:s2+$0x14120] =	vst v16;
	v16 =	vor.u32 $0x200, v7  }
0x15b: {  	[tilespmem:s2+$0x14130] =	vst v14;
	v14 =	vor.u32 $0x200, v6;
	v17 =	vld.idx.msk [tilespmem:v18+s3+$0x0], $0xffff  }
0x15c: {  	s10 =	sor.u32 $0x300, s21;
	[tilespmem:s7+$0x14000] =	vst v12;
	v12 =	vor.u32 $0x200, v4;
	v13 =	vld.idx.msk [tilespmem:v13+s3+$0x0], $0xffff  }
0x15d: {  	[tilespmem:s10+$0x14000] =	vst v15;
	v15 =	vor.u32 $0x200, v5  }
0x15e: {  	v3 =	vor.u32 $0x380, v3;
	v10 =	vld.idx.msk [tilespmem:v10+s3+$0x0], $0xffff;
	[tilespmem:s2+$0x14180] =	vst v11  }
0x15f: {  	p0 =	por !p0, !p0;
	s4 =	simm.s32 $0x1;
	v11 =	vor.u32 $0x300, v0;
	[tilespmem:s2+$0x14190] =	vst v9;
	v16 =	vld.idx.msk [tilespmem:v16+s3+$0x0], $0xffff  }
0x160: {  	s4 =	simm.s32 @!p0 $0x0;
	v9 =	vld.idx.msk [tilespmem:v14+s3+$0x0], $0xffff;
	v14 =	vor.u32 $0x280, v7;
	[tilespmem:s2+$0x141A0] =	vst v17  }
0x161: {  	s4 =	sshll.u32 s4, $0x6;
	[tilespmem:s2+$0x141B0] =	vst v13;
	v13 =	vor.u32 $0x280, v6;
	v12 =	vld.idx.msk [tilespmem:v12+s3+$0x0], $0xffff  }
0x162: {  	[tilespmem:s12+$0x14000] =	vst v8;
	s4 =	sadd.s32 s4, s28;
	v8 =	vld.idx.msk [tilespmem:v15+s3+$0x0], $0xffff;
	v15 =	vor.u32 $0x280, v4  }
0x163: {  	s11 =	sor.u32 $0x200, s4;
	v3 =	vld.idx.msk [tilespmem:v3+s3+$0x0], $0xffff;
	s2 =	sadd.s32 $0x10, s4;
	[tilespmem:s22+$0x14000] =	vst v10;
	v10 =	vor.u32 $0x280, v5  }
0x164: {  	s5 =	sadd.s32 $0x20, s4;
	v2 =	vor.u32 $0x380, v2;
	s12 =	sor.u32 $0x200, s2;
	v11 =	vld.idx.msk [tilespmem:v11+s3+$0x0], $0xffff;
	[tilespmem:s11+$0x14000] =	vst v16  }
0x165: {  	s8 =	sor.u32 $0x200, s5;
	s10 =	sadd.s32 $0x30, s4;
	v17 =	vor.u32 $0x300, v1;
	[tilespmem:s12+$0x14000] =	vst v9;
	v14 =	vld.idx.msk [tilespmem:v14+s3+$0x0], $0xffff  }
0x166: {  	s0 =	sor.u32 s0, s25;
	s13 =	sor.u32 $0x200, s10;
	v9 =	vor.u32 $0x300, v7;
	[tilespmem:s8+$0x14000] =	vst v12;
	v12 =	vld.idx.msk [tilespmem:v13+s3+$0x0], $0xffff  }
0x167: {  	s0 =	sor.u32 $0x380, s0;
	[tilespmem:s13+$0x14000] =	vst v8;
	v8 =	vor.u32 $0x300, v6;
	v13 =	vld.idx.msk [tilespmem:v15+s3+$0x0], $0xffff  }
0x168: {  	[tilespmem:s0+$0x14000] =	vst v3;
	v3 =	vld.idx.msk [tilespmem:v10+s3+$0x0], $0xffff;
	v10 =	vor.u32 $0x300, v4  }
0x169: {  	s17 =	sor.u32 $0x280, s4;
	v2 =	vld.idx.msk [tilespmem:v2+s3+$0x0], $0xffff;
	[tilespmem:s6+$0x14000] =	vst v11;
	v11 =	vor.u32 $0x300, v5  }
0x16a: {  	v0 =	vor.u32 $0x380, v0;
	s21 =	sor.u32 $0x280, s2;
	v15 =	vld.idx.msk [tilespmem:v17+s3+$0x0], $0xffff;
	[tilespmem:s17+$0x14000] =	vst v14  }
0x16b: {  	v1 =	vor.u32 $0x380, v1;
	s22 =	sor.u32 $0x280, s5;
	v9 =	vld.idx.msk [tilespmem:v9+s3+$0x0], $0xffff;
	[tilespmem:s21+$0x14000] =	vst v12  }
0x16c: {  	s25 =	sor.u32 $0x280, s10;
	v7 =	vor.u32 $0x380, v7;
	v8 =	vld.idx.msk [tilespmem:v8+s3+$0x0], $0xffff;
	[tilespmem:s22+$0x14000] =	vst v13  }
0x16d: {  	v6 =	vor.u32 $0x380, v6;
	[tilespmem:s25+$0x14000] =	vst v3;
	v10 =	vld.idx.msk [tilespmem:v10+s3+$0x0], $0xffff  }
0x16e: {  	v4 =	vor.u32 $0x380, v4;
	[tilespmem:s1+$0x14000] =	vst v2;
	v3 =	vld.idx.msk [tilespmem:v11+s3+$0x0], $0xffff  }
0x16f: {  	s4 =	sor.u32 $0x300, s4;
	v2 =	vor.u32 $0x380, v5;
	v0 =	vld.idx.msk [tilespmem:v0+s3+$0x0], $0xffff;
	[tilespmem:s14+$0x14000] =	vst v15  }
0x170: {  	s6 =	sor.u32 $0x300, s2;
	v1 =	vld.idx.msk [tilespmem:v1+s3+$0x0], $0xffff;
	[tilespmem:s4+$0x14000] =	vst v9  }
0x171: {  	s7 =	sor.u32 $0x300, s5;
	v5 =	vld.idx.msk [tilespmem:v7+s3+$0x0], $0xffff;
	[tilespmem:s6+$0x14000] =	vst v8  }
0x172: {  	s8 =	sor.u32 $0x300, s10;
	v6 =	vld.idx.msk [tilespmem:v6+s3+$0x0], $0xffff;
	[tilespmem:s7+$0x14000] =	vst v10  }
0x173: {  	[tilespmem:s8+$0x14000] =	vst v3;
	v3 =	vld.idx.msk [tilespmem:v4+s3+$0x0], $0xffff  }
0x174: {  	s11 =	sor.u32 s28, s26;
	[tilespmem:s29+$0x14000] =	vst v0;
	v0 =	vld.idx.msk [tilespmem:v2+s3+$0x0], $0xffff  }
0x175: {  	s0 =	sor.u32 $0x380, s11;
	[tilespmem:s30+$0x14000] =	vst v1  }
0x176: {  	s12 =	sor.u32 $0x380, s2;
	[tilespmem:s0+$0x14000] =	vst v5  }
0x177: {  	s24 =	sor.u32 s18, s24;
	s13 =	sor.u32 $0x380, s5;
	[tilespmem:s12+$0x14000] =	vst v6  }
0x178: {  	s14 =	sor.u32 $0x380, s10;
	s25 =	sadd.s32 s24, s9;
	[tilespmem:s13+$0x14000] =	vst v3  }
0x179: {  	s26 =	simm.s32 $0x0;
	s17 =	sadd.s32 $0x400, s25;
	[tilespmem:s14+$0x14000] =	vst v0  }
0x17a: {  	[hbm4b:s17+s26] =	stream.linear.scatter [tilespmem:s20], [sflag:$0x4], $0x2000, $0x38;
	[tilespmem:$0x16000] =	vst v63  }
0x17b: {  	_ =	swait.ge [sflag:s16], $0x2000  }
0x17c: {  	[sflag:s16] =	ssyncset.done $0x0  }
0x17d: {  	s21 =	simm.s32 $0x11830;
	[sflag:s16] =	ssyncadd.s32 $0xFFFFE000  }
0x17e: {  	s22 =	sand.u32 $0x3C0, s26;
	v0 =	vld [tilespmem:s21+$0xFFFFFFE0]  }
0x17f: {  	v1 =	vld [tilespmem:s22+$0x11800];
	_ =	sdelay $0x1  }
0x180: {  	v4 =	vld [tilespmem:s21+$0xFFFFFFF0];
	_ =	sdelay $0x1  }
0x181: {  	v5 =	vld [tilespmem:s21+$0x0]  }
0x182: {  	v2 =	vshll.u32 v0, $0x3;
	v3 =	vshll.u32 v1, $0x3  }
0x183: {  	v0 =	vand.u32 $0x7F, v0;
	v1 =	vand.u32 $0x7F, v1;
	v3 =	vand.u32 $0xFFFFFC00, v3  }
0x184: {  	v6 =	vshll.u32 v4, $0x3;
	v2 =	vand.u32 $0xFFFFFC00, v2;
	v3 =	vor.u32 v1, v3  }
0x185: {  	v2 =	vor.u32 v0, v2;
	v0 =	vand.u32 $0x7F, v4;
	v1 =	vand.u32 $0xFFFFFC00, v6  }
0x186: {  	v4 =	vshll.u32 v5, $0x3;
	v0 =	vor.u32 v0, v1  }
0x187: {  	v1 =	vand.u32 $0x7F, v5;
	v4 =	vand.u32 $0xFFFFFC00, v4  }
0x188: {  	v1 =	vor.u32 v1, v4  }
0x189: {  	v4 =	vld.idx.msk [tilespmem:v3+s3+$0x0], $0xffff  }
0x18a: {  	v6 =	vor.u32 $0x80, v3;
	v5 =	vld.idx.msk [tilespmem:v2+s3+$0x0], $0xffff  }
0x18b: {  	v8 =	vor.u32 $0x80, v2;
	v7 =	vld.idx.msk [tilespmem:v0+s3+$0x0], $0xffff  }
0x18c: {  	s2 =	sand.u32 $0x40, s26;
	s4 =	sand.u32 $0x1C00, s26;
	v9 =	vor.u32 $0x80, v0  }
0x18d: {  	s0 =	sor.u32 s2, s4;
	v10 =	vld.idx.msk [tilespmem:v1+s3+$0x0], $0xffff  }
0x18e: {  	v11 =	vor.u32 $0x80, v1;
	[tilespmem:s0+$0x12000] =	vst v4  }
0x18f: {  	[tilespmem:s0+$0x12010] =	vst v5;
	v4 =	vld.idx.msk [tilespmem:v6+s3+$0x0], $0xffff  }
0x190: {  	v5 =	vld.idx.msk [tilespmem:v8+s3+$0x0], $0xffff;
	[tilespmem:s0+$0x12020] =	vst v7;
	v6 =	vor.u32 $0x100, v3  }
0x191: {  	v8 =	vor.u32 $0x100, v2;
	v7 =	vld.idx.msk [tilespmem:v9+s3+$0x0], $0xffff  }
0x192: {  	[tilespmem:s0+$0x12030] =	vst v10;
	v9 =	vor.u32 $0x100, v0  }
0x193: {  	s5 =	simm.s32 $0x11870;
	v10 =	vld.idx.msk [tilespmem:v11+s3+$0x0], $0xffff  }
0x194: {  	v13 =	vld [tilespmem:s5+$0x0];
	[tilespmem:s0+$0x12080] =	vst v4  }
0x195: {  	v12 =	vor.u32 $0x100, v1;
	[tilespmem:s0+$0x12090] =	vst v5;
	v4 =	vld.idx.msk [tilespmem:v6+s3+$0x0], $0xffff  }
0x196: {  	v5 =	vld.idx.msk [tilespmem:v8+s3+$0x0], $0xffff;
	[tilespmem:s0+$0x120A0] =	vst v7;
	v6 =	vor.u32 $0x180, v3  }
0x197: {  	v8 =	vor.u32 $0x180, v2;
	v7 =	vld.idx.msk [tilespmem:v9+s3+$0x0], $0xffff  }
0x198: {  	v11 =	vld [tilespmem:s5+$0xFFFFFFE0];
	[tilespmem:s0+$0x120B0] =	vst v10;
	v10 =	vor.u32 $0x180, v0  }
0x199: {  	v9 =	vld [tilespmem:s5+$0xFFFFFFF0]  }
0x19a: {  	v12 =	vld.idx.msk [tilespmem:v12+s3+$0x0], $0xffff;
	[tilespmem:s0+$0x12100] =	vst v4  }
0x19b: {  	v4 =	vor.u32 $0x180, v1;
	[tilespmem:s0+$0x12110] =	vst v5;
	v14 =	vld.idx.msk [tilespmem:v6+s3+$0x0], $0xffff  }
0x19c: {  	s28 =	simm.s32 $0x40;
	v5 =	vld.idx.msk [tilespmem:v8+s3+$0x0], $0xffff;
	[tilespmem:s0+$0x12120] =	vst v7  }
0x19d: {  	s6 =	sand.u32 $0x3C0, s28;
	v7 =	vor.u32 $0x200, v3;
	v8 =	vld.idx.msk [tilespmem:v10+s3+$0x0], $0xffff  }
0x19e: {  	v15 =	vor.u32 $0x200, v2;
	v6 =	vshll.u32 v11, $0x3;
	v10 =	vld [tilespmem:s6+$0x11800]  }
0x19f: {  	v11 =	vand.u32 $0x7F, v11;
	[tilespmem:s0+$0x12130] =	vst v12;
	v6 =	vand.u32 $0xFFFFFC00, v6;
	v12 =	vor.u32 $0x200, v0  }
0x1a0: {  	v6 =	vor.u32 v11, v6;
	v16 =	vld.idx.msk [tilespmem:v4+s3+$0x0], $0xffff;
	v4 =	vand.u32 $0x7F, v9;
	v9 =	vshll.u32 v9, $0x3  }
0x1a1: {  	v11 =	vshll.u32 v13, $0x3;
	v9 =	vand.u32 $0xFFFFFC00, v9;
	[tilespmem:s0+$0x12180] =	vst v14;
	v14 =	vor.u32 $0x200, v1  }
0x1a2: {  	v11 =	vand.u32 $0xFFFFFC00, v11;
	[tilespmem:s0+$0x12190] =	vst v5;
	v4 =	vor.u32 v4, v9;
	v9 =	vand.u32 $0x7F, v13;
	v13 =	vld.idx.msk [tilespmem:v7+s3+$0x0], $0xffff  }
0x1a3: {  	p0 =	por $0x0, $0x0;
	s1 =	simm.s32 $0x1;
	v7 =	vshll.u32 v10, $0x3;
	v15 =	vld.idx.msk [tilespmem:v15+s3+$0x0], $0xffff;
	[tilespmem:s0+$0x121A0] =	vst v8;
	v5 =	vor.u32 v9, v11  }
0x1a4: {  	s1 =	simm.s32 @!p0 $0x0;
	v17 =	vor.u32 $0x280, v3;
	v8 =	vand.u32 $0x7F, v10;
	v7 =	vand.u32 $0xFFFFFC00, v7;
	v12 =	vld.idx.msk [tilespmem:v12+s3+$0x0], $0xffff  }
0x1a5: {  	s1 =	sshll.u32 s1, $0x6;
	v9 =	vld.idx.msk [tilespmem:v6+s3+$0x0], $0xffff;
	v7 =	vor.u32 v8, v7;
	[tilespmem:s0+$0x121B0] =	vst v16  }
0x1a6: {  	s21 =	sadd.s32 $0x0, s1;
	v8 =	vor.u32 $0x280, v2;
	v18 =	vld.idx.msk [tilespmem:v14+s3+$0x0], $0xffff  }
0x1a7: {  	s10 =	simm.s32 $0x4;
	s7 =	sor.u32 $0x200, s21;
	v19 =	vor.u32 $0x280, v0;
	v10 =	vld.idx.msk [tilespmem:v4+s3+$0x0], $0xffff  }
0x1a8: {  	s29 =	simm.s32 $0x200;
	s1 =	sadd.s32 $0x10, s21;
	s8 =	sadd.s32 $0x20, s21;
	v20 =	vor.u32 $0x280, v1;
	[tilespmem:s7+$0x12000] =	vst v13;
	v11 =	vld.idx.msk [tilespmem:v5+s3+$0x0], $0xffff  }
0x1a9: {  	s13 =	sadd.s32 $0x30, s21;
	s11 =	sor.u32 $0x200, s1;
	s12 =	sor.u32 $0x200, s8;
	v14 =	vld.idx.msk [tilespmem:v17+s3+$0x0], $0xffff  }
0x1aa: {  	s17 =	sor.u32 $0x200, s13;
	s22 =	sor.u32 $0x300, s1;
	s30 =	sor.u32 $0x380, s8;
	[tilespmem:s11+$0x12000] =	vst v15;
	v16 =	vld.idx.msk [tilespmem:v7+s3+$0x0], $0xffff  }
0x1ab: {  	s14 =	sor.u32 $0x300, s13;
	s31 =	sor.u32 $0x380, s13;
	s5 =	sor.u32 $0x280, s1;
	v15 =	vor.u32 $0x300, v3;
	[tilespmem:s12+$0x12000] =	vst v12;
	v13 =	vld.idx.msk [tilespmem:v8+s3+$0x0], $0xffff  }
0x1ac: {  	s1 =	sor.u32 $0x380, s1;
	s6 =	sor.u32 $0x300, s8;
	s0 =	simm.s32 $0x0;
	v17 =	vor.u32 $0x80, v7;
	v12 =	vld.idx.msk [tilespmem:v19+s3+$0x0], $0xffff;
	[tilespmem:s17+$0x12000] =	vst v18  }
0x1ad: {  	s7 =	sor.u32 $0x280, s8;
	s11 =	simm.s32 $0x118B0;
	s12 =	sor.u32 $0x280, s13;
	v18 =	vor.u32 $0x80, v6;
	v8 =	vld.idx.msk [tilespmem:v20+s3+$0x0], $0xffff  }
.LBB2_17:
0x1ae: {  	v19 =	vld [tilespmem:s11+$0xFFFFFFE0];
	s2 =	sand.u32 $0x40, s28;
	s4 =	sand.u32 $0x1C00, s29;
	v20 =	vor.u32 $0x80, v4;
	s8 =	sor.u32 $0x280, s21  }
0x1af: {  	v22 =	vor.u32 $0x80, v5;
	v21 =	vld [tilespmem:s11+$0xFFFFFFF0];
	s13 =	sor.u32 s2, s4;
	[tilespmem:s8+$0x12000] =	vst v14  }
0x1b0: {  	[tilespmem:s13+$0x12000] =	vst v16;
	v14 =	vld.idx.msk [tilespmem:v15+s3+$0x0], $0xffff;
	v15 =	vor.u32 $0x300, v2  }
0x1b1: {  	v16 =	vld.idx.msk [tilespmem:v17+s3+$0x0], $0xffff;
	[tilespmem:s13+$0x12010] =	vst v9;
	v9 =	vor.u32 $0x300, v0  }
0x1b2: {  	v17 =	vld.idx.msk [tilespmem:v18+s3+$0x0], $0xffff;
	[tilespmem:s13+$0x12020] =	vst v10;
	v10 =	vor.u32 $0x380, v3;
	v3 =	vmov v7  }
0x1b3: {  	v7 =	vor.u32 $0x100, v3;
	v18 =	vld.idx.msk [tilespmem:v20+s3+$0x0], $0xffff;
	[tilespmem:s13+$0x12030] =	vst v11  }
0x1b4: {  	v11 =	vor.u32 $0x100, v6;
	v20 =	vld.idx.msk [tilespmem:v22+s3+$0x0], $0xffff;
	[tilespmem:s5+$0x12000] =	vst v13  }
0x1b5: {  	s2 =	sor.u32 $0x300, s21;
	v13 =	vor.u32 $0x100, v4;
	v15 =	vld.idx.msk [tilespmem:v15+s3+$0x0], $0xffff;
	[tilespmem:s7+$0x12000] =	vst v12  }
0x1b6: {  	v12 =	vor.u32 $0x100, v5;
	[tilespmem:s2+$0x12000] =	vst v14;
	v9 =	vld.idx.msk [tilespmem:v9+s3+$0x0], $0xffff  }
0x1b7: {  	v14 =	vor.u32 $0x300, v1;
	[tilespmem:s13+$0x12080] =	vst v16;
	v10 =	vld.idx.msk [tilespmem:v10+s3+$0x0], $0xffff  }
0x1b8: {  	v16 =	vor.u32 $0x380, v2;
	v2 =	vmov v6;
	v7 =	vld.idx.msk [tilespmem:v7+s3+$0x0], $0xffff;
	[tilespmem:s13+$0x12090] =	vst v17  }
0x1b9: {  	v6 =	vld.idx.msk [tilespmem:v11+s3+$0x0], $0xffff;
	[tilespmem:s13+$0x120A0] =	vst v18  }
0x1ba: {  	v11 =	vor.u32 $0x180, v3;
	v13 =	vld.idx.msk [tilespmem:v13+s3+$0x0], $0xffff;
	[tilespmem:s13+$0x120B0] =	vst v20  }
0x1bb: {  	s2 =	sor.u32 s0, s26;
	s26 =	smov.u32 s28;
	s0 =	smov.u32 s29;
	v17 =	vor.u32 $0x180, v2;
	v12 =	vld.idx.msk [tilespmem:v12+s3+$0x0], $0xffff;
	[tilespmem:s12+$0x12000] =	vst v8  }
0x1bc: {  	s2 =	sor.u32 $0x380, s2;
	v8 =	vor.u32 $0x180, v4;
	[tilespmem:s22+$0x12000] =	vst v15;
	v14 =	vld.idx.msk [tilespmem:v14+s3+$0x0], $0xffff  }
0x1bd: {  	[tilespmem:s2+$0x12000] =	vst v10;
	v10 =	vld.idx.msk [tilespmem:v16+s3+$0x0], $0xffff  }
0x1be: {  	v15 =	vld [tilespmem:s11+$0x0];
	[tilespmem:s13+$0x12100] =	vst v7;
	v7 =	vor.u32 $0x180, v5  }
0x1bf: {  	v16 =	vor.u32 $0x380, v0;
	v0 =	vmov v4;
	v11 =	vld.idx.msk [tilespmem:v11+s3+$0x0], $0xffff;
	[tilespmem:s13+$0x12110] =	vst v6  }
0x1c0: {  	s28 =	sadd.s32 $0x40, s28;
	v4 =	vor.u32 $0x380, v1;
	v1 =	vmov v5;
	v17 =	vld.idx.msk [tilespmem:v17+s3+$0x0], $0xffff;
	[tilespmem:s13+$0x12120] =	vst v13  }
0x1c1: {  	s10 =	sadd.s32 $0x4, s10;
	s2 =	sand.u32 $0x3C0, s28;
	v5 =	vor.u32 $0x200, v3;
	v8 =	vld.idx.msk [tilespmem:v8+s3+$0x0], $0xffff;
	[tilespmem:s13+$0x12130] =	vst v12  }
0x1c2: {  	p1 =	slt.u32 s10, $0x3C;
	v6 =	vshll.u32 v19, $0x3;
	v13 =	vor.u32 $0x200, v2;
	v12 =	vld [tilespmem:s2+$0x11800];
	[tilespmem:s6+$0x12000] =	vst v9  }
0x1c3: {  	v18 =	vor.u32 $0x200, v0;
	v6 =	vand.u32 $0xFFFFFC00, v6;
	v9 =	vand.u32 $0x7F, v19;
	v19 =	vld.idx.msk [tilespmem:v7+s3+$0x0], $0xffff;
	[tilespmem:s14+$0x12000] =	vst v14  }
0x1c4: {  	v6 =	vor.u32 v9, v6;
	v7 =	vand.u32 $0x7F, v21;
	v9 =	vshll.u32 v21, $0x3;
	[tilespmem:s1+$0x12000] =	vst v10;
	v10 =	vld.idx.msk [tilespmem:v16+s3+$0x0], $0xffff  }
0x1c5: {  	v14 =	vshll.u32 v15, $0x3;
	v9 =	vand.u32 $0xFFFFFC00, v9;
	[tilespmem:s13+$0x12180] =	vst v11;
	v11 =	vor.u32 $0x200, v1;
	v16 =	vld.idx.msk [tilespmem:v4+s3+$0x0], $0xffff  }
0x1c6: {  	p0 =	por !p0, !p0;
	s1 =	simm.s32 $0x1;
	v4 =	vor.u32 v7, v9;
	v7 =	vand.u32 $0x7F, v15;
	v9 =	vand.u32 $0xFFFFFC00, v14;
	v14 =	vld.idx.msk [tilespmem:v5+s3+$0x0], $0xffff;
	[tilespmem:s13+$0x12190] =	vst v17  }
0x1c7: {  	s1 =	simm.s32 @!p0 $0x0;
	v5 =	vor.u32 v7, v9;
	v15 =	vshll.u32 v12, $0x3;
	v13 =	vld.idx.msk [tilespmem:v13+s3+$0x0], $0xffff;
	[tilespmem:s13+$0x121A0] =	vst v8  }
0x1c8: {  	s1 =	sshll.u32 s1, $0x6;
	v7 =	vand.u32 $0x7F, v12;
	v12 =	vor.u32 $0x280, v3;
	v8 =	vand.u32 $0xFFFFFC00, v15;
	v15 =	vld.idx.msk [tilespmem:v18+s3+$0x0], $0xffff  }
0x1c9: {  	s21 =	sadd.s32 s1, s29;
	v7 =	vor.u32 v7, v8;
	v9 =	vld.idx.msk [tilespmem:v6+s3+$0x0], $0xffff;
	[tilespmem:s13+$0x121B0] =	vst v19  }
0x1ca: {  	s1 =	sor.u32 $0x200, s21;
	v8 =	vor.u32 $0x280, v2;
	v18 =	vld.idx.msk [tilespmem:v11+s3+$0x0], $0xffff;
	[tilespmem:s30+$0x12000] =	vst v10  }
0x1cb: {  	s2 =	sadd.s32 $0x10, s21;
	s4 =	sadd.s32 $0x20, s21;
	s8 =	sadd.s32 $0x30, s21;
	v19 =	vor.u32 $0x280, v0;
	v10 =	vld.idx.msk [tilespmem:v4+s3+$0x0], $0xffff;
	[tilespmem:s31+$0x12000] =	vst v16  }
0x1cc: {  	v20 =	vor.u32 $0x280, v1;
	s6 =	sor.u32 $0x200, s4;
	s5 =	sor.u32 $0x280, s2;
	v11 =	vld.idx.msk [tilespmem:v5+s3+$0x0], $0xffff;
	[tilespmem:s1+$0x12000] =	vst v14;
	s1 =	sor.u32 $0x200, s2  }
.Ltmp7:
0x1cd: {  	s7 =	sor.u32 $0x280, s4;
	s13 =	sor.u32 $0x200, s8;
	v14 =	vld.idx.msk [tilespmem:v12+s3+$0x0], $0xffff;
	[tilespmem:s1+$0x12000] =	vst v13;
	(pc) =	sbr.rel @p1 .LBB2_17-.Ltmp7, $4  }
0x1ce: {  	s22 =	sor.u32 $0x300, s2;
	s12 =	sor.u32 $0x280, s8;
	v16 =	vld.idx.msk [tilespmem:v7+s3+$0x0], $0xffff;
	[tilespmem:s6+$0x12000] =	vst v15;
	s6 =	sor.u32 $0x300, s4  }
0x1cf: {  	s14 =	sor.u32 $0x300, s8;
	s30 =	sor.u32 $0x380, s4;
	s1 =	sor.u32 $0x380, s2;
	v15 =	vor.u32 $0x300, v3;
	v13 =	vld.idx.msk [tilespmem:v8+s3+$0x0], $0xffff  }
0x1d0: {  	v17 =	vor.u32 $0x80, v7;
	s31 =	sor.u32 $0x380, s8;
	v12 =	vld.idx.msk [tilespmem:v19+s3+$0x0], $0xffff;
	[tilespmem:s13+$0x12000] =	vst v18  }
0x1d1: {  	s11 =	sadd.s32 $0x40, s11;
	s29 =	sadd.s32 $0x200, s29;
	v18 =	vor.u32 $0x80, v6;
	v8 =	vld.idx.msk [tilespmem:v20+s3+$0x0], $0xffff  }
0x1d2: {  	_ = 	snop  }
0x1d3: {  	s2 =	sand.u32 $0x40, s28;
	s4 =	sand.u32 $0x1C00, s29;
	v19 =	vor.u32 $0x80, v4  }
0x1d4: {  	v20 =	vor.u32 $0x80, v5;
	s2 =	sor.u32 s2, s4  }
0x1d5: {  	[tilespmem:s2+$0x12000] =	vst v16  }
0x1d6: {  	[tilespmem:s2+$0x12010] =	vst v9;
	v16 =	vld.idx.msk [tilespmem:v17+s3+$0x0], $0xffff  }
0x1d7: {  	[tilespmem:s2+$0x12020] =	vst v10;
	v10 =	vor.u32 $0x100, v7;
	v9 =	vld.idx.msk [tilespmem:v18+s3+$0x0], $0xffff  }
0x1d8: {  	[tilespmem:s2+$0x12030] =	vst v11;
	v11 =	vor.u32 $0x100, v6;
	v17 =	vld.idx.msk [tilespmem:v19+s3+$0x0], $0xffff  }
0x1d9: {  	v18 =	vld.idx.msk [tilespmem:v20+s3+$0x0], $0xffff;
	v19 =	vor.u32 $0x100, v4  }
0x1da: {  	v20 =	vor.u32 $0x100, v5  }
0x1db: {  	[tilespmem:s2+$0x12080] =	vst v16  }
0x1dc: {  	[tilespmem:s2+$0x12090] =	vst v9;
	v10 =	vld.idx.msk [tilespmem:v10+s3+$0x0], $0xffff  }
0x1dd: {  	v9 =	vld.idx.msk [tilespmem:v11+s3+$0x0], $0xffff;
	v11 =	vor.u32 $0x180, v7;
	[tilespmem:s2+$0x120A0] =	vst v17  }
0x1de: {  	s13 =	sor.u32 $0x280, s21;
	[tilespmem:s2+$0x120B0] =	vst v18;
	v17 =	vor.u32 $0x180, v6;
	v16 =	vld.idx.msk [tilespmem:v19+s3+$0x0], $0xffff  }
0x1df: {  	[tilespmem:s13+$0x12000] =	vst v14;
	v18 =	vor.u32 $0x180, v4;
	v14 =	vld.idx.msk [tilespmem:v20+s3+$0x0], $0xffff  }
0x1e0: {  	[tilespmem:s5+$0x12000] =	vst v13;
	v13 =	vor.u32 $0x180, v5  }
0x1e1: {  	v15 =	vld.idx.msk [tilespmem:v15+s3+$0x0], $0xffff;
	[tilespmem:s2+$0x12100] =	vst v10  }
0x1e2: {  	v10 =	vor.u32 $0x300, v2;
	[tilespmem:s2+$0x12110] =	vst v9;
	v11 =	vld.idx.msk [tilespmem:v11+s3+$0x0], $0xffff  }
0x1e3: {  	v9 =	vld.idx.msk [tilespmem:v17+s3+$0x0], $0xffff;
	[tilespmem:s2+$0x12120] =	vst v16;
	v16 =	vor.u32 $0x200, v7  }
0x1e4: {  	[tilespmem:s2+$0x12130] =	vst v14;
	v14 =	vor.u32 $0x200, v6;
	v17 =	vld.idx.msk [tilespmem:v18+s3+$0x0], $0xffff  }
0x1e5: {  	s17 =	sor.u32 $0x300, s21;
	[tilespmem:s7+$0x12000] =	vst v12;
	v12 =	vor.u32 $0x200, v4;
	v13 =	vld.idx.msk [tilespmem:v13+s3+$0x0], $0xffff  }
0x1e6: {  	[tilespmem:s17+$0x12000] =	vst v15;
	v15 =	vor.u32 $0x200, v5  }
0x1e7: {  	v3 =	vor.u32 $0x380, v3;
	v10 =	vld.idx.msk [tilespmem:v10+s3+$0x0], $0xffff;
	[tilespmem:s2+$0x12180] =	vst v11  }
0x1e8: {  	p0 =	por !p0, !p0;
	s4 =	simm.s32 $0x1;
	v11 =	vor.u32 $0x300, v0;
	[tilespmem:s2+$0x12190] =	vst v9;
	v16 =	vld.idx.msk [tilespmem:v16+s3+$0x0], $0xffff  }
0x1e9: {  	s4 =	simm.s32 @!p0 $0x0;
	v9 =	vld.idx.msk [tilespmem:v14+s3+$0x0], $0xffff;
	v14 =	vor.u32 $0x280, v7;
	[tilespmem:s2+$0x121A0] =	vst v17  }
0x1ea: {  	s4 =	sshll.u32 s4, $0x6;
	[tilespmem:s2+$0x121B0] =	vst v13;
	v13 =	vor.u32 $0x280, v6;
	v12 =	vld.idx.msk [tilespmem:v12+s3+$0x0], $0xffff  }
0x1eb: {  	[tilespmem:s12+$0x12000] =	vst v8;
	s4 =	sadd.s32 s4, s29;
	v8 =	vld.idx.msk [tilespmem:v15+s3+$0x0], $0xffff;
	v15 =	vor.u32 $0x280, v4  }
0x1ec: {  	s21 =	sor.u32 $0x200, s4;
	v3 =	vld.idx.msk [tilespmem:v3+s3+$0x0], $0xffff;
	s2 =	sadd.s32 $0x10, s4;
	[tilespmem:s22+$0x12000] =	vst v10;
	v10 =	vor.u32 $0x280, v5  }
0x1ed: {  	s5 =	sadd.s32 $0x20, s4;
	v2 =	vor.u32 $0x380, v2;
	s22 =	sor.u32 $0x200, s2;
	v11 =	vld.idx.msk [tilespmem:v11+s3+$0x0], $0xffff;
	[tilespmem:s21+$0x12000] =	vst v16  }
0x1ee: {  	s10 =	sadd.s32 $0x30, s4;
	s8 =	sor.u32 $0x200, s5;
	v17 =	vor.u32 $0x300, v1;
	[tilespmem:s22+$0x12000] =	vst v9;
	v14 =	vld.idx.msk [tilespmem:v14+s3+$0x0], $0xffff  }
0x1ef: {  	s0 =	sor.u32 s0, s26;
	s26 =	sor.u32 $0x200, s10;
	v9 =	vor.u32 $0x300, v7;
	[tilespmem:s8+$0x12000] =	vst v12;
	v12 =	vld.idx.msk [tilespmem:v13+s3+$0x0], $0xffff  }
0x1f0: {  	s0 =	sor.u32 $0x380, s0;
	[tilespmem:s26+$0x12000] =	vst v8;
	v8 =	vor.u32 $0x300, v6;
	v13 =	vld.idx.msk [tilespmem:v15+s3+$0x0], $0xffff  }
0x1f1: {  	[tilespmem:s0+$0x12000] =	vst v3;
	v3 =	vld.idx.msk [tilespmem:v10+s3+$0x0], $0xffff;
	v10 =	vor.u32 $0x300, v4  }
0x1f2: {  	s7 =	sor.u32 $0x280, s4;
	v2 =	vld.idx.msk [tilespmem:v2+s3+$0x0], $0xffff;
	[tilespmem:s6+$0x12000] =	vst v11;
	v11 =	vor.u32 $0x300, v5  }
0x1f3: {  	v0 =	vor.u32 $0x380, v0;
	s8 =	sor.u32 $0x280, s2;
	v15 =	vld.idx.msk [tilespmem:v17+s3+$0x0], $0xffff;
	[tilespmem:s7+$0x12000] =	vst v14  }
0x1f4: {  	s11 =	sor.u32 $0x280, s5;
	v1 =	vor.u32 $0x380, v1;
	v9 =	vld.idx.msk [tilespmem:v9+s3+$0x0], $0xffff;
	[tilespmem:s8+$0x12000] =	vst v12  }
0x1f5: {  	s12 =	sor.u32 $0x280, s10;
	v7 =	vor.u32 $0x380, v7;
	v8 =	vld.idx.msk [tilespmem:v8+s3+$0x0], $0xffff;
	[tilespmem:s11+$0x12000] =	vst v13  }
0x1f6: {  	v6 =	vor.u32 $0x380, v6;
	[tilespmem:s12+$0x12000] =	vst v3;
	v10 =	vld.idx.msk [tilespmem:v10+s3+$0x0], $0xffff  }
0x1f7: {  	v4 =	vor.u32 $0x380, v4;
	[tilespmem:s1+$0x12000] =	vst v2;
	v3 =	vld.idx.msk [tilespmem:v11+s3+$0x0], $0xffff  }
0x1f8: {  	s13 =	sor.u32 $0x300, s4;
	v2 =	vor.u32 $0x380, v5;
	v0 =	vld.idx.msk [tilespmem:v0+s3+$0x0], $0xffff;
	[tilespmem:s14+$0x12000] =	vst v15  }
0x1f9: {  	s14 =	sor.u32 $0x300, s2;
	v1 =	vld.idx.msk [tilespmem:v1+s3+$0x0], $0xffff;
	[tilespmem:s13+$0x12000] =	vst v9  }
0x1fa: {  	s17 =	sor.u32 $0x300, s5;
	v5 =	vld.idx.msk [tilespmem:v7+s3+$0x0], $0xffff;
	[tilespmem:s14+$0x12000] =	vst v8  }
0x1fb: {  	s21 =	sor.u32 $0x300, s10;
	v6 =	vld.idx.msk [tilespmem:v6+s3+$0x0], $0xffff;
	[tilespmem:s17+$0x12000] =	vst v10  }
0x1fc: {  	[tilespmem:s21+$0x12000] =	vst v3;
	v3 =	vld.idx.msk [tilespmem:v4+s3+$0x0], $0xffff  }
0x1fd: {  	s22 =	sor.u32 s29, s28;
	[tilespmem:s30+$0x12000] =	vst v0;
	v0 =	vld.idx.msk [tilespmem:v2+s3+$0x0], $0xffff  }
0x1fe: {  	s0 =	sor.u32 $0x380, s22;
	[tilespmem:s31+$0x12000] =	vst v1  }
0x1ff: {  	s26 =	sor.u32 $0x380, s2;
	[tilespmem:s0+$0x12000] =	vst v5  }
0x200: {  	s31 =	sor.u32 $0x380, s5;
	[tilespmem:s26+$0x12000] =	vst v6  }
0x201: {  	s2 =	sor.u32 $0x380, s10;
	[tilespmem:s31+$0x12000] =	vst v3  }
0x202: {  	s4 =	sadd.s32 $0x800, s25;
	s25 =	simm.s32 $0x0;
	[tilespmem:s2+$0x12000] =	vst v0  }
0x203: {  	[hbm4b:s4+s25] =	stream.linear.scatter [tilespmem:s15], [sflag:$0x3], $0x2000, $0x38;
	[tilespmem:$0x16000] =	vst v63  }
0x204: {  	_ =	swait.ge [sflag:s19], $0x2000  }
0x205: {  	[sflag:s19] =	ssyncset.done $0x0  }
0x206: {  	s5 =	simm.s32 $0x11C30;
	[sflag:s19] =	ssyncadd.s32 $0xFFFFE000  }
0x207: {  	s6 =	sand.u32 $0x3C0, s25;
	v0 =	vld [tilespmem:s5+$0xFFFFFFE0]  }
0x208: {  	v1 =	vld [tilespmem:s6+$0x11C00];
	_ =	sdelay $0x1  }
0x209: {  	v4 =	vld [tilespmem:s5+$0xFFFFFFF0];
	_ =	sdelay $0x1  }
0x20a: {  	v5 =	vld [tilespmem:s5+$0x0]  }
0x20b: {  	v2 =	vshll.u32 v0, $0x3;
	v3 =	vshll.u32 v1, $0x3  }
0x20c: {  	v0 =	vand.u32 $0x7F, v0;
	v1 =	vand.u32 $0x7F, v1;
	v3 =	vand.u32 $0xFFFFFC00, v3  }
0x20d: {  	v6 =	vshll.u32 v4, $0x3;
	v2 =	vand.u32 $0xFFFFFC00, v2;
	v3 =	vor.u32 v1, v3  }
0x20e: {  	v2 =	vor.u32 v0, v2;
	v0 =	vand.u32 $0x7F, v4;
	v1 =	vand.u32 $0xFFFFFC00, v6  }
0x20f: {  	v4 =	vshll.u32 v5, $0x3;
	v0 =	vor.u32 v0, v1  }
0x210: {  	v1 =	vand.u32 $0x7F, v5;
	v4 =	vand.u32 $0xFFFFFC00, v4  }
0x211: {  	v1 =	vor.u32 v1, v4  }
0x212: {  	v4 =	vld.idx.msk [tilespmem:v3+s3+$0x0], $0xffff  }
0x213: {  	v6 =	vor.u32 $0x80, v3;
	v5 =	vld.idx.msk [tilespmem:v2+s3+$0x0], $0xffff  }
0x214: {  	v8 =	vor.u32 $0x80, v2;
	v7 =	vld.idx.msk [tilespmem:v0+s3+$0x0], $0xffff  }
0x215: {  	s7 =	sand.u32 $0x40, s25;
	s8 =	sand.u32 $0x1C00, s25;
	v9 =	vor.u32 $0x80, v0  }
0x216: {  	s0 =	sor.u32 s7, s8;
	v10 =	vld.idx.msk [tilespmem:v1+s3+$0x0], $0xffff  }
0x217: {  	v11 =	vor.u32 $0x80, v1;
	[tilespmem:s0+$0x14000] =	vst v4  }
0x218: {  	[tilespmem:s0+$0x14010] =	vst v5;
	v4 =	vld.idx.msk [tilespmem:v6+s3+$0x0], $0xffff  }
0x219: {  	v5 =	vld.idx.msk [tilespmem:v8+s3+$0x0], $0xffff;
	[tilespmem:s0+$0x14020] =	vst v7;
	v6 =	vor.u32 $0x100, v3  }
0x21a: {  	v8 =	vor.u32 $0x100, v2;
	v7 =	vld.idx.msk [tilespmem:v9+s3+$0x0], $0xffff  }
0x21b: {  	[tilespmem:s0+$0x14030] =	vst v10;
	v9 =	vor.u32 $0x100, v0  }
0x21c: {  	s10 =	simm.s32 $0x11C70;
	v10 =	vld.idx.msk [tilespmem:v11+s3+$0x0], $0xffff  }
0x21d: {  	v13 =	vld [tilespmem:s10+$0x0];
	[tilespmem:s0+$0x14080] =	vst v4  }
0x21e: {  	v12 =	vor.u32 $0x100, v1;
	[tilespmem:s0+$0x14090] =	vst v5;
	v4 =	vld.idx.msk [tilespmem:v6+s3+$0x0], $0xffff  }
0x21f: {  	v5 =	vld.idx.msk [tilespmem:v8+s3+$0x0], $0xffff;
	[tilespmem:s0+$0x140A0] =	vst v7;
	v6 =	vor.u32 $0x180, v3  }
0x220: {  	v8 =	vor.u32 $0x180, v2;
	v7 =	vld.idx.msk [tilespmem:v9+s3+$0x0], $0xffff  }
0x221: {  	v11 =	vld [tilespmem:s10+$0xFFFFFFE0];
	[tilespmem:s0+$0x140B0] =	vst v10;
	v10 =	vor.u32 $0x180, v0  }
0x222: {  	v9 =	vld [tilespmem:s10+$0xFFFFFFF0]  }
0x223: {  	v12 =	vld.idx.msk [tilespmem:v12+s3+$0x0], $0xffff;
	[tilespmem:s0+$0x14100] =	vst v4  }
0x224: {  	v4 =	vor.u32 $0x180, v1;
	[tilespmem:s0+$0x14110] =	vst v5;
	v14 =	vld.idx.msk [tilespmem:v6+s3+$0x0], $0xffff  }
0x225: {  	s26 =	simm.s32 $0x40;
	v5 =	vld.idx.msk [tilespmem:v8+s3+$0x0], $0xffff;
	[tilespmem:s0+$0x14120] =	vst v7  }
0x226: {  	s11 =	sand.u32 $0x3C0, s26;
	v7 =	vor.u32 $0x200, v3;
	v8 =	vld.idx.msk [tilespmem:v10+s3+$0x0], $0xffff  }
0x227: {  	v15 =	vor.u32 $0x200, v2;
	v6 =	vshll.u32 v11, $0x3;
	v10 =	vld [tilespmem:s11+$0x11C00]  }
0x228: {  	v11 =	vand.u32 $0x7F, v11;
	[tilespmem:s0+$0x14130] =	vst v12;
	v6 =	vand.u32 $0xFFFFFC00, v6;
	v12 =	vor.u32 $0x200, v0  }
0x229: {  	v6 =	vor.u32 v11, v6;
	v16 =	vld.idx.msk [tilespmem:v4+s3+$0x0], $0xffff;
	v4 =	vand.u32 $0x7F, v9;
	v9 =	vshll.u32 v9, $0x3  }
0x22a: {  	v11 =	vshll.u32 v13, $0x3;
	v9 =	vand.u32 $0xFFFFFC00, v9;
	[tilespmem:s0+$0x14180] =	vst v14;
	v14 =	vor.u32 $0x200, v1  }
0x22b: {  	v11 =	vand.u32 $0xFFFFFC00, v11;
	[tilespmem:s0+$0x14190] =	vst v5;
	v4 =	vor.u32 v4, v9;
	v9 =	vand.u32 $0x7F, v13;
	v13 =	vld.idx.msk [tilespmem:v7+s3+$0x0], $0xffff  }
0x22c: {  	p0 =	por $0x0, $0x0;
	s1 =	simm.s32 $0x1;
	v7 =	vshll.u32 v10, $0x3;
	v15 =	vld.idx.msk [tilespmem:v15+s3+$0x0], $0xffff;
	[tilespmem:s0+$0x141A0] =	vst v8;
	v5 =	vor.u32 v9, v11  }
0x22d: {  	s1 =	simm.s32 @!p0 $0x0;
	v17 =	vor.u32 $0x280, v3;
	v8 =	vand.u32 $0x7F, v10;
	v7 =	vand.u32 $0xFFFFFC00, v7;
	v12 =	vld.idx.msk [tilespmem:v12+s3+$0x0], $0xffff  }
0x22e: {  	s1 =	sshll.u32 s1, $0x6;
	v9 =	vld.idx.msk [tilespmem:v6+s3+$0x0], $0xffff;
	v7 =	vor.u32 v8, v7;
	[tilespmem:s0+$0x141B0] =	vst v16  }
0x22f: {  	s21 =	sadd.s32 $0x0, s1;
	v8 =	vor.u32 $0x280, v2;
	v18 =	vld.idx.msk [tilespmem:v14+s3+$0x0], $0xffff  }
0x230: {  	s28 =	simm.s32 $0x200;
	s12 =	sor.u32 $0x200, s21;
	v19 =	vor.u32 $0x280, v0;
	v10 =	vld.idx.msk [tilespmem:v4+s3+$0x0], $0xffff  }
0x231: {  	s1 =	sadd.s32 $0x10, s21;
	s13 =	sadd.s32 $0x20, s21;
	s17 =	sadd.s32 $0x30, s21;
	v20 =	vor.u32 $0x280, v1;
	[tilespmem:s12+$0x14000] =	vst v13;
	v11 =	vld.idx.msk [tilespmem:v5+s3+$0x0], $0xffff  }
0x232: {  	s14 =	sor.u32 $0x200, s1;
	s22 =	sor.u32 $0x300, s1;
	s29 =	sor.u32 $0x380, s13;
	v14 =	vld.idx.msk [tilespmem:v17+s3+$0x0], $0xffff  }
0x233: {  	s30 =	sor.u32 $0x380, s17;
	s7 =	sor.u32 $0x280, s13;
	s15 =	sor.u32 $0x200, s13;
	[tilespmem:s14+$0x14000] =	vst v15;
	v16 =	vld.idx.msk [tilespmem:v7+s3+$0x0], $0xffff  }
0x234: {  	s31 =	sor.u32 $0x200, s17;
	s5 =	sor.u32 $0x280, s1;
	s6 =	sor.u32 $0x300, s13;
	v15 =	vor.u32 $0x300, v3;
	[tilespmem:s15+$0x14000] =	vst v12;
	v13 =	vld.idx.msk [tilespmem:v8+s3+$0x0], $0xffff  }
0x235: {  	s1 =	sor.u32 $0x380, s1;
	s10 =	simm.s32 $0x4;
	s11 =	simm.s32 $0x11CB0;
	v17 =	vor.u32 $0x80, v7;
	v12 =	vld.idx.msk [tilespmem:v19+s3+$0x0], $0xffff;
	[tilespmem:s31+$0x14000] =	vst v18  }
0x236: {  	s0 =	simm.s32 $0x0;
	s12 =	sor.u32 $0x280, s17;
	s14 =	sor.u32 $0x300, s17;
	v18 =	vor.u32 $0x80, v6;
	v8 =	vld.idx.msk [tilespmem:v20+s3+$0x0], $0xffff  }
.LBB2_19:
0x237: {  	v19 =	vld [tilespmem:s11+$0xFFFFFFE0];
	s2 =	sand.u32 $0x40, s26;
	s4 =	sand.u32 $0x1C00, s28;
	v20 =	vor.u32 $0x80, v4;
	s8 =	sor.u32 $0x280, s21  }
0x238: {  	v22 =	vor.u32 $0x80, v5;
	v21 =	vld [tilespmem:s11+$0xFFFFFFF0];
	s13 =	sor.u32 s2, s4;
	[tilespmem:s8+$0x14000] =	vst v14  }
0x239: {  	[tilespmem:s13+$0x14000] =	vst v16;
	v14 =	vld.idx.msk [tilespmem:v15+s3+$0x0], $0xffff;
	v15 =	vor.u32 $0x300, v2  }
0x23a: {  	v16 =	vld.idx.msk [tilespmem:v17+s3+$0x0], $0xffff;
	[tilespmem:s13+$0x14010] =	vst v9;
	v9 =	vor.u32 $0x300, v0  }
0x23b: {  	v17 =	vld.idx.msk [tilespmem:v18+s3+$0x0], $0xffff;
	[tilespmem:s13+$0x14020] =	vst v10;
	v10 =	vor.u32 $0x380, v3;
	v3 =	vmov v7  }
0x23c: {  	v7 =	vor.u32 $0x100, v3;
	v18 =	vld.idx.msk [tilespmem:v20+s3+$0x0], $0xffff;
	[tilespmem:s13+$0x14030] =	vst v11  }
0x23d: {  	v11 =	vor.u32 $0x100, v6;
	v20 =	vld.idx.msk [tilespmem:v22+s3+$0x0], $0xffff;
	[tilespmem:s5+$0x14000] =	vst v13  }
0x23e: {  	s2 =	sor.u32 $0x300, s21;
	v13 =	vor.u32 $0x100, v4;
	v15 =	vld.idx.msk [tilespmem:v15+s3+$0x0], $0xffff;
	[tilespmem:s7+$0x14000] =	vst v12  }
0x23f: {  	v12 =	vor.u32 $0x100, v5;
	[tilespmem:s2+$0x14000] =	vst v14;
	v9 =	vld.idx.msk [tilespmem:v9+s3+$0x0], $0xffff  }
0x240: {  	v14 =	vor.u32 $0x300, v1;
	[tilespmem:s13+$0x14080] =	vst v16;
	v10 =	vld.idx.msk [tilespmem:v10+s3+$0x0], $0xffff  }
0x241: {  	v16 =	vor.u32 $0x380, v2;
	v2 =	vmov v6;
	v7 =	vld.idx.msk [tilespmem:v7+s3+$0x0], $0xffff;
	[tilespmem:s13+$0x14090] =	vst v17  }
0x242: {  	v6 =	vld.idx.msk [tilespmem:v11+s3+$0x0], $0xffff;
	[tilespmem:s13+$0x140A0] =	vst v18  }
0x243: {  	v11 =	vor.u32 $0x180, v3;
	v13 =	vld.idx.msk [tilespmem:v13+s3+$0x0], $0xffff;
	[tilespmem:s13+$0x140B0] =	vst v20  }
0x244: {  	s2 =	sor.u32 s0, s25;
	s25 =	smov.u32 s26;
	s0 =	smov.u32 s28;
	v17 =	vor.u32 $0x180, v2;
	v12 =	vld.idx.msk [tilespmem:v12+s3+$0x0], $0xffff;
	[tilespmem:s12+$0x14000] =	vst v8  }
0x245: {  	s2 =	sor.u32 $0x380, s2;
	v8 =	vor.u32 $0x180, v4;
	[tilespmem:s22+$0x14000] =	vst v15;
	v14 =	vld.idx.msk [tilespmem:v14+s3+$0x0], $0xffff  }
0x246: {  	[tilespmem:s2+$0x14000] =	vst v10;
	v10 =	vld.idx.msk [tilespmem:v16+s3+$0x0], $0xffff  }
0x247: {  	v15 =	vld [tilespmem:s11+$0x0];
	[tilespmem:s13+$0x14100] =	vst v7;
	v7 =	vor.u32 $0x180, v5  }
0x248: {  	v16 =	vor.u32 $0x380, v0;
	v0 =	vmov v4;
	v11 =	vld.idx.msk [tilespmem:v11+s3+$0x0], $0xffff;
	[tilespmem:s13+$0x14110] =	vst v6  }
0x249: {  	s26 =	sadd.s32 $0x40, s26;
	v4 =	vor.u32 $0x380, v1;
	v1 =	vmov v5;
	v17 =	vld.idx.msk [tilespmem:v17+s3+$0x0], $0xffff;
	[tilespmem:s13+$0x14120] =	vst v13  }
0x24a: {  	s10 =	sadd.s32 $0x4, s10;
	s2 =	sand.u32 $0x3C0, s26;
	v5 =	vor.u32 $0x200, v3;
	v8 =	vld.idx.msk [tilespmem:v8+s3+$0x0], $0xffff;
	[tilespmem:s13+$0x14130] =	vst v12  }
0x24b: {  	p1 =	slt.u32 s10, $0x3C;
	v6 =	vshll.u32 v19, $0x3;
	v13 =	vor.u32 $0x200, v2;
	v12 =	vld [tilespmem:s2+$0x11C00];
	[tilespmem:s6+$0x14000] =	vst v9  }
0x24c: {  	v18 =	vor.u32 $0x200, v0;
	v6 =	vand.u32 $0xFFFFFC00, v6;
	v9 =	vand.u32 $0x7F, v19;
	v19 =	vld.idx.msk [tilespmem:v7+s3+$0x0], $0xffff;
	[tilespmem:s14+$0x14000] =	vst v14  }
0x24d: {  	v6 =	vor.u32 v9, v6;
	v7 =	vand.u32 $0x7F, v21;
	v9 =	vshll.u32 v21, $0x3;
	[tilespmem:s1+$0x14000] =	vst v10;
	v10 =	vld.idx.msk [tilespmem:v16+s3+$0x0], $0xffff  }
0x24e: {  	v14 =	vshll.u32 v15, $0x3;
	v9 =	vand.u32 $0xFFFFFC00, v9;
	[tilespmem:s13+$0x14180] =	vst v11;
	v11 =	vor.u32 $0x200, v1;
	v16 =	vld.idx.msk [tilespmem:v4+s3+$0x0], $0xffff  }
0x24f: {  	p0 =	por !p0, !p0;
	s1 =	simm.s32 $0x1;
	v4 =	vor.u32 v7, v9;
	v7 =	vand.u32 $0x7F, v15;
	v9 =	vand.u32 $0xFFFFFC00, v14;
	v14 =	vld.idx.msk [tilespmem:v5+s3+$0x0], $0xffff;
	[tilespmem:s13+$0x14190] =	vst v17  }
0x250: {  	s1 =	simm.s32 @!p0 $0x0;
	v5 =	vor.u32 v7, v9;
	v15 =	vshll.u32 v12, $0x3;
	v13 =	vld.idx.msk [tilespmem:v13+s3+$0x0], $0xffff;
	[tilespmem:s13+$0x141A0] =	vst v8  }
0x251: {  	s1 =	sshll.u32 s1, $0x6;
	v7 =	vand.u32 $0x7F, v12;
	v12 =	vor.u32 $0x280, v3;
	v8 =	vand.u32 $0xFFFFFC00, v15;
	v15 =	vld.idx.msk [tilespmem:v18+s3+$0x0], $0xffff  }
0x252: {  	s21 =	sadd.s32 s1, s28;
	v7 =	vor.u32 v7, v8;
	v9 =	vld.idx.msk [tilespmem:v6+s3+$0x0], $0xffff;
	[tilespmem:s13+$0x141B0] =	vst v19  }
0x253: {  	s1 =	sor.u32 $0x200, s21;
	v8 =	vor.u32 $0x280, v2;
	v18 =	vld.idx.msk [tilespmem:v11+s3+$0x0], $0xffff;
	[tilespmem:s29+$0x14000] =	vst v10  }
0x254: {  	s2 =	sadd.s32 $0x10, s21;
	s4 =	sadd.s32 $0x20, s21;
	s8 =	sadd.s32 $0x30, s21;
	v19 =	vor.u32 $0x280, v0;
	v10 =	vld.idx.msk [tilespmem:v4+s3+$0x0], $0xffff;
	[tilespmem:s30+$0x14000] =	vst v16  }
0x255: {  	v20 =	vor.u32 $0x280, v1;
	s6 =	sor.u32 $0x200, s4;
	s5 =	sor.u32 $0x280, s2;
	v11 =	vld.idx.msk [tilespmem:v5+s3+$0x0], $0xffff;
	[tilespmem:s1+$0x14000] =	vst v14;
	s1 =	sor.u32 $0x200, s2  }
.Ltmp8:
0x256: {  	s7 =	sor.u32 $0x280, s4;
	s13 =	sor.u32 $0x200, s8;
	v14 =	vld.idx.msk [tilespmem:v12+s3+$0x0], $0xffff;
	[tilespmem:s1+$0x14000] =	vst v13;
	(pc) =	sbr.rel @p1 .LBB2_19-.Ltmp8, $4  }
0x257: {  	s22 =	sor.u32 $0x300, s2;
	s12 =	sor.u32 $0x280, s8;
	v16 =	vld.idx.msk [tilespmem:v7+s3+$0x0], $0xffff;
	[tilespmem:s6+$0x14000] =	vst v15;
	s6 =	sor.u32 $0x300, s4  }
0x258: {  	s14 =	sor.u32 $0x300, s8;
	s29 =	sor.u32 $0x380, s4;
	s1 =	sor.u32 $0x380, s2;
	v15 =	vor.u32 $0x300, v3;
	v13 =	vld.idx.msk [tilespmem:v8+s3+$0x0], $0xffff  }
0x259: {  	v17 =	vor.u32 $0x80, v7;
	s30 =	sor.u32 $0x380, s8;
	v12 =	vld.idx.msk [tilespmem:v19+s3+$0x0], $0xffff;
	[tilespmem:s13+$0x14000] =	vst v18  }
0x25a: {  	s11 =	sadd.s32 $0x40, s11;
	s28 =	sadd.s32 $0x200, s28;
	v18 =	vor.u32 $0x80, v6;
	v8 =	vld.idx.msk [tilespmem:v20+s3+$0x0], $0xffff  }
0x25b: {  	_ = 	snop  }
0x25c: {  	s2 =	sand.u32 $0x40, s26;
	s4 =	sand.u32 $0x1C00, s28;
	v19 =	vor.u32 $0x80, v4  }
0x25d: {  	v20 =	vor.u32 $0x80, v5;
	s2 =	sor.u32 s2, s4  }
0x25e: {  	[tilespmem:s2+$0x14000] =	vst v16  }
0x25f: {  	[tilespmem:s2+$0x14010] =	vst v9;
	v16 =	vld.idx.msk [tilespmem:v17+s3+$0x0], $0xffff  }
0x260: {  	v61 =	vor.u32 $0x100, v7;
	[tilespmem:s2+$0x14020] =	vst v10;
	v9 =	vld.idx.msk [tilespmem:v18+s3+$0x0], $0xffff  }
0x261: {  	v63 =	vor.u32 $0x100, v6;
	[tilespmem:s2+$0x14030] =	vst v11;
	v62 =	vld.idx.msk [tilespmem:v19+s3+$0x0], $0xffff  }
0x262: {  	v25 =	vor.u32 $0x100, v4;
	v24 =	vld.idx.msk [tilespmem:v20+s3+$0x0], $0xffff  }
0x263: {  	v26 =	vor.u32 $0x100, v5  }
0x264: {  	[tilespmem:s2+$0x14080] =	vst v16  }
0x265: {  	[tilespmem:s2+$0x14090] =	vst v9;
	v10 =	vld.idx.msk [tilespmem:v61+s3+$0x0], $0xffff  }
0x266: {  	v27 =	vor.u32 $0x180, v7;
	v9 =	vld.idx.msk [tilespmem:v63+s3+$0x0], $0xffff;
	[tilespmem:s2+$0x140A0] =	vst v62  }
0x267: {  	s15 =	sor.u32 $0x280, s21;
	v29 =	vor.u32 $0x180, v6;
	[tilespmem:s2+$0x140B0] =	vst v24;
	v28 =	vld.idx.msk [tilespmem:v25+s3+$0x0], $0xffff  }
0x268: {  	v31 =	vor.u32 $0x180, v4;
	[tilespmem:s15+$0x14000] =	vst v14;
	v30 =	vld.idx.msk [tilespmem:v26+s3+$0x0], $0xffff  }
0x269: {  	v32 =	vor.u32 $0x180, v5;
	[tilespmem:s5+$0x14000] =	vst v13  }
0x26a: {  	[tilespmem:s2+$0x14100] =	vst v10  }
0x26b: {  	v33 =	vor.u32 $0x300, v2;
	[tilespmem:s2+$0x14110] =	vst v9;
	v11 =	vld.idx.msk [tilespmem:v27+s3+$0x0], $0xffff  }
0x26c: {  	v34 =	vor.u32 $0x200, v7;
	v9 =	vld.idx.msk [tilespmem:v29+s3+$0x0], $0xffff;
	[tilespmem:s2+$0x14120] =	vst v28  }
0x26d: {  	v36 =	vor.u32 $0x200, v6;
	[tilespmem:s2+$0x14130] =	vst v30;
	v35 =	vld.idx.msk [tilespmem:v31+s3+$0x0], $0xffff  }
0x26e: {  	v37 =	vor.u32 $0x200, v4;
	[tilespmem:s7+$0x14000] =	vst v12;
	v13 =	vld.idx.msk [tilespmem:v32+s3+$0x0], $0xffff  }
0x26f: {  	v38 =	vor.u32 $0x200, v5;
	v15 =	vld.idx.msk [tilespmem:v15+s3+$0x0], $0xffff;
	[tilespmem:s12+$0x14000] =	vst v8  }
0x270: {  	v45 =	vor.u32 $0x300, v1;
	v10 =	vld.idx.msk [tilespmem:v33+s3+$0x0], $0xffff;
	[tilespmem:s2+$0x14180] =	vst v11  }
0x271: {  	v3 =	vor.u32 $0x380, v3;
	p0 =	por !p0, !p0;
	s4 =	simm.s32 $0x1;
	[tilespmem:s2+$0x14190] =	vst v9;
	v16 =	vld.idx.msk [tilespmem:v34+s3+$0x0], $0xffff  }
0x272: {  	v40 =	vor.u32 $0x280, v7;
	s4 =	simm.s32 @!p0 $0x0;
	v9 =	vld.idx.msk [tilespmem:v36+s3+$0x0], $0xffff;
	[tilespmem:s2+$0x141A0] =	vst v35  }
0x273: {  	s17 =	sor.u32 $0x300, s21;
	v41 =	vor.u32 $0x280, v6;
	s4 =	sshll.u32 s4, $0x6;
	[tilespmem:s2+$0x141B0] =	vst v13;
	v12 =	vld.idx.msk [tilespmem:v37+s3+$0x0], $0xffff  }
0x274: {  	v43 =	vor.u32 $0x280, v4;
	s4 =	sadd.s32 s4, s28;
	[tilespmem:s17+$0x14000] =	vst v15;
	v42 =	vld.idx.msk [tilespmem:v38+s3+$0x0], $0xffff  }
0x275: {  	v44 =	vor.u32 $0x280, v5;
	s21 =	sor.u32 $0x200, s4;
	v53 =	vld.idx.msk [tilespmem:v45+s3+$0x0], $0xffff;
	[tilespmem:s22+$0x14000] =	vst v10;
	s2 =	sadd.s32 $0x10, s4  }
0x276: {  	v56 =	vor.u32 $0x380, v1;
	s5 =	sadd.s32 $0x20, s4;
	v3 =	vld.idx.msk [tilespmem:v3+s3+$0x0], $0xffff;
	s22 =	sor.u32 $0x200, s2;
	[tilespmem:s21+$0x14000] =	vst v16  }
0x277: {  	v39 =	vor.u32 $0x300, v0;
	s10 =	sadd.s32 $0x30, s4;
	s8 =	sor.u32 $0x200, s5;
	[tilespmem:s22+$0x14000] =	vst v9;
	v14 =	vld.idx.msk [tilespmem:v40+s3+$0x0], $0xffff  }
0x278: {  	v47 =	vor.u32 $0x300, v7;
	s31 =	sor.u32 $0x200, s10;
	v48 =	vld.idx.msk [tilespmem:v41+s3+$0x0], $0xffff;
	[tilespmem:s8+$0x14000] =	vst v12  }
0x279: {  	s0 =	sor.u32 s0, s25;
	v50 =	vor.u32 $0x300, v6;
	[tilespmem:s31+$0x14000] =	vst v42;
	v49 =	vld.idx.msk [tilespmem:v43+s3+$0x0], $0xffff  }
0x27a: {  	v52 =	vor.u32 $0x300, v4;
	s0 =	sor.u32 $0x380, s0;
	[tilespmem:s14+$0x14000] =	vst v53;
	v51 =	vld.idx.msk [tilespmem:v44+s3+$0x0], $0xffff  }
0x27b: {  	v54 =	vor.u32 $0x300, v5;
	s11 =	sor.u32 $0x280, s4;
	v1 =	vld.idx.msk [tilespmem:v56+s3+$0x0], $0xffff;
	[tilespmem:s0+$0x14000] =	vst v3  }
0x27c: {  	v46 =	vor.u32 $0x380, v2;
	v11 =	vld.idx.msk [tilespmem:v39+s3+$0x0], $0xffff;
	s12 =	sor.u32 $0x280, s2;
	[tilespmem:s11+$0x14000] =	vst v14  }
0x27d: {  	v55 =	vor.u32 $0x380, v0;
	s13 =	sor.u32 $0x280, s5;
	[tilespmem:s12+$0x14000] =	vst v48;
	v9 =	vld.idx.msk [tilespmem:v47+s3+$0x0], $0xffff  }
0x27e: {  	v57 =	vor.u32 $0x380, v7;
	s15 =	sor.u32 $0x280, s10;
	v8 =	vld.idx.msk [tilespmem:v50+s3+$0x0], $0xffff;
	[tilespmem:s13+$0x14000] =	vst v49  }
0x27f: {  	v58 =	vor.u32 $0x380, v6;
	[tilespmem:s15+$0x14000] =	vst v51;
	v10 =	vld.idx.msk [tilespmem:v52+s3+$0x0], $0xffff  }
0x280: {  	v59 =	vor.u32 $0x380, v4;
	[tilespmem:s30+$0x14000] =	vst v1;
	v3 =	vld.idx.msk [tilespmem:v54+s3+$0x0], $0xffff  }
0x281: {  	v60 =	vor.u32 $0x380, v5;
	s17 =	sor.u32 $0x300, s4;
	v2 =	vld.idx.msk [tilespmem:v46+s3+$0x0], $0xffff;
	[tilespmem:s6+$0x14000] =	vst v11  }
0x282: {  	v0 =	vld.idx.msk [tilespmem:v55+s3+$0x0], $0xffff;
	s21 =	sor.u32 $0x300, s2;
	[tilespmem:s17+$0x14000] =	vst v9  }
0x283: {  	s22 =	sor.u32 $0x300, s5;
	[tilespmem:s21+$0x14000] =	vst v8;
	v61 =	vld.idx.msk [tilespmem:v57+s3+$0x0], $0xffff  }
0x284: {  	s25 =	sor.u32 $0x300, s10;
	v6 =	vld.idx.msk [tilespmem:v58+s3+$0x0], $0xffff;
	[tilespmem:s22+$0x14000] =	vst v10  }
0x285: {  	[tilespmem:s25+$0x14000] =	vst v3;
	v62 =	vld.idx.msk [tilespmem:v59+s3+$0x0], $0xffff  }
0x286: {  	s28 =	sor.u32 s28, s26;
	[tilespmem:s1+$0x14000] =	vst v2;
	v63 =	vld.idx.msk [tilespmem:v60+s3+$0x0], $0xffff  }
.Ltmp9:
0x287: {  	s0 =	sor.u32 $0x380, s28;
	[tilespmem:s29+$0x14000] =	vst v0;
	(pc) =	sbr.rel .LBB2_21-.Ltmp9, $4  }
0x288: {  	s29 =	sor.u32 $0x380, s2;
	[tilespmem:s0+$0x14000] =	vst v61  }
0x289: {  	s30 =	sor.u32 $0x380, s5;
	[tilespmem:s29+$0x14000] =	vst v6  }
0x28a: {  	s31 =	sor.u32 $0x380, s10;
	[tilespmem:s30+$0x14000] =	vst v62  }
0x28b: {  	[tilespmem:s31+$0x14000] =	vst v63  }
.LBB2_3:
0x28c: {  	s0 =	sshll.u32 s23, $0x4;
	s4 =	simm.s32 $0x1;
	s1 =	sshll.u32 s23, $0xB  }
0x28d: {  	s13 =	simm.s32 $0x80;
	s14 =	simm.s32 $0x400;
	_ =	swait.ge [sflag:s4], $0x1000  }
0x28e: {  	s15 =	simm.s32 $0x11000;
	s0 =	sand.u32 $0x60, s0;
	s2 =	rddreg [dreg:$0x6]  }
0x28f: {  	s1 =	sand.u32 $0x7C000, s1;
	[sflag:s4] =	ssyncset.done $0x0;
	s0 =	sadd.s32 s0, s2  }
0x290: {  	p0 =	seq.s32 s23, $0x0;
	[sflag:s4] =	ssyncadd.s32 $0xFFFFF000;
	s0 =	sadd.s32 s1, s0  }
0x291: {  	[tilespmem:s15], [sflag:$0x2] =	stream.strided.gather [hbm4b:s0+s13], $0x1000, s14, s13, $0x38;
	[tilespmem:$0x16000] =	vst v63  }
0x292: {  	s1 =	simm.s32 @!p0 $0x3;
	s0 =	simm.s32 $0x0  }
0x293: {  	_ =	swait.ge @!p0 [sflag:s1], $0x2000;
	s17 =	sand.u32 $0x40, s0;
	s5 =	sand.u32 $0x380, s0  }
0x294: {  	[sflag:s1] =	ssyncset.done @!p0 $0x0;
	s5 =	sor.u32 $0x10000, s5;
	s6 =	sor.u32 $0x30, s17  }
0x295: {  	[sflag:s1] =	ssyncadd.s32 @!p0 $0xFFFFE000;
	s21 =	sor.u32 s6, s5  }
0x296: {  	s7 =	simm.s32 $0x10000;
	v0 =	vld [tilespmem:s21+$0x0]  }
0x297: {  	s22 =	sor.u32 $0x10, s17;
	v1 =	vld [tilespmem:s7+$0x0]  }
0x298: {  	s24 =	sor.u32 $0x20, s17;
	s8 =	sor.u32 s22, s5  }
0x299: {  	s5 =	sor.u32 s24, s5;
	v2 =	vld [tilespmem:s8+$0x0]  }
0x29a: {  	v3 =	vld [tilespmem:s5+$0x0]  }
0x29b: {  	v4 =	vshll.u32 v0, $0x3  }
0x29c: {  	v5 =	vshll.u32 v1, $0x3;
	v0 =	vand.u32 $0x7F, v0;
	v4 =	vand.u32 $0xFFFFFC00, v4  }
0x29d: {  	v1 =	vand.u32 $0x7F, v1;
	v6 =	vand.u32 $0xFFFFFC00, v5;
	v5 =	vor.u32 v0, v4  }
0x29e: {  	v0 =	vor.u32 v1, v6;
	v1 =	vshll.u32 v2, $0x3  }
0x29f: {  	v4 =	vshll.u32 v3, $0x3;
	v2 =	vand.u32 $0x7F, v2;
	v1 =	vand.u32 $0xFFFFFC00, v1  }
0x2a0: {  	v6 =	vand.u32 $0xFFFFFC00, v4;
	v4 =	vor.u32 v2, v1;
	v1 =	vand.u32 $0x7F, v3  }
0x2a1: {  	v3 =	vor.u32 v1, v6  }
0x2a2: {  	v1 =	vld.idx.msk [tilespmem:v5+s3+$0x0], $0xffff  }
0x2a3: {  	v6 =	vor.u32 $0x80, v5;
	v2 =	vld.idx.msk [tilespmem:v0+s3+$0x0], $0xffff  }
0x2a4: {  	s25 =	sand.u32 $0x1C00, s0;
	v7 =	vor.u32 $0x80, v0  }
0x2a5: {  	s26 =	sor.u32 $0x12000, s25;
	v8 =	vld.idx.msk [tilespmem:v4+s3+$0x0], $0xffff  }
0x2a6: {  	s6 =	sor.u32 s6, s26;
	v9 =	vor.u32 $0x80, v4;
	v10 =	vld.idx.msk [tilespmem:v3+s3+$0x0], $0xffff  }
0x2a7: {  	s5 =	sor.u32 s17, s26;
	v11 =	vor.u32 $0x80, v3;
	[tilespmem:s6+$0x0] =	vst v1  }
0x2a8: {  	[tilespmem:s5+$0x0] =	vst v2;
	v1 =	vld.idx.msk [tilespmem:v6+s3+$0x0], $0xffff  }
0x2a9: {  	s12 =	sor.u32 s22, s26;
	v2 =	vld.idx.msk [tilespmem:v7+s3+$0x0], $0xffff;
	v6 =	vor.u32 $0x100, v5  }
0x2aa: {  	s4 =	sor.u32 s24, s26;
	v7 =	vor.u32 $0x100, v0;
	[tilespmem:s12+$0x0] =	vst v8  }
0x2ab: {  	v8 =	vld.idx.msk [tilespmem:v9+s3+$0x0], $0xffff;
	[tilespmem:s4+$0x0] =	vst v10  }
0x2ac: {  	v9 =	vor.u32 $0x100, v4;
	v10 =	vld.idx.msk [tilespmem:v11+s3+$0x0], $0xffff  }
0x2ad: {  	v11 =	vor.u32 $0x100, v3;
	[tilespmem:s6+$0x80] =	vst v1  }
0x2ae: {  	[tilespmem:s5+$0x80] =	vst v2;
	v1 =	vld.idx.msk [tilespmem:v6+s3+$0x0], $0xffff  }
0x2af: {  	v2 =	vld.idx.msk [tilespmem:v7+s3+$0x0], $0xffff;
	v6 =	vor.u32 $0x180, v5  }
0x2b0: {  	v7 =	vor.u32 $0x180, v0;
	[tilespmem:s12+$0x80] =	vst v8  }
0x2b1: {  	v8 =	vld.idx.msk [tilespmem:v9+s3+$0x0], $0xffff;
	[tilespmem:s4+$0x80] =	vst v10  }
0x2b2: {  	s24 =	simm.s32 $0x40;
	s8 =	simm.s32 $0x10040;
	v9 =	vor.u32 $0x180, v4;
	v10 =	vld.idx.msk [tilespmem:v11+s3+$0x0], $0xffff  }
0x2b3: {  	s1 =	sand.u32 $0x40, s24;
	s10 =	sand.u32 $0x380, s24;
	v11 =	vld [tilespmem:s8+$0x0];
	[tilespmem:s6+$0x100] =	vst v1  }
0x2b4: {  	s7 =	sor.u32 $0x10000, s10;
	s13 =	sor.u32 $0x30, s1;
	[tilespmem:s5+$0x100] =	vst v2;
	v1 =	vld.idx.msk [tilespmem:v6+s3+$0x0], $0xffff  }
0x2b5: {  	s11 =	sor.u32 s13, s7;
	v2 =	vor.u32 $0x180, v3;
	v6 =	vld.idx.msk [tilespmem:v7+s3+$0x0], $0xffff  }
0x2b6: {  	s10 =	sor.u32 $0x10, s1;
	v7 =	vor.u32 $0x200, v5;
	[tilespmem:s12+$0x100] =	vst v8;
	v8 =	vld [tilespmem:s11+$0x0]  }
0x2b7: {  	s14 =	sor.u32 s10, s7;
	s11 =	sor.u32 $0x20, s1;
	v9 =	vld.idx.msk [tilespmem:v9+s3+$0x0], $0xffff  }
0x2b8: {  	v13 =	vld [tilespmem:s14+$0x0];
	v12 =	vor.u32 $0x200, v4;
	s7 =	sor.u32 s11, s7;
	v14 =	vshll.u32 v11, $0x3  }
0x2b9: {  	[tilespmem:s4+$0x100] =	vst v10;
	v10 =	vor.u32 $0x200, v0;
	v11 =	vand.u32 $0x7F, v11;
	v15 =	vld [tilespmem:s7+$0x0];
	v14 =	vand.u32 $0xFFFFFC00, v14  }
0x2ba: {  	p1 =	por $0x0, $0x0;
	v16 =	vld.idx.msk [tilespmem:v2+s3+$0x0], $0xffff;
	[tilespmem:s6+$0x180] =	vst v1;
	v1 =	vor.u32 v11, v14;
	s6 =	simm.s32 $0x1  }
0x2bb: {  	v11 =	vor.u32 $0x200, v3;
	v7 =	vld.idx.msk [tilespmem:v7+s3+$0x0], $0xffff;
	v2 =	vshll.u32 v8, $0x3;
	s6 =	simm.s32 @!p1 $0x0  }
0x2bc: {  	v8 =	vand.u32 $0x7F, v8;
	[tilespmem:s12+$0x180] =	vst v9;
	v2 =	vand.u32 $0xFFFFFC00, v2;
	s6 =	sshll.u32 s6, $0x6;
	v9 =	vor.u32 $0x280, v5  }
0x2bd: {  	v14 =	vor.u32 $0x280, v4;
	[tilespmem:s5+$0x180] =	vst v6;
	v6 =	vld.idx.msk [tilespmem:v12+s3+$0x0], $0xffff;
	v12 =	vshll.u32 v13, $0x3;
	v2 =	vor.u32 v8, v2;
	s6 =	sadd.s32 $0x0, s6  }
0x2be: {  	v8 =	vld.idx.msk [tilespmem:v10+s3+$0x0], $0xffff;
	v10 =	vshll.u32 v15, $0x3;
	v13 =	vand.u32 $0x7F, v13;
	v12 =	vand.u32 $0xFFFFFC00, v12;
	s5 =	sadd.s32 $0x30, s6  }
0x2bf: {  	v10 =	vand.u32 $0xFFFFFC00, v10;
	[tilespmem:s4+$0x180] =	vst v16;
	v17 =	vld.idx.msk [tilespmem:v1+s3+$0x0], $0xffff;
	v21 =	vor.u32 v13, v12;
	v12 =	vand.u32 $0x7F, v15;
	s15 =	sor.u32 $0x200, s5  }
0x2c0: {  	s7 =	sadd.s32 $0x10, s6;
	v11 =	vld.idx.msk [tilespmem:v11+s3+$0x0], $0xffff;
	v10 =	vor.u32 v12, v10;
	[tilespmem:s15+$0x12000] =	vst v7  }
0x2c1: {  	s17 =	sor.u32 $0x200, s7;
	v7 =	vor.u32 $0x280, v0;
	v9 =	vld.idx.msk [tilespmem:v9+s3+$0x0], $0xffff  }
0x2c2: {  	s26 =	simm.s32 $0x200;
	s21 =	sor.u32 $0x200, s6;
	v12 =	vor.u32 $0x280, v3;
	v13 =	vld.idx.msk [tilespmem:v2+s3+$0x0], $0xffff;
	[tilespmem:s17+$0x12000] =	vst v6  }
0x2c3: {  	s25 =	sand.u32 $0x1C00, s26;
	s12 =	sadd.s32 $0x20, s6;
	[tilespmem:s21+$0x12000] =	vst v8;
	v8 =	vor.u32 $0x80, v1;
	v6 =	vld.idx.msk [tilespmem:v14+s3+$0x0], $0xffff  }
0x2c4: {  	s2 =	sor.u32 $0x12000, s25;
	s22 =	sor.u32 $0x200, s12;
	v14 =	vor.u32 $0x300, v5;
	v15 =	vld.idx.msk [tilespmem:v21+s3+$0x0], $0xffff  }
0x2c5: {  	s30 =	sor.u32 s1, s2;
	v16 =	vor.u32 $0x80, v2;
	[tilespmem:s22+$0x12000] =	vst v11;
	v18 =	vld.idx.msk [tilespmem:v10+s3+$0x0], $0xffff  }
0x2c6: {  	s4 =	sor.u32 $0x280, s5;
	v19 =	vor.u32 $0x80, v21;
	[tilespmem:s30+$0x0] =	vst v17;
	v7 =	vld.idx.msk [tilespmem:v7+s3+$0x0], $0xffff  }
0x2c7: {  	v11 =	vor.u32 $0x80, v10;
	s22 =	sor.u32 s13, s2;
	v12 =	vld.idx.msk [tilespmem:v12+s3+$0x0], $0xffff;
	[tilespmem:s4+$0x12000] =	vst v9  }
0x2c8: {  	s1 =	sor.u32 s11, s2;
	s11 =	sor.u32 $0x280, s7;
	v9 =	vor.u32 $0x300, v4;
	[tilespmem:s22+$0x0] =	vst v13;
	v8 =	vld.idx.msk [tilespmem:v8+s3+$0x0], $0xffff  }
0x2c9: {  	s31 =	sor.u32 s10, s2;
	v13 =	vld.idx.msk [tilespmem:v14+s3+$0x0], $0xffff;
	v14 =	vor.u32 $0x300, v3;
	[tilespmem:s11+$0x12000] =	vst v6  }
0x2ca: {  	v5 =	vor.u32 $0x380, v5;
	v16 =	vld.idx.msk [tilespmem:v16+s3+$0x0], $0xffff;
	[tilespmem:s31+$0x0] =	vst v15  }
0x2cb: {  	v17 =	vor.u32 $0x100, v2;
	s13 =	sor.u32 $0x280, s12;
	v15 =	vld.idx.msk [tilespmem:v19+s3+$0x0], $0xffff;
	[tilespmem:s1+$0x0] =	vst v18  }
0x2cc: {  	v19 =	vor.u32 $0x100, v1;
	[tilespmem:s13+$0x12000] =	vst v12;
	v20 =	vld.idx.msk [tilespmem:v11+s3+$0x0], $0xffff  }
0x2cd: {  	s14 =	sor.u32 $0x300, s5;
	v6 =	vor.u32 $0x100, v21;
	v22 =	vld.idx.msk [tilespmem:v9+s3+$0x0], $0xffff;
	[tilespmem:s30+$0x80] =	vst v8  }
0x2ce: {  	v23 =	vor.u32 $0x100, v10;
	v14 =	vld.idx.msk [tilespmem:v14+s3+$0x0], $0xffff;
	[tilespmem:s14+$0x12000] =	vst v13  }
0x2cf: {  	[tilespmem:s22+$0x80] =	vst v16;
	v16 =	vor.u32 $0x300, v0;
	v24 =	vld.idx.msk [tilespmem:v5+s3+$0x0], $0xffff  }
0x2d0: {  	v25 =	vor.u32 $0x380, v4;
	v18 =	vld.idx.msk [tilespmem:v17+s3+$0x0], $0xffff;
	[tilespmem:s31+$0x80] =	vst v15  }
0x2d1: {  	s0 =	sor.u32 s0, s0;
	s17 =	sor.u32 $0x300, s7;
	v4 =	vor.u32 $0x380, v21;
	v17 =	vld.idx.msk [tilespmem:v19+s3+$0x0], $0xffff;
	[tilespmem:s1+$0x80] =	vst v20  }
0x2d2: {  	s25 =	sor.u32 $0x380, s0;
	s15 =	sor.u32 $0x280, s6;
	v11 =	vor.u32 $0x200, v21;
	v8 =	vor.u32 $0x280, v21;
	v19 =	vld.idx.msk [tilespmem:v6+s3+$0x0], $0xffff;
	[tilespmem:s17+$0x12000] =	vst v22;
	v22 =	vor.u32 $0x180, v2  }
0x2d3: {  	s0 =	simm.s32 $0x4;
	s10 =	sor.u32 $0x300, s6;
	s5 =	sor.u32 $0x380, s5;
	[tilespmem:s15+$0x12000] =	vst v7;
	v13 =	vor.u32 $0x180, v21;
	v6 =	vor.u32 $0x300, v21;
	v21 =	vor.u32 $0x180, v1;
	v20 =	vld.idx.msk [tilespmem:v23+s3+$0x0], $0xffff  }
0x2d4: {  	s29 =	sor.u32 $0x380, s12;
	s6 =	simm.s32 $0x10080;
	s21 =	sor.u32 s26, s24;
	v3 =	vor.u32 $0x380, v3;
	v12 =	vor.u32 $0x180, v10;
	v7 =	vor.u32 $0x280, v10;
	v15 =	vld.idx.msk [tilespmem:v16+s3+$0x0], $0xffff  }
0x2d5: {  	s28 =	sor.u32 $0x380, s21;
	s11 =	sor.u32 $0x300, s12;
	v9 =	vor.u32 $0x200, v10;
	s14 =	sor.u32 $0x380, s7;
	v5 =	vor.u32 $0x300, v10;
	v10 =	vor.u32 $0x380, v10;
	v16 =	vld.idx.msk [tilespmem:v25+s3+$0x0], $0xffff;
	[tilespmem:s5+$0x12000] =	vst v24  }
.LBB2_4:
0x2d6: {  	v23 =	vld [tilespmem:s6+$0x0];
	[tilespmem:s22+$0x100] =	vst v18;
	s24 =	sadd.s32 $0x40, s24  }
0x2d7: {  	s0 =	sadd.s32 $0x4, s0;
	s12 =	sand.u32 $0x40, s24;
	s2 =	sand.u32 $0x380, s24;
	[tilespmem:s30+$0x100] =	vst v17;
	v17 =	vld.idx.msk [tilespmem:v22+s3+$0x0], $0xffff  }
0x2d8: {  	p2 =	slt.u32 s0, $0x3C;
	s2 =	sor.u32 $0x10000, s2;
	s13 =	sor.u32 $0x30, s12;
	v18 =	vld.idx.msk [tilespmem:v21+s3+$0x0], $0xffff;
	[tilespmem:s31+$0x100] =	vst v19  }
0x2d9: {  	s7 =	sor.u32 $0x10, s12;
	s21 =	sor.u32 $0x20, s12;
	v19 =	vor.u32 $0x200, v2;
	s5 =	sor.u32 s13, s2;
	v13 =	vld.idx.msk [tilespmem:v13+s3+$0x0], $0xffff;
	[tilespmem:s1+$0x100] =	vst v20  }
0x2da: {  	v21 =	vor.u32 $0x200, v1;
	s8 =	sor.u32 s7, s2;
	s2 =	sor.u32 s21, s2;
	v20 =	vld [tilespmem:s5+$0x0];
	[tilespmem:s11+$0x12000] =	vst v14  }
0x2db: {  	v14 =	vld [tilespmem:s8+$0x0];
	[tilespmem:s10+$0x12000] =	vst v15  }
0x2dc: {  	v15 =	vshll.u32 v23, $0x3;
	v22 =	vld [tilespmem:s2+$0x0];
	[tilespmem:s14+$0x12000] =	vst v16  }
0x2dd: {  	v16 =	vand.u32 $0x7F, v23;
	v15 =	vand.u32 $0xFFFFFC00, v15;
	v12 =	vld.idx.msk [tilespmem:v12+s3+$0x0], $0xffff;
	[tilespmem:s22+$0x180] =	vst v17;
	v17 =	vor.u32 $0x380, v0;
	v0 =	vmovc v1  }
0x2de: {  	p1 =	por !p1, !p1;
	s2 =	simm.s32 $0x1;
	v1 =	vor.u32 v16, v15;
	[tilespmem:s30+$0x180] =	vst v18;
	v15 =	vld.idx.msk [tilespmem:v19+s3+$0x0], $0xffff  }
0x2df: {  	s2 =	simm.s32 @!p1 $0x0;
	v16 =	vshll.u32 v20, $0x3;
	v18 =	vld.idx.msk [tilespmem:v21+s3+$0x0], $0xffff;
	[tilespmem:s31+$0x180] =	vst v13  }
0x2e0: {  	s2 =	sshll.u32 s2, $0x6;
	v13 =	vand.u32 $0x7F, v20;
	v16 =	vand.u32 $0xFFFFFC00, v16;
	v19 =	vld.idx.msk [tilespmem:v11+s3+$0x0], $0xffff;
	v11 =	vor.u32 $0x280, v2  }
0x2e1: {  	s10 =	sadd.s32 s2, s26;
	v20 =	vshll.u32 v14, $0x3;
	v21 =	vshll.u32 v22, $0x3;
	v16 =	vor.u32 v13, v16;
	v23 =	vld.idx.msk [tilespmem:v3+s3+$0x0], $0xffff;
	v3 =	vmovc v10  }
0x2e2: {  	s14 =	sadd.s32 $0x10, s10;
	s22 =	sadd.s32 $0x20, s10;
	s5 =	sadd.s32 $0x30, s10;
	v10 =	vand.u32 $0x7F, v14;
	v13 =	vand.u32 $0xFFFFFC00, v20;
	v14 =	vand.u32 $0xFFFFFC00, v21;
	v17 =	vld.idx.msk [tilespmem:v17+s3+$0x0], $0xffff  }
0x2e3: {  	s30 =	sor.u32 $0x200, s14;
	s11 =	sor.u32 $0x200, s5;
	v10 =	vor.u32 v10, v13;
	v13 =	vand.u32 $0x7F, v22;
	v21 =	vor.u32 $0x280, v0;
	v20 =	vld.idx.msk [tilespmem:v1+s3+$0x0], $0xffff;
	[tilespmem:s1+$0x180] =	vst v12;
	s1 =	sor.u32 $0x200, s22  }
0x2e4: {  	s15 =	sor.u32 $0x200, s10;
	s8 =	sor.u32 $0x280, s14;
	s2 =	sor.u32 $0x280, s22;
	v22 =	vor.u32 $0x80, v10;
	v24 =	vor.u32 $0x100, v10;
	v14 =	vor.u32 v13, v14;
	v25 =	vld.idx.msk [tilespmem:v9+s3+$0x0], $0xffff;
	[tilespmem:s11+$0x12000] =	vst v15  }
0x2e5: {  	s17 =	sor.u32 $0x280, s10;
	v13 =	vor.u32 $0x180, v10;
	v15 =	vor.u32 $0x80, v14;
	v26 =	vor.u32 $0x100, v14;
	s11 =	sor.u32 $0x300, s22;
	[tilespmem:s15+$0x12000] =	vst v18;
	s15 =	sor.u32 $0x300, s14;
	v18 =	vld.idx.msk [tilespmem:v11+s3+$0x0], $0xffff  }
0x2e6: {  	s10 =	sor.u32 $0x300, s10;
	v12 =	vor.u32 $0x180, v14;
	v9 =	vor.u32 $0x200, v14;
	s22 =	sor.u32 $0x380, s22;
	v11 =	vor.u32 $0x200, v10;
	s14 =	sor.u32 $0x380, s14;
	v27 =	vld.idx.msk [tilespmem:v16+s3+$0x0], $0xffff;
	[tilespmem:s30+$0x12000] =	vst v19  }
0x2e7: {  	v29 =	vor.u32 $0x300, v2;
	v19 =	vor.u32 $0x280, v14;
	v28 =	vld.idx.msk [tilespmem:v8+s3+$0x0], $0xffff;
	v8 =	vor.u32 $0x280, v10;
	[tilespmem:s29+$0x12000] =	vst v23;
	s29 =	smov.u32 s22  }
0x2e8: {  	s26 =	sadd.s32 $0x200, s26;
	v32 =	vor.u32 $0x80, v16;
	v30 =	vor.u32 $0x300, v10;
	v31 =	vor.u32 $0x300, v14;
	v23 =	vld.idx.msk [tilespmem:v10+s3+$0x0], $0xffff;
	[tilespmem:s25+$0x12000] =	vst v17;
	s25 =	smov.u32 s28  }
0x2e9: {  	v33 =	vor.u32 $0x380, v10;
	s22 =	sand.u32 $0x1C00, s26;
	v17 =	vor.u32 $0x80, v1;
	s28 =	sor.u32 s26, s24;
	v10 =	vor.u32 $0x380, v14;
	v34 =	vld.idx.msk [tilespmem:v14+s3+$0x0], $0xffff  }
0x2ea: {  	s4 =	sor.u32 $0x12000, s22;
	s28 =	sor.u32 $0x380, s28;
	v35 =	vld.idx.msk [tilespmem:v21+s3+$0x0], $0xffff;
	[tilespmem:s1+$0x12000] =	vst v25;
	s1 =	sor.u32 $0x280, s5  }
0x2eb: {  	s30 =	sor.u32 s12, s4;
	s31 =	sor.u32 s7, s4;
	s22 =	sor.u32 s13, s4;
	v14 =	vld.idx.msk [tilespmem:v7+s3+$0x0], $0xffff;
	[tilespmem:s1+$0x12000] =	vst v18;
	v7 =	vmov v19  }
0x2ec: {  	s1 =	sor.u32 s21, s4;
	[tilespmem:s22+$0x0] =	vst v27;
	v18 =	vld.idx.msk [tilespmem:v29+s3+$0x0], $0xffff  }
0x2ed: {  	[tilespmem:s30+$0x0] =	vst v20;
	v19 =	vld.idx.msk [tilespmem:v32+s3+$0x0], $0xffff  }
0x2ee: {  	v20 =	vor.u32 $0x380, v2;
	v2 =	vmov v16;
	v17 =	vld.idx.msk [tilespmem:v17+s3+$0x0], $0xffff;
	[tilespmem:s31+$0x0] =	vst v23  }
0x2ef: {  	v21 =	vor.u32 $0x100, v2;
	v16 =	vld.idx.msk [tilespmem:v22+s3+$0x0], $0xffff;
	[tilespmem:s1+$0x0] =	vst v34  }
0x2f0: {  	v22 =	vor.u32 $0x100, v1;
	v15 =	vld.idx.msk [tilespmem:v15+s3+$0x0], $0xffff;
	[tilespmem:s8+$0x12000] =	vst v28  }
0x2f1: {  	v23 =	vld.idx.msk [tilespmem:v6+s3+$0x0], $0xffff;
	[tilespmem:s2+$0x12000] =	vst v14;
	s2 =	sor.u32 $0x300, s5;
	v6 =	vmov v30  }
0x2f2: {  	v14 =	vld.idx.msk [tilespmem:v5+s3+$0x0], $0xffff;
	[tilespmem:s2+$0x12000] =	vst v18;
	v5 =	vmov v31  }
0x2f3: {  	v25 =	vor.u32 $0x300, v0;
	[tilespmem:s22+$0x80] =	vst v19;
	v27 =	vld.idx.msk [tilespmem:v20+s3+$0x0], $0xffff  }
0x2f4: {  	[tilespmem:s30+$0x80] =	vst v17;
	v18 =	vld.idx.msk [tilespmem:v21+s3+$0x0], $0xffff  }
.Ltmp10:
0x2f5: {  	v17 =	vld.idx.msk [tilespmem:v22+s3+$0x0], $0xffff;
	[tilespmem:s31+$0x80] =	vst v16;
	(pc) =	sbr.rel @p2 .LBB2_4-.Ltmp10, $4  }
0x2f6: {  	v22 =	vor.u32 $0x180, v2;
	v19 =	vld.idx.msk [tilespmem:v24+s3+$0x0], $0xffff;
	[tilespmem:s1+$0x80] =	vst v15  }
0x2f7: {  	v21 =	vor.u32 $0x180, v1;
	v20 =	vld.idx.msk [tilespmem:v26+s3+$0x0], $0xffff;
	[tilespmem:s17+$0x12000] =	vst v35  }
0x2f8: {  	s2 =	sor.u32 $0x380, s5;
	v15 =	vld.idx.msk [tilespmem:v25+s3+$0x0], $0xffff;
	[tilespmem:s15+$0x12000] =	vst v23  }
0x2f9: {  	s6 =	sadd.s32 $0x40, s6;
	v16 =	vld.idx.msk [tilespmem:v4+s3+$0x0], $0xffff;
	[tilespmem:s2+$0x12000] =	vst v27;
	v4 =	vmov v33  }
0x2fa: {  	_ =	sdelay $0x2  }
0x2fb: {  	[tilespmem:s22+$0x100] =	vst v18  }
0x2fc: {  	v18 =	vld.idx.msk [tilespmem:v22+s3+$0x0], $0xffff;
	[tilespmem:s31+$0x100] =	vst v19  }
0x2fd: {  	v19 =	vor.u32 $0x200, v2;
	v13 =	vld.idx.msk [tilespmem:v13+s3+$0x0], $0xffff;
	[tilespmem:s1+$0x100] =	vst v20  }
0x2fe: {  	[tilespmem:s30+$0x100] =	vst v17;
	v12 =	vld.idx.msk [tilespmem:v12+s3+$0x0], $0xffff  }
0x2ff: {  	v17 =	vld.idx.msk [tilespmem:v21+s3+$0x0], $0xffff  }
0x300: {  	v20 =	vor.u32 $0x200, v1  }
0x301: {  	p1 =	por !p1, !p1;
	s0 =	simm.s32 $0x1;
	[tilespmem:s22+$0x180] =	vst v18  }
0x302: {  	s0 =	simm.s32 @!p1 $0x0;
	v18 =	vld.idx.msk [tilespmem:v19+s3+$0x0], $0xffff;
	[tilespmem:s31+$0x180] =	vst v13  }
0x303: {  	s0 =	sshll.u32 s0, $0x6;
	v13 =	vor.u32 $0x280, v2;
	v11 =	vld.idx.msk [tilespmem:v11+s3+$0x0], $0xffff;
	[tilespmem:s1+$0x180] =	vst v12  }
0x304: {  	s0 =	sadd.s32 s0, s26;
	[tilespmem:s30+$0x180] =	vst v17;
	v9 =	vld.idx.msk [tilespmem:v9+s3+$0x0], $0xffff  }
0x305: {  	s24 =	sadd.s32 $0x30, s0;
	v12 =	vld.idx.msk [tilespmem:v20+s3+$0x0], $0xffff  }
0x306: {  	s2 =	sadd.s32 $0x10, s0;
	s4 =	sor.u32 $0x200, s24;
	v17 =	vor.u32 $0x280, v1  }
0x307: {  	s5 =	sadd.s32 $0x20, s0;
	s6 =	sor.u32 $0x200, s2;
	[tilespmem:s4+$0x12000] =	vst v18  }
0x308: {  	s26 =	sor.u32 $0x200, s5;
	v13 =	vld.idx.msk [tilespmem:v13+s3+$0x0], $0xffff;
	[tilespmem:s6+$0x12000] =	vst v11  }
0x309: {  	s7 =	sor.u32 $0x200, s0;
	v11 =	vor.u32 $0x300, v2;
	v8 =	vld.idx.msk [tilespmem:v8+s3+$0x0], $0xffff;
	[tilespmem:s26+$0x12000] =	vst v9  }
0x30a: {  	[tilespmem:s7+$0x12000] =	vst v12;
	v7 =	vld.idx.msk [tilespmem:v7+s3+$0x0], $0xffff  }
0x30b: {  	v9 =	vld.idx.msk [tilespmem:v17+s3+$0x0], $0xffff  }
0x30c: {  	[tilespmem:s11+$0x12000] =	vst v14;
	s8 =	sor.u32 $0x280, s24;
	v12 =	vor.u32 $0x300, v1  }
0x30d: {  	s11 =	sor.u32 $0x280, s2;
	[tilespmem:s8+$0x12000] =	vst v13  }
0x30e: {  	v0 =	vor.u32 $0x380, v0;
	s12 =	sor.u32 $0x280, s5;
	v11 =	vld.idx.msk [tilespmem:v11+s3+$0x0], $0xffff;
	[tilespmem:s11+$0x12000] =	vst v8  }
0x30f: {  	s13 =	sor.u32 $0x280, s0;
	v2 =	vor.u32 $0x380, v2;
	v6 =	vld.idx.msk [tilespmem:v6+s3+$0x0], $0xffff;
	[tilespmem:s12+$0x12000] =	vst v7  }
0x310: {  	[tilespmem:s13+$0x12000] =	vst v9;
	v5 =	vld.idx.msk [tilespmem:v5+s3+$0x0], $0xffff  }
0x311: {  	[tilespmem:s10+$0x12000] =	vst v15;
	v7 =	vld.idx.msk [tilespmem:v12+s3+$0x0], $0xffff  }
0x312: {  	v3 =	vld.idx.msk [tilespmem:v3+s3+$0x0], $0xffff;
	[tilespmem:s14+$0x12000] =	vst v16;
	s15 =	sor.u32 $0x300, s24;
	v1 =	vor.u32 $0x380, v1  }
0x313: {  	v0 =	vld.idx.msk [tilespmem:v0+s3+$0x0], $0xffff;
	s17 =	sor.u32 $0x300, s2;
	[tilespmem:s15+$0x12000] =	vst v11  }
0x314: {  	s21 =	sor.u32 $0x300, s5;
	v2 =	vld.idx.msk [tilespmem:v2+s3+$0x0], $0xffff;
	[tilespmem:s17+$0x12000] =	vst v6  }
0x315: {  	s0 =	sor.u32 $0x300, s0;
	v4 =	vld.idx.msk [tilespmem:v4+s3+$0x0], $0xffff;
	[tilespmem:s21+$0x12000] =	vst v5  }
0x316: {  	[tilespmem:s0+$0x12000] =	vst v7;
	v5 =	vld.idx.msk [tilespmem:v10+s3+$0x0], $0xffff  }
0x317: {  	[tilespmem:s29+$0x12000] =	vst v3;
	v1 =	vld.idx.msk [tilespmem:v1+s3+$0x0], $0xffff  }
0x318: {  	s22 =	sor.u32 $0x380, s24;
	[tilespmem:s25+$0x12000] =	vst v0  }
0x319: {  	s24 =	sor.u32 $0x380, s2;
	[tilespmem:s22+$0x12000] =	vst v2  }
0x31a: {  	s26 =	sor.u32 $0x380, s5;
	[tilespmem:s24+$0x12000] =	vst v4  }
0x31b: {  	s25 =	sshll.u32 s23, $0x14;
	s1 =	rddreg [dreg:$0x7];
	[tilespmem:s26+$0x12000] =	vst v5  }
0x31c: {  	[tilespmem:s28+$0x12000] =	vst v1;
	s0 =	sor.u32 s1, s25  }
0x31d: {  	s2 =	rddreg [dreg:$0x8];
	s24 =	sshrl.u32 s0, $0x3  }
0x31e: {  	s15 =	simm.s32 $0x12000;
	s0 =	sadd.s32 s24, s2  }
0x31f: {  	[hbm4b:s0+s3] =	stream.linear.scatter [tilespmem:s15], [sflag:$0x3], $0x2000, $0x38;
	[tilespmem:$0x16000] =	vst v63  }
0x320: {  	s0 =	simm.s32 @!p0 $0x4  }
0x321: {  	_ =	swait.ge @!p0 [sflag:s0], $0x2000  }
0x322: {  	[sflag:s0] =	ssyncset.done @!p0 $0x0  }
0x323: {  	s4 =	simm.s32 $0x10430;
	s25 =	simm.s32 $0x0;
	[sflag:s0] =	ssyncadd.s32 @!p0 $0xFFFFE000  }
0x324: {  	s5 =	sand.u32 $0x3C0, s25;
	v0 =	vld [tilespmem:s4+$0xFFFFFFE0]  }
0x325: {  	v1 =	vld [tilespmem:s5+$0x10400];
	_ =	sdelay $0x1  }
0x326: {  	v4 =	vld [tilespmem:s4+$0xFFFFFFF0];
	_ =	sdelay $0x1  }
0x327: {  	v5 =	vld [tilespmem:s4+$0x0]  }
0x328: {  	v2 =	vshll.u32 v0, $0x3;
	v3 =	vshll.u32 v1, $0x3  }
0x329: {  	v0 =	vand.u32 $0x7F, v0;
	v1 =	vand.u32 $0x7F, v1;
	v3 =	vand.u32 $0xFFFFFC00, v3  }
0x32a: {  	v6 =	vshll.u32 v4, $0x3;
	v2 =	vand.u32 $0xFFFFFC00, v2;
	v3 =	vor.u32 v1, v3  }
0x32b: {  	v2 =	vor.u32 v0, v2;
	v0 =	vand.u32 $0x7F, v4;
	v1 =	vand.u32 $0xFFFFFC00, v6  }
0x32c: {  	v4 =	vshll.u32 v5, $0x3;
	v0 =	vor.u32 v0, v1  }
0x32d: {  	v1 =	vand.u32 $0x7F, v5;
	v4 =	vand.u32 $0xFFFFFC00, v4  }
0x32e: {  	v1 =	vor.u32 v1, v4  }
0x32f: {  	v4 =	vld.idx.msk [tilespmem:v3+s3+$0x0], $0xffff  }
0x330: {  	v6 =	vor.u32 $0x80, v3;
	v5 =	vld.idx.msk [tilespmem:v2+s3+$0x0], $0xffff  }
0x331: {  	v8 =	vor.u32 $0x80, v2;
	v7 =	vld.idx.msk [tilespmem:v0+s3+$0x0], $0xffff  }
0x332: {  	s6 =	sand.u32 $0x40, s25;
	s7 =	sand.u32 $0x1C00, s25;
	v9 =	vor.u32 $0x80, v0  }
0x333: {  	s0 =	sor.u32 s6, s7;
	v10 =	vld.idx.msk [tilespmem:v1+s3+$0x0], $0xffff  }
0x334: {  	v11 =	vor.u32 $0x80, v1;
	[tilespmem:s0+$0x14000] =	vst v4  }
0x335: {  	[tilespmem:s0+$0x14010] =	vst v5;
	v4 =	vld.idx.msk [tilespmem:v6+s3+$0x0], $0xffff  }
0x336: {  	v5 =	vld.idx.msk [tilespmem:v8+s3+$0x0], $0xffff;
	[tilespmem:s0+$0x14020] =	vst v7;
	v6 =	vor.u32 $0x100, v3  }
0x337: {  	v8 =	vor.u32 $0x100, v2;
	v7 =	vld.idx.msk [tilespmem:v9+s3+$0x0], $0xffff  }
0x338: {  	[tilespmem:s0+$0x14030] =	vst v10;
	v9 =	vor.u32 $0x100, v0  }
0x339: {  	s8 =	simm.s32 $0x10470;
	v10 =	vld.idx.msk [tilespmem:v11+s3+$0x0], $0xffff  }
0x33a: {  	v13 =	vld [tilespmem:s8+$0x0];
	[tilespmem:s0+$0x14080] =	vst v4  }
0x33b: {  	v12 =	vor.u32 $0x100, v1;
	[tilespmem:s0+$0x14090] =	vst v5;
	v4 =	vld.idx.msk [tilespmem:v6+s3+$0x0], $0xffff  }
0x33c: {  	v5 =	vld.idx.msk [tilespmem:v8+s3+$0x0], $0xffff;
	[tilespmem:s0+$0x140A0] =	vst v7;
	v6 =	vor.u32 $0x180, v3  }
0x33d: {  	v8 =	vor.u32 $0x180, v2;
	v7 =	vld.idx.msk [tilespmem:v9+s3+$0x0], $0xffff  }
0x33e: {  	v11 =	vld [tilespmem:s8+$0xFFFFFFE0];
	[tilespmem:s0+$0x140B0] =	vst v10;
	v10 =	vor.u32 $0x180, v0  }
0x33f: {  	v9 =	vld [tilespmem:s8+$0xFFFFFFF0]  }
0x340: {  	v12 =	vld.idx.msk [tilespmem:v12+s3+$0x0], $0xffff;
	[tilespmem:s0+$0x14100] =	vst v4  }
0x341: {  	v4 =	vor.u32 $0x180, v1;
	[tilespmem:s0+$0x14110] =	vst v5;
	v14 =	vld.idx.msk [tilespmem:v6+s3+$0x0], $0xffff  }
0x342: {  	s26 =	simm.s32 $0x40;
	v5 =	vld.idx.msk [tilespmem:v8+s3+$0x0], $0xffff;
	[tilespmem:s0+$0x14120] =	vst v7  }
0x343: {  	s10 =	sand.u32 $0x3C0, s26;
	v7 =	vor.u32 $0x200, v3;
	v8 =	vld.idx.msk [tilespmem:v10+s3+$0x0], $0xffff  }
0x344: {  	v15 =	vor.u32 $0x200, v2;
	v6 =	vshll.u32 v11, $0x3;
	v10 =	vld [tilespmem:s10+$0x10400]  }
0x345: {  	v11 =	vand.u32 $0x7F, v11;
	[tilespmem:s0+$0x14130] =	vst v12;
	v6 =	vand.u32 $0xFFFFFC00, v6;
	v12 =	vor.u32 $0x200, v0  }
0x346: {  	v6 =	vor.u32 v11, v6;
	v16 =	vld.idx.msk [tilespmem:v4+s3+$0x0], $0xffff;
	v4 =	vand.u32 $0x7F, v9;
	v9 =	vshll.u32 v9, $0x3  }
0x347: {  	v11 =	vshll.u32 v13, $0x3;
	v9 =	vand.u32 $0xFFFFFC00, v9;
	[tilespmem:s0+$0x14180] =	vst v14;
	v14 =	vor.u32 $0x200, v1  }
0x348: {  	v11 =	vand.u32 $0xFFFFFC00, v11;
	[tilespmem:s0+$0x14190] =	vst v5;
	v4 =	vor.u32 v4, v9;
	v9 =	vand.u32 $0x7F, v13;
	v13 =	vld.idx.msk [tilespmem:v7+s3+$0x0], $0xffff  }
0x349: {  	s1 =	simm.s32 $0x1;
	p0 =	por $0x0, $0x0;
	v7 =	vshll.u32 v10, $0x3;
	v15 =	vld.idx.msk [tilespmem:v15+s3+$0x0], $0xffff;
	[tilespmem:s0+$0x141A0] =	vst v8;
	v5 =	vor.u32 v9, v11  }
0x34a: {  	s1 =	simm.s32 @!p0 $0x0;
	v17 =	vor.u32 $0x280, v3;
	v8 =	vand.u32 $0x7F, v10;
	v7 =	vand.u32 $0xFFFFFC00, v7;
	v12 =	vld.idx.msk [tilespmem:v12+s3+$0x0], $0xffff  }
0x34b: {  	s1 =	sshll.u32 s1, $0x6;
	v9 =	vld.idx.msk [tilespmem:v6+s3+$0x0], $0xffff;
	v7 =	vor.u32 v8, v7;
	[tilespmem:s0+$0x141B0] =	vst v16  }
0x34c: {  	s22 =	sadd.s32 $0x0, s1;
	v8 =	vor.u32 $0x280, v2;
	v18 =	vld.idx.msk [tilespmem:v14+s3+$0x0], $0xffff  }
0x34d: {  	s31 =	simm.s32 $0x0;
	s11 =	sor.u32 $0x200, s22;
	v19 =	vor.u32 $0x280, v0;
	v10 =	vld.idx.msk [tilespmem:v4+s3+$0x0], $0xffff  }
0x34e: {  	s28 =	simm.s32 $0x200;
	s6 =	simm.s32 $0x4;
	s1 =	sadd.s32 $0x10, s22;
	v20 =	vor.u32 $0x280, v1;
	[tilespmem:s11+$0x14000] =	vst v13;
	v11 =	vld.idx.msk [tilespmem:v5+s3+$0x0], $0xffff  }
0x34f: {  	s12 =	sadd.s32 $0x20, s22;
	s7 =	sadd.s32 $0x30, s22;
	s17 =	sor.u32 $0x200, s1;
	v14 =	vld.idx.msk [tilespmem:v17+s3+$0x0], $0xffff  }
0x350: {  	s21 =	sor.u32 $0x200, s12;
	s5 =	sor.u32 $0x280, s1;
	s13 =	sor.u32 $0x280, s12;
	[tilespmem:s17+$0x14000] =	vst v15;
	v16 =	vld.idx.msk [tilespmem:v7+s3+$0x0], $0xffff  }
0x351: {  	s14 =	sor.u32 $0x300, s12;
	s29 =	sor.u32 $0x380, s12;
	s8 =	sor.u32 $0x200, s7;
	v15 =	vor.u32 $0x300, v3;
	[tilespmem:s21+$0x14000] =	vst v12;
	v13 =	vld.idx.msk [tilespmem:v8+s3+$0x0], $0xffff  }
0x352: {  	s30 =	sor.u32 $0x380, s7;
	s10 =	simm.s32 $0x104B0;
	s0 =	sor.u32 $0x380, s1;
	v17 =	vor.u32 $0x80, v7;
	v12 =	vld.idx.msk [tilespmem:v19+s3+$0x0], $0xffff;
	[tilespmem:s8+$0x14000] =	vst v18  }
0x353: {  	s11 =	sor.u32 $0x300, s1;
	s1 =	sor.u32 $0x300, s7;
	s21 =	sor.u32 $0x280, s7;
	v18 =	vor.u32 $0x80, v6;
	v8 =	vld.idx.msk [tilespmem:v20+s3+$0x0], $0xffff  }
.LBB2_6:
0x354: {  	v19 =	vld [tilespmem:s10+$0xFFFFFFE0];
	s2 =	sand.u32 $0x40, s26;
	s4 =	sand.u32 $0x1C00, s28;
	v20 =	vor.u32 $0x80, v4;
	s7 =	sor.u32 $0x280, s22  }
0x355: {  	v22 =	vor.u32 $0x80, v5;
	v21 =	vld [tilespmem:s10+$0xFFFFFFF0];
	s12 =	sor.u32 s2, s4;
	[tilespmem:s7+$0x14000] =	vst v14  }
0x356: {  	[tilespmem:s12+$0x14000] =	vst v16;
	v14 =	vld.idx.msk [tilespmem:v15+s3+$0x0], $0xffff;
	v15 =	vor.u32 $0x300, v2  }
0x357: {  	v16 =	vld.idx.msk [tilespmem:v17+s3+$0x0], $0xffff;
	[tilespmem:s12+$0x14010] =	vst v9;
	v9 =	vor.u32 $0x300, v0  }
0x358: {  	v17 =	vld.idx.msk [tilespmem:v18+s3+$0x0], $0xffff;
	[tilespmem:s12+$0x14020] =	vst v10;
	v10 =	vor.u32 $0x380, v3;
	v3 =	vmov v7  }
0x359: {  	v7 =	vor.u32 $0x100, v3;
	v18 =	vld.idx.msk [tilespmem:v20+s3+$0x0], $0xffff;
	[tilespmem:s12+$0x14030] =	vst v11  }
0x35a: {  	v11 =	vor.u32 $0x100, v6;
	v20 =	vld.idx.msk [tilespmem:v22+s3+$0x0], $0xffff;
	[tilespmem:s5+$0x14000] =	vst v13  }
0x35b: {  	s2 =	sor.u32 $0x300, s22;
	v13 =	vor.u32 $0x100, v4;
	v15 =	vld.idx.msk [tilespmem:v15+s3+$0x0], $0xffff;
	[tilespmem:s13+$0x14000] =	vst v12  }
0x35c: {  	v12 =	vor.u32 $0x100, v5;
	[tilespmem:s2+$0x14000] =	vst v14;
	v9 =	vld.idx.msk [tilespmem:v9+s3+$0x0], $0xffff  }
0x35d: {  	v14 =	vor.u32 $0x300, v1;
	[tilespmem:s12+$0x14080] =	vst v16;
	v10 =	vld.idx.msk [tilespmem:v10+s3+$0x0], $0xffff  }
0x35e: {  	v16 =	vor.u32 $0x380, v2;
	v2 =	vmov v6;
	v7 =	vld.idx.msk [tilespmem:v7+s3+$0x0], $0xffff;
	[tilespmem:s12+$0x14090] =	vst v17  }
0x35f: {  	v6 =	vld.idx.msk [tilespmem:v11+s3+$0x0], $0xffff;
	[tilespmem:s12+$0x140A0] =	vst v18  }
0x360: {  	v11 =	vor.u32 $0x180, v3;
	v13 =	vld.idx.msk [tilespmem:v13+s3+$0x0], $0xffff;
	[tilespmem:s12+$0x140B0] =	vst v20  }
0x361: {  	s2 =	sor.u32 s31, s25;
	s25 =	smov.u32 s26;
	s31 =	smov.u32 s28;
	v17 =	vor.u32 $0x180, v2;
	v12 =	vld.idx.msk [tilespmem:v12+s3+$0x0], $0xffff;
	[tilespmem:s21+$0x14000] =	vst v8  }
0x362: {  	s2 =	sor.u32 $0x380, s2;
	v8 =	vor.u32 $0x180, v4;
	[tilespmem:s11+$0x14000] =	vst v15;
	v14 =	vld.idx.msk [tilespmem:v14+s3+$0x0], $0xffff  }
0x363: {  	[tilespmem:s2+$0x14000] =	vst v10;
	v10 =	vld.idx.msk [tilespmem:v16+s3+$0x0], $0xffff  }
0x364: {  	v15 =	vld [tilespmem:s10+$0x0];
	[tilespmem:s12+$0x14100] =	vst v7;
	v7 =	vor.u32 $0x180, v5  }
0x365: {  	v16 =	vor.u32 $0x380, v0;
	v0 =	vmov v4;
	v11 =	vld.idx.msk [tilespmem:v11+s3+$0x0], $0xffff;
	[tilespmem:s12+$0x14110] =	vst v6  }
0x366: {  	s26 =	sadd.s32 $0x40, s26;
	v4 =	vor.u32 $0x380, v1;
	v1 =	vmov v5;
	v17 =	vld.idx.msk [tilespmem:v17+s3+$0x0], $0xffff;
	[tilespmem:s12+$0x14120] =	vst v13  }
0x367: {  	s6 =	sadd.s32 $0x4, s6;
	s2 =	sand.u32 $0x3C0, s26;
	v5 =	vor.u32 $0x200, v3;
	v8 =	vld.idx.msk [tilespmem:v8+s3+$0x0], $0xffff;
	[tilespmem:s12+$0x14130] =	vst v12  }
0x368: {  	p1 =	slt.u32 s6, $0x3C;
	v6 =	vshll.u32 v19, $0x3;
	v13 =	vor.u32 $0x200, v2;
	v12 =	vld [tilespmem:s2+$0x10400];
	[tilespmem:s14+$0x14000] =	vst v9  }
0x369: {  	v18 =	vor.u32 $0x200, v0;
	v6 =	vand.u32 $0xFFFFFC00, v6;
	v9 =	vand.u32 $0x7F, v19;
	v19 =	vld.idx.msk [tilespmem:v7+s3+$0x0], $0xffff;
	[tilespmem:s1+$0x14000] =	vst v14  }
0x36a: {  	v6 =	vor.u32 v9, v6;
	v7 =	vand.u32 $0x7F, v21;
	v9 =	vshll.u32 v21, $0x3;
	[tilespmem:s0+$0x14000] =	vst v10;
	v10 =	vld.idx.msk [tilespmem:v16+s3+$0x0], $0xffff  }
0x36b: {  	v14 =	vshll.u32 v15, $0x3;
	v9 =	vand.u32 $0xFFFFFC00, v9;
	[tilespmem:s12+$0x14180] =	vst v11;
	v11 =	vor.u32 $0x200, v1;
	v16 =	vld.idx.msk [tilespmem:v4+s3+$0x0], $0xffff  }
0x36c: {  	p0 =	por !p0, !p0;
	s0 =	simm.s32 $0x1;
	v4 =	vor.u32 v7, v9;
	v7 =	vand.u32 $0x7F, v15;
	v9 =	vand.u32 $0xFFFFFC00, v14;
	v14 =	vld.idx.msk [tilespmem:v5+s3+$0x0], $0xffff;
	[tilespmem:s12+$0x14190] =	vst v17  }
0x36d: {  	s0 =	simm.s32 @!p0 $0x0;
	v5 =	vor.u32 v7, v9;
	v15 =	vshll.u32 v12, $0x3;
	v13 =	vld.idx.msk [tilespmem:v13+s3+$0x0], $0xffff;
	[tilespmem:s12+$0x141A0] =	vst v8  }
0x36e: {  	s0 =	sshll.u32 s0, $0x6;
	v7 =	vand.u32 $0x7F, v12;
	v12 =	vor.u32 $0x280, v3;
	v8 =	vand.u32 $0xFFFFFC00, v15;
	v15 =	vld.idx.msk [tilespmem:v18+s3+$0x0], $0xffff  }
0x36f: {  	s22 =	sadd.s32 s0, s28;
	v7 =	vor.u32 v7, v8;
	v9 =	vld.idx.msk [tilespmem:v6+s3+$0x0], $0xffff;
	[tilespmem:s12+$0x141B0] =	vst v19  }
0x370: {  	s0 =	sor.u32 $0x200, s22;
	v8 =	vor.u32 $0x280, v2;
	v18 =	vld.idx.msk [tilespmem:v11+s3+$0x0], $0xffff;
	[tilespmem:s29+$0x14000] =	vst v10  }
0x371: {  	s1 =	sadd.s32 $0x10, s22;
	s2 =	sadd.s32 $0x20, s22;
	s7 =	sadd.s32 $0x30, s22;
	v19 =	vor.u32 $0x280, v0;
	v10 =	vld.idx.msk [tilespmem:v4+s3+$0x0], $0xffff;
	[tilespmem:s30+$0x14000] =	vst v16  }
0x372: {  	v20 =	vor.u32 $0x280, v1;
	s4 =	sor.u32 $0x200, s2;
	s5 =	sor.u32 $0x280, s1;
	v11 =	vld.idx.msk [tilespmem:v5+s3+$0x0], $0xffff;
	[tilespmem:s0+$0x14000] =	vst v14;
	s0 =	sor.u32 $0x200, s1  }
.Ltmp11:
0x373: {  	s13 =	sor.u32 $0x280, s2;
	s8 =	sor.u32 $0x200, s7;
	v14 =	vld.idx.msk [tilespmem:v12+s3+$0x0], $0xffff;
	[tilespmem:s0+$0x14000] =	vst v13;
	(pc) =	sbr.rel @p1 .LBB2_6-.Ltmp11, $4  }
0x374: {  	s11 =	sor.u32 $0x300, s1;
	s14 =	sor.u32 $0x300, s2;
	s21 =	sor.u32 $0x280, s7;
	v16 =	vld.idx.msk [tilespmem:v7+s3+$0x0], $0xffff;
	[tilespmem:s4+$0x14000] =	vst v15  }
0x375: {  	s29 =	sor.u32 $0x380, s2;
	s0 =	sor.u32 $0x380, s1;
	s1 =	sor.u32 $0x300, s7;
	v15 =	vor.u32 $0x300, v3;
	v13 =	vld.idx.msk [tilespmem:v8+s3+$0x0], $0xffff  }
0x376: {  	v17 =	vor.u32 $0x80, v7;
	s30 =	sor.u32 $0x380, s7;
	v12 =	vld.idx.msk [tilespmem:v19+s3+$0x0], $0xffff;
	[tilespmem:s8+$0x14000] =	vst v18  }
0x377: {  	s10 =	sadd.s32 $0x40, s10;
	s28 =	sadd.s32 $0x200, s28;
	v18 =	vor.u32 $0x80, v6;
	v8 =	vld.idx.msk [tilespmem:v20+s3+$0x0], $0xffff  }
0x378: {  	_ = 	snop  }
0x379: {  	s2 =	sand.u32 $0x40, s26;
	s4 =	sand.u32 $0x1C00, s28;
	v19 =	vor.u32 $0x80, v4  }
0x37a: {  	v20 =	vor.u32 $0x80, v5;
	s2 =	sor.u32 s2, s4  }
0x37b: {  	[tilespmem:s2+$0x14000] =	vst v16  }
0x37c: {  	[tilespmem:s2+$0x14010] =	vst v9;
	v16 =	vld.idx.msk [tilespmem:v17+s3+$0x0], $0xffff  }
0x37d: {  	[tilespmem:s2+$0x14020] =	vst v10;
	v10 =	vor.u32 $0x100, v7;
	v9 =	vld.idx.msk [tilespmem:v18+s3+$0x0], $0xffff  }
0x37e: {  	[tilespmem:s2+$0x14030] =	vst v11;
	v11 =	vor.u32 $0x100, v6;
	v17 =	vld.idx.msk [tilespmem:v19+s3+$0x0], $0xffff  }
0x37f: {  	v18 =	vld.idx.msk [tilespmem:v20+s3+$0x0], $0xffff;
	v19 =	vor.u32 $0x100, v4  }
0x380: {  	v20 =	vor.u32 $0x100, v5  }
0x381: {  	[tilespmem:s2+$0x14080] =	vst v16  }
0x382: {  	[tilespmem:s2+$0x14090] =	vst v9;
	v10 =	vld.idx.msk [tilespmem:v10+s3+$0x0], $0xffff  }
0x383: {  	v9 =	vld.idx.msk [tilespmem:v11+s3+$0x0], $0xffff;
	v11 =	vor.u32 $0x180, v7;
	[tilespmem:s2+$0x140A0] =	vst v17  }
0x384: {  	s8 =	sor.u32 $0x280, s22;
	[tilespmem:s2+$0x140B0] =	vst v18;
	v17 =	vor.u32 $0x180, v6;
	v16 =	vld.idx.msk [tilespmem:v19+s3+$0x0], $0xffff  }
0x385: {  	[tilespmem:s8+$0x14000] =	vst v14;
	v18 =	vor.u32 $0x180, v4;
	v14 =	vld.idx.msk [tilespmem:v20+s3+$0x0], $0xffff  }
0x386: {  	[tilespmem:s5+$0x14000] =	vst v13;
	v13 =	vor.u32 $0x180, v5  }
0x387: {  	v15 =	vld.idx.msk [tilespmem:v15+s3+$0x0], $0xffff;
	[tilespmem:s2+$0x14100] =	vst v10  }
0x388: {  	v10 =	vor.u32 $0x300, v2;
	[tilespmem:s2+$0x14110] =	vst v9;
	v11 =	vld.idx.msk [tilespmem:v11+s3+$0x0], $0xffff  }
0x389: {  	v9 =	vld.idx.msk [tilespmem:v17+s3+$0x0], $0xffff;
	[tilespmem:s2+$0x14120] =	vst v16;
	v16 =	vor.u32 $0x200, v7  }
0x38a: {  	[tilespmem:s2+$0x14130] =	vst v14;
	v14 =	vor.u32 $0x200, v6;
	v17 =	vld.idx.msk [tilespmem:v18+s3+$0x0], $0xffff  }
0x38b: {  	s10 =	sor.u32 $0x300, s22;
	[tilespmem:s13+$0x14000] =	vst v12;
	v12 =	vor.u32 $0x200, v4;
	v13 =	vld.idx.msk [tilespmem:v13+s3+$0x0], $0xffff  }
0x38c: {  	[tilespmem:s10+$0x14000] =	vst v15;
	v15 =	vor.u32 $0x200, v5  }
0x38d: {  	v3 =	vor.u32 $0x380, v3;
	v10 =	vld.idx.msk [tilespmem:v10+s3+$0x0], $0xffff;
	[tilespmem:s2+$0x14180] =	vst v11  }
0x38e: {  	p0 =	por !p0, !p0;
	s4 =	simm.s32 $0x1;
	v11 =	vor.u32 $0x300, v0;
	[tilespmem:s2+$0x14190] =	vst v9;
	v16 =	vld.idx.msk [tilespmem:v16+s3+$0x0], $0xffff  }
0x38f: {  	s4 =	simm.s32 @!p0 $0x0;
	v9 =	vld.idx.msk [tilespmem:v14+s3+$0x0], $0xffff;
	v14 =	vor.u32 $0x280, v7;
	[tilespmem:s2+$0x141A0] =	vst v17  }
0x390: {  	s4 =	sshll.u32 s4, $0x6;
	[tilespmem:s2+$0x141B0] =	vst v13;
	v13 =	vor.u32 $0x280, v6;
	v12 =	vld.idx.msk [tilespmem:v12+s3+$0x0], $0xffff  }
0x391: {  	[tilespmem:s21+$0x14000] =	vst v8;
	s4 =	sadd.s32 s4, s28;
	v8 =	vld.idx.msk [tilespmem:v15+s3+$0x0], $0xffff;
	v15 =	vor.u32 $0x280, v4  }
0x392: {  	s6 =	sor.u32 $0x200, s4;
	v3 =	vld.idx.msk [tilespmem:v3+s3+$0x0], $0xffff;
	s2 =	sadd.s32 $0x10, s4;
	[tilespmem:s11+$0x14000] =	vst v10;
	v10 =	vor.u32 $0x280, v5  }
0x393: {  	s5 =	sadd.s32 $0x20, s4;
	v2 =	vor.u32 $0x380, v2;
	s12 =	sor.u32 $0x200, s2;
	v11 =	vld.idx.msk [tilespmem:v11+s3+$0x0], $0xffff;
	[tilespmem:s6+$0x14000] =	vst v16  }
0x394: {  	s8 =	sadd.s32 $0x30, s4;
	s7 =	sor.u32 $0x200, s5;
	v17 =	vor.u32 $0x300, v1;
	[tilespmem:s12+$0x14000] =	vst v9;
	v14 =	vld.idx.msk [tilespmem:v14+s3+$0x0], $0xffff  }
0x395: {  	s13 =	sor.u32 s31, s25;
	s10 =	sor.u32 $0x200, s8;
	v9 =	vor.u32 $0x300, v7;
	[tilespmem:s7+$0x14000] =	vst v12;
	v12 =	vld.idx.msk [tilespmem:v13+s3+$0x0], $0xffff  }
0x396: {  	s6 =	sor.u32 $0x380, s13;
	[tilespmem:s10+$0x14000] =	vst v8;
	v8 =	vor.u32 $0x300, v6;
	v13 =	vld.idx.msk [tilespmem:v15+s3+$0x0], $0xffff  }
0x397: {  	[tilespmem:s6+$0x14000] =	vst v3;
	v3 =	vld.idx.msk [tilespmem:v10+s3+$0x0], $0xffff;
	v10 =	vor.u32 $0x300, v4  }
0x398: {  	s17 =	sor.u32 $0x280, s4;
	v2 =	vld.idx.msk [tilespmem:v2+s3+$0x0], $0xffff;
	[tilespmem:s14+$0x14000] =	vst v11;
	v11 =	vor.u32 $0x300, v5  }
0x399: {  	v0 =	vor.u32 $0x380, v0;
	s21 =	sor.u32 $0x280, s2;
	v15 =	vld.idx.msk [tilespmem:v17+s3+$0x0], $0xffff;
	[tilespmem:s17+$0x14000] =	vst v14  }
0x39a: {  	s22 =	sor.u32 $0x280, s5;
	v1 =	vor.u32 $0x380, v1;
	v9 =	vld.idx.msk [tilespmem:v9+s3+$0x0], $0xffff;
	[tilespmem:s21+$0x14000] =	vst v12  }
0x39b: {  	s25 =	sor.u32 $0x280, s8;
	v7 =	vor.u32 $0x380, v7;
	v8 =	vld.idx.msk [tilespmem:v8+s3+$0x0], $0xffff;
	[tilespmem:s22+$0x14000] =	vst v13  }
0x39c: {  	v6 =	vor.u32 $0x380, v6;
	[tilespmem:s25+$0x14000] =	vst v3;
	v10 =	vld.idx.msk [tilespmem:v10+s3+$0x0], $0xffff  }
0x39d: {  	v4 =	vor.u32 $0x380, v4;
	[tilespmem:s0+$0x14000] =	vst v2;
	v3 =	vld.idx.msk [tilespmem:v11+s3+$0x0], $0xffff  }
0x39e: {  	s4 =	sor.u32 $0x300, s4;
	v2 =	vor.u32 $0x380, v5;
	v0 =	vld.idx.msk [tilespmem:v0+s3+$0x0], $0xffff;
	[tilespmem:s1+$0x14000] =	vst v15  }
0x39f: {  	s6 =	sor.u32 $0x300, s2;
	v1 =	vld.idx.msk [tilespmem:v1+s3+$0x0], $0xffff;
	[tilespmem:s4+$0x14000] =	vst v9  }
0x3a0: {  	s7 =	sor.u32 $0x300, s5;
	v5 =	vld.idx.msk [tilespmem:v7+s3+$0x0], $0xffff;
	[tilespmem:s6+$0x14000] =	vst v8  }
0x3a1: {  	s10 =	sor.u32 $0x300, s8;
	v6 =	vld.idx.msk [tilespmem:v6+s3+$0x0], $0xffff;
	[tilespmem:s7+$0x14000] =	vst v10  }
0x3a2: {  	[tilespmem:s10+$0x14000] =	vst v3;
	v3 =	vld.idx.msk [tilespmem:v4+s3+$0x0], $0xffff  }
0x3a3: {  	s11 =	sor.u32 s28, s26;
	[tilespmem:s29+$0x14000] =	vst v0;
	v0 =	vld.idx.msk [tilespmem:v2+s3+$0x0], $0xffff  }
0x3a4: {  	s0 =	sor.u32 $0x380, s11;
	[tilespmem:s30+$0x14000] =	vst v1  }
0x3a5: {  	s12 =	sor.u32 $0x380, s2;
	[tilespmem:s0+$0x14000] =	vst v5  }
0x3a6: {  	s24 =	sor.u32 s18, s24;
	s13 =	sor.u32 $0x380, s5;
	[tilespmem:s12+$0x14000] =	vst v6  }
0x3a7: {  	s14 =	sor.u32 $0x380, s8;
	s25 =	sadd.s32 s24, s9;
	[tilespmem:s13+$0x14000] =	vst v3  }
0x3a8: {  	s26 =	simm.s32 $0x0;
	s17 =	sadd.s32 $0x400, s25;
	[tilespmem:s14+$0x14000] =	vst v0  }
0x3a9: {  	[hbm4b:s17+s26] =	stream.linear.scatter [tilespmem:s20], [sflag:$0x4], $0x2000, $0x38;
	[tilespmem:$0x16000] =	vst v63  }
0x3aa: {  	_ =	swait.ge [sflag:s16], $0x2000  }
0x3ab: {  	[sflag:s16] =	ssyncset.done $0x0  }
0x3ac: {  	s21 =	simm.s32 $0x10830;
	[sflag:s16] =	ssyncadd.s32 $0xFFFFE000  }
0x3ad: {  	s22 =	sand.u32 $0x3C0, s26;
	v0 =	vld [tilespmem:s21+$0xFFFFFFE0]  }
0x3ae: {  	v1 =	vld [tilespmem:s22+$0x10800];
	_ =	sdelay $0x1  }
0x3af: {  	v4 =	vld [tilespmem:s21+$0xFFFFFFF0];
	_ =	sdelay $0x1  }
0x3b0: {  	v5 =	vld [tilespmem:s21+$0x0]  }
0x3b1: {  	v2 =	vshll.u32 v0, $0x3;
	v3 =	vshll.u32 v1, $0x3  }
0x3b2: {  	v0 =	vand.u32 $0x7F, v0;
	v1 =	vand.u32 $0x7F, v1;
	v3 =	vand.u32 $0xFFFFFC00, v3  }
0x3b3: {  	v6 =	vshll.u32 v4, $0x3;
	v2 =	vand.u32 $0xFFFFFC00, v2;
	v3 =	vor.u32 v1, v3  }
0x3b4: {  	v2 =	vor.u32 v0, v2;
	v0 =	vand.u32 $0x7F, v4;
	v1 =	vand.u32 $0xFFFFFC00, v6  }
0x3b5: {  	v4 =	vshll.u32 v5, $0x3;
	v0 =	vor.u32 v0, v1  }
0x3b6: {  	v1 =	vand.u32 $0x7F, v5;
	v4 =	vand.u32 $0xFFFFFC00, v4  }
0x3b7: {  	v1 =	vor.u32 v1, v4  }
0x3b8: {  	v4 =	vld.idx.msk [tilespmem:v3+s3+$0x0], $0xffff  }
0x3b9: {  	v6 =	vor.u32 $0x80, v3;
	v5 =	vld.idx.msk [tilespmem:v2+s3+$0x0], $0xffff  }
0x3ba: {  	v8 =	vor.u32 $0x80, v2;
	v7 =	vld.idx.msk [tilespmem:v0+s3+$0x0], $0xffff  }
0x3bb: {  	s2 =	sand.u32 $0x40, s26;
	s4 =	sand.u32 $0x1C00, s26;
	v9 =	vor.u32 $0x80, v0  }
0x3bc: {  	s0 =	sor.u32 s2, s4;
	v10 =	vld.idx.msk [tilespmem:v1+s3+$0x0], $0xffff  }
0x3bd: {  	v11 =	vor.u32 $0x80, v1;
	[tilespmem:s0+$0x12000] =	vst v4  }
0x3be: {  	[tilespmem:s0+$0x12010] =	vst v5;
	v4 =	vld.idx.msk [tilespmem:v6+s3+$0x0], $0xffff  }
0x3bf: {  	v5 =	vld.idx.msk [tilespmem:v8+s3+$0x0], $0xffff;
	[tilespmem:s0+$0x12020] =	vst v7;
	v6 =	vor.u32 $0x100, v3  }
0x3c0: {  	v8 =	vor.u32 $0x100, v2;
	v7 =	vld.idx.msk [tilespmem:v9+s3+$0x0], $0xffff  }
0x3c1: {  	[tilespmem:s0+$0x12030] =	vst v10;
	v9 =	vor.u32 $0x100, v0  }
0x3c2: {  	s5 =	simm.s32 $0x10870;
	v10 =	vld.idx.msk [tilespmem:v11+s3+$0x0], $0xffff  }
0x3c3: {  	v13 =	vld [tilespmem:s5+$0x0];
	[tilespmem:s0+$0x12080] =	vst v4  }
0x3c4: {  	v12 =	vor.u32 $0x100, v1;
	[tilespmem:s0+$0x12090] =	vst v5;
	v4 =	vld.idx.msk [tilespmem:v6+s3+$0x0], $0xffff  }
0x3c5: {  	v5 =	vld.idx.msk [tilespmem:v8+s3+$0x0], $0xffff;
	[tilespmem:s0+$0x120A0] =	vst v7;
	v6 =	vor.u32 $0x180, v3  }
0x3c6: {  	v8 =	vor.u32 $0x180, v2;
	v7 =	vld.idx.msk [tilespmem:v9+s3+$0x0], $0xffff  }
0x3c7: {  	v11 =	vld [tilespmem:s5+$0xFFFFFFE0];
	[tilespmem:s0+$0x120B0] =	vst v10;
	v10 =	vor.u32 $0x180, v0  }
0x3c8: {  	v9 =	vld [tilespmem:s5+$0xFFFFFFF0]  }
0x3c9: {  	v12 =	vld.idx.msk [tilespmem:v12+s3+$0x0], $0xffff;
	[tilespmem:s0+$0x12100] =	vst v4  }
0x3ca: {  	v4 =	vor.u32 $0x180, v1;
	[tilespmem:s0+$0x12110] =	vst v5;
	v14 =	vld.idx.msk [tilespmem:v6+s3+$0x0], $0xffff  }
0x3cb: {  	s28 =	simm.s32 $0x40;
	v5 =	vld.idx.msk [tilespmem:v8+s3+$0x0], $0xffff;
	[tilespmem:s0+$0x12120] =	vst v7  }
0x3cc: {  	s6 =	sand.u32 $0x3C0, s28;
	v7 =	vor.u32 $0x200, v3;
	v8 =	vld.idx.msk [tilespmem:v10+s3+$0x0], $0xffff  }
0x3cd: {  	v15 =	vor.u32 $0x200, v2;
	v6 =	vshll.u32 v11, $0x3;
	v10 =	vld [tilespmem:s6+$0x10800]  }
0x3ce: {  	v11 =	vand.u32 $0x7F, v11;
	[tilespmem:s0+$0x12130] =	vst v12;
	v6 =	vand.u32 $0xFFFFFC00, v6;
	v12 =	vor.u32 $0x200, v0  }
0x3cf: {  	v6 =	vor.u32 v11, v6;
	v16 =	vld.idx.msk [tilespmem:v4+s3+$0x0], $0xffff;
	v4 =	vand.u32 $0x7F, v9;
	v9 =	vshll.u32 v9, $0x3  }
0x3d0: {  	v11 =	vshll.u32 v13, $0x3;
	v9 =	vand.u32 $0xFFFFFC00, v9;
	[tilespmem:s0+$0x12180] =	vst v14;
	v14 =	vor.u32 $0x200, v1  }
0x3d1: {  	v11 =	vand.u32 $0xFFFFFC00, v11;
	[tilespmem:s0+$0x12190] =	vst v5;
	v4 =	vor.u32 v4, v9;
	v9 =	vand.u32 $0x7F, v13;
	v13 =	vld.idx.msk [tilespmem:v7+s3+$0x0], $0xffff  }
0x3d2: {  	p0 =	por $0x0, $0x0;
	s1 =	simm.s32 $0x1;
	v7 =	vshll.u32 v10, $0x3;
	v15 =	vld.idx.msk [tilespmem:v15+s3+$0x0], $0xffff;
	[tilespmem:s0+$0x121A0] =	vst v8;
	v5 =	vor.u32 v9, v11  }
0x3d3: {  	s1 =	simm.s32 @!p0 $0x0;
	v17 =	vor.u32 $0x280, v3;
	v8 =	vand.u32 $0x7F, v10;
	v7 =	vand.u32 $0xFFFFFC00, v7;
	v12 =	vld.idx.msk [tilespmem:v12+s3+$0x0], $0xffff  }
0x3d4: {  	s1 =	sshll.u32 s1, $0x6;
	v9 =	vld.idx.msk [tilespmem:v6+s3+$0x0], $0xffff;
	v7 =	vor.u32 v8, v7;
	[tilespmem:s0+$0x121B0] =	vst v16  }
0x3d5: {  	s21 =	sadd.s32 $0x0, s1;
	v8 =	vor.u32 $0x280, v2;
	v18 =	vld.idx.msk [tilespmem:v14+s3+$0x0], $0xffff  }
0x3d6: {  	s29 =	simm.s32 $0x200;
	s7 =	sor.u32 $0x200, s21;
	v19 =	vor.u32 $0x280, v0;
	v10 =	vld.idx.msk [tilespmem:v4+s3+$0x0], $0xffff  }
0x3d7: {  	s10 =	simm.s32 $0x4;
	s1 =	sadd.s32 $0x10, s21;
	s8 =	sadd.s32 $0x20, s21;
	v20 =	vor.u32 $0x280, v1;
	[tilespmem:s7+$0x12000] =	vst v13;
	v11 =	vld.idx.msk [tilespmem:v5+s3+$0x0], $0xffff  }
0x3d8: {  	s13 =	sadd.s32 $0x30, s21;
	s11 =	sor.u32 $0x200, s1;
	s12 =	sor.u32 $0x200, s8;
	v14 =	vld.idx.msk [tilespmem:v17+s3+$0x0], $0xffff  }
0x3d9: {  	s17 =	sor.u32 $0x200, s13;
	s22 =	sor.u32 $0x300, s1;
	s30 =	sor.u32 $0x380, s8;
	[tilespmem:s11+$0x12000] =	vst v15;
	v16 =	vld.idx.msk [tilespmem:v7+s3+$0x0], $0xffff  }
0x3da: {  	s14 =	sor.u32 $0x300, s13;
	s31 =	sor.u32 $0x380, s13;
	s5 =	sor.u32 $0x280, s1;
	v15 =	vor.u32 $0x300, v3;
	[tilespmem:s12+$0x12000] =	vst v12;
	v13 =	vld.idx.msk [tilespmem:v8+s3+$0x0], $0xffff  }
0x3db: {  	s1 =	sor.u32 $0x380, s1;
	s6 =	sor.u32 $0x300, s8;
	s0 =	simm.s32 $0x0;
	v17 =	vor.u32 $0x80, v7;
	v12 =	vld.idx.msk [tilespmem:v19+s3+$0x0], $0xffff;
	[tilespmem:s17+$0x12000] =	vst v18  }
0x3dc: {  	s7 =	sor.u32 $0x280, s8;
	s11 =	simm.s32 $0x108B0;
	s12 =	sor.u32 $0x280, s13;
	v18 =	vor.u32 $0x80, v6;
	v8 =	vld.idx.msk [tilespmem:v20+s3+$0x0], $0xffff  }
.LBB2_8:
0x3dd: {  	v19 =	vld [tilespmem:s11+$0xFFFFFFE0];
	s2 =	sand.u32 $0x40, s28;
	s4 =	sand.u32 $0x1C00, s29;
	v20 =	vor.u32 $0x80, v4;
	s8 =	sor.u32 $0x280, s21  }
0x3de: {  	v22 =	vor.u32 $0x80, v5;
	v21 =	vld [tilespmem:s11+$0xFFFFFFF0];
	s13 =	sor.u32 s2, s4;
	[tilespmem:s8+$0x12000] =	vst v14  }
0x3df: {  	[tilespmem:s13+$0x12000] =	vst v16;
	v14 =	vld.idx.msk [tilespmem:v15+s3+$0x0], $0xffff;
	v15 =	vor.u32 $0x300, v2  }
0x3e0: {  	v16 =	vld.idx.msk [tilespmem:v17+s3+$0x0], $0xffff;
	[tilespmem:s13+$0x12010] =	vst v9;
	v9 =	vor.u32 $0x300, v0  }
0x3e1: {  	v17 =	vld.idx.msk [tilespmem:v18+s3+$0x0], $0xffff;
	[tilespmem:s13+$0x12020] =	vst v10;
	v10 =	vor.u32 $0x380, v3;
	v3 =	vmov v7  }
0x3e2: {  	v7 =	vor.u32 $0x100, v3;
	v18 =	vld.idx.msk [tilespmem:v20+s3+$0x0], $0xffff;
	[tilespmem:s13+$0x12030] =	vst v11  }
0x3e3: {  	v11 =	vor.u32 $0x100, v6;
	v20 =	vld.idx.msk [tilespmem:v22+s3+$0x0], $0xffff;
	[tilespmem:s5+$0x12000] =	vst v13  }
0x3e4: {  	s2 =	sor.u32 $0x300, s21;
	v13 =	vor.u32 $0x100, v4;
	v15 =	vld.idx.msk [tilespmem:v15+s3+$0x0], $0xffff;
	[tilespmem:s7+$0x12000] =	vst v12  }
0x3e5: {  	v12 =	vor.u32 $0x100, v5;
	[tilespmem:s2+$0x12000] =	vst v14;
	v9 =	vld.idx.msk [tilespmem:v9+s3+$0x0], $0xffff  }
0x3e6: {  	v14 =	vor.u32 $0x300, v1;
	[tilespmem:s13+$0x12080] =	vst v16;
	v10 =	vld.idx.msk [tilespmem:v10+s3+$0x0], $0xffff  }
0x3e7: {  	v16 =	vor.u32 $0x380, v2;
	v2 =	vmov v6;
	v7 =	vld.idx.msk [tilespmem:v7+s3+$0x0], $0xffff;
	[tilespmem:s13+$0x12090] =	vst v17  }
0x3e8: {  	v6 =	vld.idx.msk [tilespmem:v11+s3+$0x0], $0xffff;
	[tilespmem:s13+$0x120A0] =	vst v18  }
0x3e9: {  	v11 =	vor.u32 $0x180, v3;
	v13 =	vld.idx.msk [tilespmem:v13+s3+$0x0], $0xffff;
	[tilespmem:s13+$0x120B0] =	vst v20  }
0x3ea: {  	s2 =	sor.u32 s0, s26;
	s26 =	smov.u32 s28;
	s0 =	smov.u32 s29;
	v17 =	vor.u32 $0x180, v2;
	v12 =	vld.idx.msk [tilespmem:v12+s3+$0x0], $0xffff;
	[tilespmem:s12+$0x12000] =	vst v8  }
0x3eb: {  	s2 =	sor.u32 $0x380, s2;
	v8 =	vor.u32 $0x180, v4;
	[tilespmem:s22+$0x12000] =	vst v15;
	v14 =	vld.idx.msk [tilespmem:v14+s3+$0x0], $0xffff  }
0x3ec: {  	[tilespmem:s2+$0x12000] =	vst v10;
	v10 =	vld.idx.msk [tilespmem:v16+s3+$0x0], $0xffff  }
0x3ed: {  	v15 =	vld [tilespmem:s11+$0x0];
	[tilespmem:s13+$0x12100] =	vst v7;
	v7 =	vor.u32 $0x180, v5  }
0x3ee: {  	v16 =	vor.u32 $0x380, v0;
	v0 =	vmov v4;
	v11 =	vld.idx.msk [tilespmem:v11+s3+$0x0], $0xffff;
	[tilespmem:s13+$0x12110] =	vst v6  }
0x3ef: {  	s28 =	sadd.s32 $0x40, s28;
	v4 =	vor.u32 $0x380, v1;
	v1 =	vmov v5;
	v17 =	vld.idx.msk [tilespmem:v17+s3+$0x0], $0xffff;
	[tilespmem:s13+$0x12120] =	vst v13  }
0x3f0: {  	s10 =	sadd.s32 $0x4, s10;
	s2 =	sand.u32 $0x3C0, s28;
	v5 =	vor.u32 $0x200, v3;
	v8 =	vld.idx.msk [tilespmem:v8+s3+$0x0], $0xffff;
	[tilespmem:s13+$0x12130] =	vst v12  }
0x3f1: {  	p1 =	slt.u32 s10, $0x3C;
	v6 =	vshll.u32 v19, $0x3;
	v13 =	vor.u32 $0x200, v2;
	v12 =	vld [tilespmem:s2+$0x10800];
	[tilespmem:s6+$0x12000] =	vst v9  }
0x3f2: {  	v18 =	vor.u32 $0x200, v0;
	v6 =	vand.u32 $0xFFFFFC00, v6;
	v9 =	vand.u32 $0x7F, v19;
	v19 =	vld.idx.msk [tilespmem:v7+s3+$0x0], $0xffff;
	[tilespmem:s14+$0x12000] =	vst v14  }
0x3f3: {  	v6 =	vor.u32 v9, v6;
	v7 =	vand.u32 $0x7F, v21;
	v9 =	vshll.u32 v21, $0x3;
	[tilespmem:s1+$0x12000] =	vst v10;
	v10 =	vld.idx.msk [tilespmem:v16+s3+$0x0], $0xffff  }
0x3f4: {  	v14 =	vshll.u32 v15, $0x3;
	v9 =	vand.u32 $0xFFFFFC00, v9;
	[tilespmem:s13+$0x12180] =	vst v11;
	v11 =	vor.u32 $0x200, v1;
	v16 =	vld.idx.msk [tilespmem:v4+s3+$0x0], $0xffff  }
0x3f5: {  	p0 =	por !p0, !p0;
	s1 =	simm.s32 $0x1;
	v4 =	vor.u32 v7, v9;
	v7 =	vand.u32 $0x7F, v15;
	v9 =	vand.u32 $0xFFFFFC00, v14;
	v14 =	vld.idx.msk [tilespmem:v5+s3+$0x0], $0xffff;
	[tilespmem:s13+$0x12190] =	vst v17  }
0x3f6: {  	s1 =	simm.s32 @!p0 $0x0;
	v5 =	vor.u32 v7, v9;
	v15 =	vshll.u32 v12, $0x3;
	v13 =	vld.idx.msk [tilespmem:v13+s3+$0x0], $0xffff;
	[tilespmem:s13+$0x121A0] =	vst v8  }
0x3f7: {  	s1 =	sshll.u32 s1, $0x6;
	v7 =	vand.u32 $0x7F, v12;
	v12 =	vor.u32 $0x280, v3;
	v8 =	vand.u32 $0xFFFFFC00, v15;
	v15 =	vld.idx.msk [tilespmem:v18+s3+$0x0], $0xffff  }
0x3f8: {  	s21 =	sadd.s32 s1, s29;
	v7 =	vor.u32 v7, v8;
	v9 =	vld.idx.msk [tilespmem:v6+s3+$0x0], $0xffff;
	[tilespmem:s13+$0x121B0] =	vst v19  }
0x3f9: {  	s1 =	sor.u32 $0x200, s21;
	v8 =	vor.u32 $0x280, v2;
	v18 =	vld.idx.msk [tilespmem:v11+s3+$0x0], $0xffff;
	[tilespmem:s30+$0x12000] =	vst v10  }
0x3fa: {  	s2 =	sadd.s32 $0x10, s21;
	s4 =	sadd.s32 $0x20, s21;
	s8 =	sadd.s32 $0x30, s21;
	v19 =	vor.u32 $0x280, v0;
	v10 =	vld.idx.msk [tilespmem:v4+s3+$0x0], $0xffff;
	[tilespmem:s31+$0x12000] =	vst v16  }
0x3fb: {  	v20 =	vor.u32 $0x280, v1;
	s6 =	sor.u32 $0x200, s4;
	s5 =	sor.u32 $0x280, s2;
	v11 =	vld.idx.msk [tilespmem:v5+s3+$0x0], $0xffff;
	[tilespmem:s1+$0x12000] =	vst v14;
	s1 =	sor.u32 $0x200, s2  }
.Ltmp12:
0x3fc: {  	s7 =	sor.u32 $0x280, s4;
	s13 =	sor.u32 $0x200, s8;
	v14 =	vld.idx.msk [tilespmem:v12+s3+$0x0], $0xffff;
	[tilespmem:s1+$0x12000] =	vst v13;
	(pc) =	sbr.rel @p1 .LBB2_8-.Ltmp12, $4  }
0x3fd: {  	s22 =	sor.u32 $0x300, s2;
	s12 =	sor.u32 $0x280, s8;
	v16 =	vld.idx.msk [tilespmem:v7+s3+$0x0], $0xffff;
	[tilespmem:s6+$0x12000] =	vst v15;
	s6 =	sor.u32 $0x300, s4  }
0x3fe: {  	s14 =	sor.u32 $0x300, s8;
	s30 =	sor.u32 $0x380, s4;
	s1 =	sor.u32 $0x380, s2;
	v15 =	vor.u32 $0x300, v3;
	v13 =	vld.idx.msk [tilespmem:v8+s3+$0x0], $0xffff  }
0x3ff: {  	v17 =	vor.u32 $0x80, v7;
	s31 =	sor.u32 $0x380, s8;
	v12 =	vld.idx.msk [tilespmem:v19+s3+$0x0], $0xffff;
	[tilespmem:s13+$0x12000] =	vst v18  }
0x400: {  	s11 =	sadd.s32 $0x40, s11;
	s29 =	sadd.s32 $0x200, s29;
	v18 =	vor.u32 $0x80, v6;
	v8 =	vld.idx.msk [tilespmem:v20+s3+$0x0], $0xffff  }
0x401: {  	_ = 	snop  }
0x402: {  	s2 =	sand.u32 $0x40, s28;
	s4 =	sand.u32 $0x1C00, s29;
	v19 =	vor.u32 $0x80, v4  }
0x403: {  	v20 =	vor.u32 $0x80, v5;
	s2 =	sor.u32 s2, s4  }
0x404: {  	[tilespmem:s2+$0x12000] =	vst v16  }
0x405: {  	[tilespmem:s2+$0x12010] =	vst v9;
	v16 =	vld.idx.msk [tilespmem:v17+s3+$0x0], $0xffff  }
0x406: {  	[tilespmem:s2+$0x12020] =	vst v10;
	v10 =	vor.u32 $0x100, v7;
	v9 =	vld.idx.msk [tilespmem:v18+s3+$0x0], $0xffff  }
0x407: {  	[tilespmem:s2+$0x12030] =	vst v11;
	v11 =	vor.u32 $0x100, v6;
	v17 =	vld.idx.msk [tilespmem:v19+s3+$0x0], $0xffff  }
0x408: {  	v18 =	vld.idx.msk [tilespmem:v20+s3+$0x0], $0xffff;
	v19 =	vor.u32 $0x100, v4  }
0x409: {  	v20 =	vor.u32 $0x100, v5  }
0x40a: {  	[tilespmem:s2+$0x12080] =	vst v16  }
0x40b: {  	[tilespmem:s2+$0x12090] =	vst v9;
	v10 =	vld.idx.msk [tilespmem:v10+s3+$0x0], $0xffff  }
0x40c: {  	v9 =	vld.idx.msk [tilespmem:v11+s3+$0x0], $0xffff;
	v11 =	vor.u32 $0x180, v7;
	[tilespmem:s2+$0x120A0] =	vst v17  }
0x40d: {  	s13 =	sor.u32 $0x280, s21;
	[tilespmem:s2+$0x120B0] =	vst v18;
	v17 =	vor.u32 $0x180, v6;
	v16 =	vld.idx.msk [tilespmem:v19+s3+$0x0], $0xffff  }
0x40e: {  	[tilespmem:s13+$0x12000] =	vst v14;
	v18 =	vor.u32 $0x180, v4;
	v14 =	vld.idx.msk [tilespmem:v20+s3+$0x0], $0xffff  }
0x40f: {  	[tilespmem:s5+$0x12000] =	vst v13;
	v13 =	vor.u32 $0x180, v5  }
0x410: {  	v15 =	vld.idx.msk [tilespmem:v15+s3+$0x0], $0xffff;
	[tilespmem:s2+$0x12100] =	vst v10  }
0x411: {  	v10 =	vor.u32 $0x300, v2;
	[tilespmem:s2+$0x12110] =	vst v9;
	v11 =	vld.idx.msk [tilespmem:v11+s3+$0x0], $0xffff  }
0x412: {  	v9 =	vld.idx.msk [tilespmem:v17+s3+$0x0], $0xffff;
	[tilespmem:s2+$0x12120] =	vst v16;
	v16 =	vor.u32 $0x200, v7  }
0x413: {  	[tilespmem:s2+$0x12130] =	vst v14;
	v14 =	vor.u32 $0x200, v6;
	v17 =	vld.idx.msk [tilespmem:v18+s3+$0x0], $0xffff  }
0x414: {  	s17 =	sor.u32 $0x300, s21;
	[tilespmem:s7+$0x12000] =	vst v12;
	v12 =	vor.u32 $0x200, v4;
	v13 =	vld.idx.msk [tilespmem:v13+s3+$0x0], $0xffff  }
0x415: {  	[tilespmem:s17+$0x12000] =	vst v15;
	v15 =	vor.u32 $0x200, v5  }
0x416: {  	v3 =	vor.u32 $0x380, v3;
	v10 =	vld.idx.msk [tilespmem:v10+s3+$0x0], $0xffff;
	[tilespmem:s2+$0x12180] =	vst v11  }
0x417: {  	p0 =	por !p0, !p0;
	s4 =	simm.s32 $0x1;
	v11 =	vor.u32 $0x300, v0;
	[tilespmem:s2+$0x12190] =	vst v9;
	v16 =	vld.idx.msk [tilespmem:v16+s3+$0x0], $0xffff  }
0x418: {  	s4 =	simm.s32 @!p0 $0x0;
	v9 =	vld.idx.msk [tilespmem:v14+s3+$0x0], $0xffff;
	v14 =	vor.u32 $0x280, v7;
	[tilespmem:s2+$0x121A0] =	vst v17  }
0x419: {  	s4 =	sshll.u32 s4, $0x6;
	[tilespmem:s2+$0x121B0] =	vst v13;
	v13 =	vor.u32 $0x280, v6;
	v12 =	vld.idx.msk [tilespmem:v12+s3+$0x0], $0xffff  }
0x41a: {  	[tilespmem:s12+$0x12000] =	vst v8;
	s4 =	sadd.s32 s4, s29;
	v8 =	vld.idx.msk [tilespmem:v15+s3+$0x0], $0xffff;
	v15 =	vor.u32 $0x280, v4  }
0x41b: {  	s21 =	sor.u32 $0x200, s4;
	v3 =	vld.idx.msk [tilespmem:v3+s3+$0x0], $0xffff;
	s2 =	sadd.s32 $0x10, s4;
	[tilespmem:s22+$0x12000] =	vst v10;
	v10 =	vor.u32 $0x280, v5  }
0x41c: {  	s5 =	sadd.s32 $0x20, s4;
	v2 =	vor.u32 $0x380, v2;
	s22 =	sor.u32 $0x200, s2;
	v11 =	vld.idx.msk [tilespmem:v11+s3+$0x0], $0xffff;
	[tilespmem:s21+$0x12000] =	vst v16  }
0x41d: {  	s10 =	sadd.s32 $0x30, s4;
	s8 =	sor.u32 $0x200, s5;
	v17 =	vor.u32 $0x300, v1;
	[tilespmem:s22+$0x12000] =	vst v9;
	v14 =	vld.idx.msk [tilespmem:v14+s3+$0x0], $0xffff  }
0x41e: {  	s0 =	sor.u32 s0, s26;
	s26 =	sor.u32 $0x200, s10;
	v9 =	vor.u32 $0x300, v7;
	[tilespmem:s8+$0x12000] =	vst v12;
	v12 =	vld.idx.msk [tilespmem:v13+s3+$0x0], $0xffff  }
0x41f: {  	s0 =	sor.u32 $0x380, s0;
	[tilespmem:s26+$0x12000] =	vst v8;
	v8 =	vor.u32 $0x300, v6;
	v13 =	vld.idx.msk [tilespmem:v15+s3+$0x0], $0xffff  }
0x420: {  	[tilespmem:s0+$0x12000] =	vst v3;
	v3 =	vld.idx.msk [tilespmem:v10+s3+$0x0], $0xffff;
	v10 =	vor.u32 $0x300, v4  }
0x421: {  	s7 =	sor.u32 $0x280, s4;
	v2 =	vld.idx.msk [tilespmem:v2+s3+$0x0], $0xffff;
	[tilespmem:s6+$0x12000] =	vst v11;
	v11 =	vor.u32 $0x300, v5  }
0x422: {  	v0 =	vor.u32 $0x380, v0;
	s8 =	sor.u32 $0x280, s2;
	v15 =	vld.idx.msk [tilespmem:v17+s3+$0x0], $0xffff;
	[tilespmem:s7+$0x12000] =	vst v14  }
0x423: {  	s11 =	sor.u32 $0x280, s5;
	v1 =	vor.u32 $0x380, v1;
	v9 =	vld.idx.msk [tilespmem:v9+s3+$0x0], $0xffff;
	[tilespmem:s8+$0x12000] =	vst v12  }
0x424: {  	s12 =	sor.u32 $0x280, s10;
	v7 =	vor.u32 $0x380, v7;
	v8 =	vld.idx.msk [tilespmem:v8+s3+$0x0], $0xffff;
	[tilespmem:s11+$0x12000] =	vst v13  }
0x425: {  	v6 =	vor.u32 $0x380, v6;
	[tilespmem:s12+$0x12000] =	vst v3;
	v10 =	vld.idx.msk [tilespmem:v10+s3+$0x0], $0xffff  }
0x426: {  	v4 =	vor.u32 $0x380, v4;
	[tilespmem:s1+$0x12000] =	vst v2;
	v3 =	vld.idx.msk [tilespmem:v11+s3+$0x0], $0xffff  }
0x427: {  	s13 =	sor.u32 $0x300, s4;
	v2 =	vor.u32 $0x380, v5;
	v0 =	vld.idx.msk [tilespmem:v0+s3+$0x0], $0xffff;
	[tilespmem:s14+$0x12000] =	vst v15  }
0x428: {  	s14 =	sor.u32 $0x300, s2;
	v1 =	vld.idx.msk [tilespmem:v1+s3+$0x0], $0xffff;
	[tilespmem:s13+$0x12000] =	vst v9  }
0x429: {  	s17 =	sor.u32 $0x300, s5;
	v5 =	vld.idx.msk [tilespmem:v7+s3+$0x0], $0xffff;
	[tilespmem:s14+$0x12000] =	vst v8  }
0x42a: {  	s21 =	sor.u32 $0x300, s10;
	v6 =	vld.idx.msk [tilespmem:v6+s3+$0x0], $0xffff;
	[tilespmem:s17+$0x12000] =	vst v10  }
0x42b: {  	[tilespmem:s21+$0x12000] =	vst v3;
	v3 =	vld.idx.msk [tilespmem:v4+s3+$0x0], $0xffff  }
0x42c: {  	s22 =	sor.u32 s29, s28;
	[tilespmem:s30+$0x12000] =	vst v0;
	v0 =	vld.idx.msk [tilespmem:v2+s3+$0x0], $0xffff  }
0x42d: {  	s0 =	sor.u32 $0x380, s22;
	[tilespmem:s31+$0x12000] =	vst v1  }
0x42e: {  	s26 =	sor.u32 $0x380, s2;
	[tilespmem:s0+$0x12000] =	vst v5  }
0x42f: {  	s31 =	sor.u32 $0x380, s5;
	[tilespmem:s26+$0x12000] =	vst v6  }
0x430: {  	s2 =	sor.u32 $0x380, s10;
	[tilespmem:s31+$0x12000] =	vst v3  }
0x431: {  	s4 =	sadd.s32 $0x800, s25;
	s25 =	simm.s32 $0x0;
	[tilespmem:s2+$0x12000] =	vst v0  }
0x432: {  	[hbm4b:s4+s25] =	stream.linear.scatter [tilespmem:s15], [sflag:$0x3], $0x2000, $0x38;
	[tilespmem:$0x16000] =	vst v63  }
0x433: {  	_ =	swait.ge [sflag:s19], $0x2000  }
0x434: {  	[sflag:s19] =	ssyncset.done $0x0  }
0x435: {  	s5 =	simm.s32 $0x10C30;
	[sflag:s19] =	ssyncadd.s32 $0xFFFFE000  }
0x436: {  	s6 =	sand.u32 $0x3C0, s25;
	v0 =	vld [tilespmem:s5+$0xFFFFFFE0]  }
0x437: {  	v1 =	vld [tilespmem:s6+$0x10C00];
	_ =	sdelay $0x1  }
0x438: {  	v4 =	vld [tilespmem:s5+$0xFFFFFFF0];
	_ =	sdelay $0x1  }
0x439: {  	v5 =	vld [tilespmem:s5+$0x0]  }
0x43a: {  	v2 =	vshll.u32 v0, $0x3;
	v3 =	vshll.u32 v1, $0x3  }
0x43b: {  	v0 =	vand.u32 $0x7F, v0;
	v1 =	vand.u32 $0x7F, v1;
	v3 =	vand.u32 $0xFFFFFC00, v3  }
0x43c: {  	v6 =	vshll.u32 v4, $0x3;
	v2 =	vand.u32 $0xFFFFFC00, v2;
	v3 =	vor.u32 v1, v3  }
0x43d: {  	v2 =	vor.u32 v0, v2;
	v0 =	vand.u32 $0x7F, v4;
	v1 =	vand.u32 $0xFFFFFC00, v6  }
0x43e: {  	v4 =	vshll.u32 v5, $0x3;
	v0 =	vor.u32 v0, v1  }
0x43f: {  	v1 =	vand.u32 $0x7F, v5;
	v4 =	vand.u32 $0xFFFFFC00, v4  }
0x440: {  	v1 =	vor.u32 v1, v4  }
0x441: {  	v4 =	vld.idx.msk [tilespmem:v3+s3+$0x0], $0xffff  }
0x442: {  	v6 =	vor.u32 $0x80, v3;
	v5 =	vld.idx.msk [tilespmem:v2+s3+$0x0], $0xffff  }
0x443: {  	v8 =	vor.u32 $0x80, v2;
	v7 =	vld.idx.msk [tilespmem:v0+s3+$0x0], $0xffff  }
0x444: {  	s7 =	sand.u32 $0x40, s25;
	s8 =	sand.u32 $0x1C00, s25;
	v9 =	vor.u32 $0x80, v0  }
0x445: {  	s0 =	sor.u32 s7, s8;
	v10 =	vld.idx.msk [tilespmem:v1+s3+$0x0], $0xffff  }
0x446: {  	v11 =	vor.u32 $0x80, v1;
	[tilespmem:s0+$0x14000] =	vst v4  }
0x447: {  	[tilespmem:s0+$0x14010] =	vst v5;
	v4 =	vld.idx.msk [tilespmem:v6+s3+$0x0], $0xffff  }
0x448: {  	v5 =	vld.idx.msk [tilespmem:v8+s3+$0x0], $0xffff;
	[tilespmem:s0+$0x14020] =	vst v7;
	v6 =	vor.u32 $0x100, v3  }
0x449: {  	v8 =	vor.u32 $0x100, v2;
	v7 =	vld.idx.msk [tilespmem:v9+s3+$0x0], $0xffff  }
0x44a: {  	[tilespmem:s0+$0x14030] =	vst v10;
	v9 =	vor.u32 $0x100, v0  }
0x44b: {  	s10 =	simm.s32 $0x10C70;
	v10 =	vld.idx.msk [tilespmem:v11+s3+$0x0], $0xffff  }
0x44c: {  	v13 =	vld [tilespmem:s10+$0x0];
	[tilespmem:s0+$0x14080] =	vst v4  }
0x44d: {  	v12 =	vor.u32 $0x100, v1;
	[tilespmem:s0+$0x14090] =	vst v5;
	v4 =	vld.idx.msk [tilespmem:v6+s3+$0x0], $0xffff  }
0x44e: {  	v5 =	vld.idx.msk [tilespmem:v8+s3+$0x0], $0xffff;
	[tilespmem:s0+$0x140A0] =	vst v7;
	v6 =	vor.u32 $0x180, v3  }
0x44f: {  	v8 =	vor.u32 $0x180, v2;
	v7 =	vld.idx.msk [tilespmem:v9+s3+$0x0], $0xffff  }
0x450: {  	v11 =	vld [tilespmem:s10+$0xFFFFFFE0];
	[tilespmem:s0+$0x140B0] =	vst v10;
	v10 =	vor.u32 $0x180, v0  }
0x451: {  	v9 =	vld [tilespmem:s10+$0xFFFFFFF0]  }
0x452: {  	v12 =	vld.idx.msk [tilespmem:v12+s3+$0x0], $0xffff;
	[tilespmem:s0+$0x14100] =	vst v4  }
0x453: {  	v4 =	vor.u32 $0x180, v1;
	[tilespmem:s0+$0x14110] =	vst v5;
	v14 =	vld.idx.msk [tilespmem:v6+s3+$0x0], $0xffff  }
0x454: {  	s26 =	simm.s32 $0x40;
	v5 =	vld.idx.msk [tilespmem:v8+s3+$0x0], $0xffff;
	[tilespmem:s0+$0x14120] =	vst v7  }
0x455: {  	s11 =	sand.u32 $0x3C0, s26;
	v7 =	vor.u32 $0x200, v3;
	v8 =	vld.idx.msk [tilespmem:v10+s3+$0x0], $0xffff  }
0x456: {  	v15 =	vor.u32 $0x200, v2;
	v6 =	vshll.u32 v11, $0x3;
	v10 =	vld [tilespmem:s11+$0x10C00]  }
0x457: {  	v11 =	vand.u32 $0x7F, v11;
	[tilespmem:s0+$0x14130] =	vst v12;
	v6 =	vand.u32 $0xFFFFFC00, v6;
	v12 =	vor.u32 $0x200, v0  }
0x458: {  	v6 =	vor.u32 v11, v6;
	v16 =	vld.idx.msk [tilespmem:v4+s3+$0x0], $0xffff;
	v4 =	vand.u32 $0x7F, v9;
	v9 =	vshll.u32 v9, $0x3  }
0x459: {  	v11 =	vshll.u32 v13, $0x3;
	v9 =	vand.u32 $0xFFFFFC00, v9;
	[tilespmem:s0+$0x14180] =	vst v14;
	v14 =	vor.u32 $0x200, v1  }
0x45a: {  	v11 =	vand.u32 $0xFFFFFC00, v11;
	[tilespmem:s0+$0x14190] =	vst v5;
	v4 =	vor.u32 v4, v9;
	v9 =	vand.u32 $0x7F, v13;
	v13 =	vld.idx.msk [tilespmem:v7+s3+$0x0], $0xffff  }
0x45b: {  	p0 =	por $0x0, $0x0;
	s1 =	simm.s32 $0x1;
	v7 =	vshll.u32 v10, $0x3;
	v15 =	vld.idx.msk [tilespmem:v15+s3+$0x0], $0xffff;
	[tilespmem:s0+$0x141A0] =	vst v8;
	v5 =	vor.u32 v9, v11  }
0x45c: {  	s1 =	simm.s32 @!p0 $0x0;
	v17 =	vor.u32 $0x280, v3;
	v8 =	vand.u32 $0x7F, v10;
	v7 =	vand.u32 $0xFFFFFC00, v7;
	v12 =	vld.idx.msk [tilespmem:v12+s3+$0x0], $0xffff  }
0x45d: {  	s1 =	sshll.u32 s1, $0x6;
	v9 =	vld.idx.msk [tilespmem:v6+s3+$0x0], $0xffff;
	v7 =	vor.u32 v8, v7;
	[tilespmem:s0+$0x141B0] =	vst v16  }
0x45e: {  	s21 =	sadd.s32 $0x0, s1;
	v8 =	vor.u32 $0x280, v2;
	v18 =	vld.idx.msk [tilespmem:v14+s3+$0x0], $0xffff  }
0x45f: {  	s28 =	simm.s32 $0x200;
	s12 =	sor.u32 $0x200, s21;
	v19 =	vor.u32 $0x280, v0;
	v10 =	vld.idx.msk [tilespmem:v4+s3+$0x0], $0xffff  }
0x460: {  	s1 =	sadd.s32 $0x10, s21;
	s13 =	sadd.s32 $0x20, s21;
	s17 =	sadd.s32 $0x30, s21;
	v20 =	vor.u32 $0x280, v1;
	[tilespmem:s12+$0x14000] =	vst v13;
	v11 =	vld.idx.msk [tilespmem:v5+s3+$0x0], $0xffff  }
0x461: {  	s14 =	sor.u32 $0x200, s1;
	s22 =	sor.u32 $0x300, s1;
	s29 =	sor.u32 $0x380, s13;
	v14 =	vld.idx.msk [tilespmem:v17+s3+$0x0], $0xffff  }
0x462: {  	s30 =	sor.u32 $0x380, s17;
	s7 =	sor.u32 $0x280, s13;
	s15 =	sor.u32 $0x200, s13;
	[tilespmem:s14+$0x14000] =	vst v15;
	v16 =	vld.idx.msk [tilespmem:v7+s3+$0x0], $0xffff  }
0x463: {  	s31 =	sor.u32 $0x200, s17;
	s5 =	sor.u32 $0x280, s1;
	s6 =	sor.u32 $0x300, s13;
	v15 =	vor.u32 $0x300, v3;
	[tilespmem:s15+$0x14000] =	vst v12;
	v13 =	vld.idx.msk [tilespmem:v8+s3+$0x0], $0xffff  }
0x464: {  	s1 =	sor.u32 $0x380, s1;
	s10 =	simm.s32 $0x4;
	s11 =	simm.s32 $0x10CB0;
	v17 =	vor.u32 $0x80, v7;
	v12 =	vld.idx.msk [tilespmem:v19+s3+$0x0], $0xffff;
	[tilespmem:s31+$0x14000] =	vst v18  }
0x465: {  	s0 =	simm.s32 $0x0;
	s12 =	sor.u32 $0x280, s17;
	s14 =	sor.u32 $0x300, s17;
	v18 =	vor.u32 $0x80, v6;
	v8 =	vld.idx.msk [tilespmem:v20+s3+$0x0], $0xffff  }
.LBB2_10:
0x466: {  	v19 =	vld [tilespmem:s11+$0xFFFFFFE0];
	s2 =	sand.u32 $0x40, s26;
	s4 =	sand.u32 $0x1C00, s28;
	v20 =	vor.u32 $0x80, v4;
	s8 =	sor.u32 $0x280, s21  }
0x467: {  	v22 =	vor.u32 $0x80, v5;
	v21 =	vld [tilespmem:s11+$0xFFFFFFF0];
	s13 =	sor.u32 s2, s4;
	[tilespmem:s8+$0x14000] =	vst v14  }
0x468: {  	[tilespmem:s13+$0x14000] =	vst v16;
	v14 =	vld.idx.msk [tilespmem:v15+s3+$0x0], $0xffff;
	v15 =	vor.u32 $0x300, v2  }
0x469: {  	v16 =	vld.idx.msk [tilespmem:v17+s3+$0x0], $0xffff;
	[tilespmem:s13+$0x14010] =	vst v9;
	v9 =	vor.u32 $0x300, v0  }
0x46a: {  	v17 =	vld.idx.msk [tilespmem:v18+s3+$0x0], $0xffff;
	[tilespmem:s13+$0x14020] =	vst v10;
	v10 =	vor.u32 $0x380, v3;
	v3 =	vmov v7  }
0x46b: {  	v7 =	vor.u32 $0x100, v3;
	v18 =	vld.idx.msk [tilespmem:v20+s3+$0x0], $0xffff;
	[tilespmem:s13+$0x14030] =	vst v11  }
0x46c: {  	v11 =	vor.u32 $0x100, v6;
	v20 =	vld.idx.msk [tilespmem:v22+s3+$0x0], $0xffff;
	[tilespmem:s5+$0x14000] =	vst v13  }
0x46d: {  	s2 =	sor.u32 $0x300, s21;
	v13 =	vor.u32 $0x100, v4;
	v15 =	vld.idx.msk [tilespmem:v15+s3+$0x0], $0xffff;
	[tilespmem:s7+$0x14000] =	vst v12  }
0x46e: {  	v12 =	vor.u32 $0x100, v5;
	[tilespmem:s2+$0x14000] =	vst v14;
	v9 =	vld.idx.msk [tilespmem:v9+s3+$0x0], $0xffff  }
0x46f: {  	v14 =	vor.u32 $0x300, v1;
	[tilespmem:s13+$0x14080] =	vst v16;
	v10 =	vld.idx.msk [tilespmem:v10+s3+$0x0], $0xffff  }
0x470: {  	v16 =	vor.u32 $0x380, v2;
	v2 =	vmov v6;
	v7 =	vld.idx.msk [tilespmem:v7+s3+$0x0], $0xffff;
	[tilespmem:s13+$0x14090] =	vst v17  }
0x471: {  	v6 =	vld.idx.msk [tilespmem:v11+s3+$0x0], $0xffff;
	[tilespmem:s13+$0x140A0] =	vst v18  }
0x472: {  	v11 =	vor.u32 $0x180, v3;
	v13 =	vld.idx.msk [tilespmem:v13+s3+$0x0], $0xffff;
	[tilespmem:s13+$0x140B0] =	vst v20  }
0x473: {  	s2 =	sor.u32 s0, s25;
	s25 =	smov.u32 s26;
	s0 =	smov.u32 s28;
	v17 =	vor.u32 $0x180, v2;
	v12 =	vld.idx.msk [tilespmem:v12+s3+$0x0], $0xffff;
	[tilespmem:s12+$0x14000] =	vst v8  }
0x474: {  	s2 =	sor.u32 $0x380, s2;
	v8 =	vor.u32 $0x180, v4;
	[tilespmem:s22+$0x14000] =	vst v15;
	v14 =	vld.idx.msk [tilespmem:v14+s3+$0x0], $0xffff  }
0x475: {  	[tilespmem:s2+$0x14000] =	vst v10;
	v10 =	vld.idx.msk [tilespmem:v16+s3+$0x0], $0xffff  }
0x476: {  	v15 =	vld [tilespmem:s11+$0x0];
	[tilespmem:s13+$0x14100] =	vst v7;
	v7 =	vor.u32 $0x180, v5  }
0x477: {  	v16 =	vor.u32 $0x380, v0;
	v0 =	vmov v4;
	v11 =	vld.idx.msk [tilespmem:v11+s3+$0x0], $0xffff;
	[tilespmem:s13+$0x14110] =	vst v6  }
0x478: {  	s26 =	sadd.s32 $0x40, s26;
	v4 =	vor.u32 $0x380, v1;
	v1 =	vmov v5;
	v17 =	vld.idx.msk [tilespmem:v17+s3+$0x0], $0xffff;
	[tilespmem:s13+$0x14120] =	vst v13  }
0x479: {  	s10 =	sadd.s32 $0x4, s10;
	s2 =	sand.u32 $0x3C0, s26;
	v5 =	vor.u32 $0x200, v3;
	v8 =	vld.idx.msk [tilespmem:v8+s3+$0x0], $0xffff;
	[tilespmem:s13+$0x14130] =	vst v12  }
0x47a: {  	p1 =	slt.u32 s10, $0x3C;
	v6 =	vshll.u32 v19, $0x3;
	v13 =	vor.u32 $0x200, v2;
	v12 =	vld [tilespmem:s2+$0x10C00];
	[tilespmem:s6+$0x14000] =	vst v9  }
0x47b: {  	v18 =	vor.u32 $0x200, v0;
	v6 =	vand.u32 $0xFFFFFC00, v6;
	v9 =	vand.u32 $0x7F, v19;
	v19 =	vld.idx.msk [tilespmem:v7+s3+$0x0], $0xffff;
	[tilespmem:s14+$0x14000] =	vst v14  }
0x47c: {  	v6 =	vor.u32 v9, v6;
	v7 =	vand.u32 $0x7F, v21;
	v9 =	vshll.u32 v21, $0x3;
	[tilespmem:s1+$0x14000] =	vst v10;
	v10 =	vld.idx.msk [tilespmem:v16+s3+$0x0], $0xffff  }
0x47d: {  	v14 =	vshll.u32 v15, $0x3;
	v9 =	vand.u32 $0xFFFFFC00, v9;
	[tilespmem:s13+$0x14180] =	vst v11;
	v11 =	vor.u32 $0x200, v1;
	v16 =	vld.idx.msk [tilespmem:v4+s3+$0x0], $0xffff  }
0x47e: {  	p0 =	por !p0, !p0;
	s1 =	simm.s32 $0x1;
	v4 =	vor.u32 v7, v9;
	v7 =	vand.u32 $0x7F, v15;
	v9 =	vand.u32 $0xFFFFFC00, v14;
	v14 =	vld.idx.msk [tilespmem:v5+s3+$0x0], $0xffff;
	[tilespmem:s13+$0x14190] =	vst v17  }
0x47f: {  	s1 =	simm.s32 @!p0 $0x0;
	v5 =	vor.u32 v7, v9;
	v15 =	vshll.u32 v12, $0x3;
	v13 =	vld.idx.msk [tilespmem:v13+s3+$0x0], $0xffff;
	[tilespmem:s13+$0x141A0] =	vst v8  }
0x480: {  	s1 =	sshll.u32 s1, $0x6;
	v7 =	vand.u32 $0x7F, v12;
	v12 =	vor.u32 $0x280, v3;
	v8 =	vand.u32 $0xFFFFFC00, v15;
	v15 =	vld.idx.msk [tilespmem:v18+s3+$0x0], $0xffff  }
0x481: {  	s21 =	sadd.s32 s1, s28;
	v7 =	vor.u32 v7, v8;
	v9 =	vld.idx.msk [tilespmem:v6+s3+$0x0], $0xffff;
	[tilespmem:s13+$0x141B0] =	vst v19  }
0x482: {  	s1 =	sor.u32 $0x200, s21;
	v8 =	vor.u32 $0x280, v2;
	v18 =	vld.idx.msk [tilespmem:v11+s3+$0x0], $0xffff;
	[tilespmem:s29+$0x14000] =	vst v10  }
0x483: {  	s2 =	sadd.s32 $0x10, s21;
	s4 =	sadd.s32 $0x20, s21;
	s8 =	sadd.s32 $0x30, s21;
	v19 =	vor.u32 $0x280, v0;
	v10 =	vld.idx.msk [tilespmem:v4+s3+$0x0], $0xffff;
	[tilespmem:s30+$0x14000] =	vst v16  }
0x484: {  	v20 =	vor.u32 $0x280, v1;
	s6 =	sor.u32 $0x200, s4;
	s5 =	sor.u32 $0x280, s2;
	v11 =	vld.idx.msk [tilespmem:v5+s3+$0x0], $0xffff;
	[tilespmem:s1+$0x14000] =	vst v14;
	s1 =	sor.u32 $0x200, s2  }
.Ltmp13:
0x485: {  	s7 =	sor.u32 $0x280, s4;
	s13 =	sor.u32 $0x200, s8;
	v14 =	vld.idx.msk [tilespmem:v12+s3+$0x0], $0xffff;
	[tilespmem:s1+$0x14000] =	vst v13;
	(pc) =	sbr.rel @p1 .LBB2_10-.Ltmp13, $4  }
0x486: {  	s22 =	sor.u32 $0x300, s2;
	s12 =	sor.u32 $0x280, s8;
	v16 =	vld.idx.msk [tilespmem:v7+s3+$0x0], $0xffff;
	[tilespmem:s6+$0x14000] =	vst v15;
	s6 =	sor.u32 $0x300, s4  }
0x487: {  	s14 =	sor.u32 $0x300, s8;
	s29 =	sor.u32 $0x380, s4;
	s1 =	sor.u32 $0x380, s2;
	v15 =	vor.u32 $0x300, v3;
	v13 =	vld.idx.msk [tilespmem:v8+s3+$0x0], $0xffff  }
0x488: {  	v17 =	vor.u32 $0x80, v7;
	s30 =	sor.u32 $0x380, s8;
	v12 =	vld.idx.msk [tilespmem:v19+s3+$0x0], $0xffff;
	[tilespmem:s13+$0x14000] =	vst v18  }
0x489: {  	s11 =	sadd.s32 $0x40, s11;
	s28 =	sadd.s32 $0x200, s28;
	v18 =	vor.u32 $0x80, v6;
	v8 =	vld.idx.msk [tilespmem:v20+s3+$0x0], $0xffff  }
.Ltmp14:
0x48a: {  	_ = 	snop;
	(pc) =	sbr.rel .LBB2_11-.Ltmp14, $1  }
0x48b: {  	_ =	sdelay $0x3  }
.LBB2_23:
0x48c: {  	_ =	sfence.sel $0x180000  }
0x48d: {  	[bflag:$0x0] =	sbarrier.arrive $0xFFFF  }
0x48e: {  	_ =	strace $0x90000047  }
0x48f: {  	s0 =	stileid.u32;
	[bflag:$0x2] =	sbarrier.arrive $0xFFFF  }
0x490: {  	p0 =	sne.s32 s0, $0x0;
	s0 =	rddreg [dreg:$0x3]  }
0x491: {  	s0 =	sadd.s32 @!p0 $0x100000, s0  }
0x492: {  	[sflag:s0] =	ssyncadd.tile.s32 @!p0 $0x1;
	_ =	shalt  }
.Lfunc_end2:
_tile_overlayer_lowered:
.L_overlay_start_2:
0x493: {  	(tag) =	ssettag $0x2  }
0x494: {  	s0 =	rddreg [dreg:$0x0];
	s2 =	stileid.u32  }
0x495: {  	s1 =	rddreg [dreg:$0x1];
	p0 =	sne.s32 s2, $0x0  }
0x496: {  	s3 =	rddreg [dreg:$0x2];
	[bflag:$0x3] =	sbarrier.arrive $0xFFFF;
	s2 =	simm.s32 @!p0 $0x1C05  }
0x497: {  	[timem:s3], [sflag:s2] =	dma.local @!p0 [hbm:s0], s1  }
0x498: {  	s0 =	simm.s32 @!p0 $0x5  }
0x499: {  	_ =	swait.ge @!p0 [sflag:s0], s1  }
0x49a: {  	s1 =	ssub.s32 @!p0 $0x0, s1;
	[sflag:s0] =	ssyncset.done @!p0 $0x0  }
0x49b: {  	[sflag:s0] =	ssyncadd.s32 @!p0 s1  }
0x49c: {  	[bflag:$0x3] =	sbarrier.arrive $0xFFFF  }
0x49d: {  	_ =	shalt  }

</sc_bundles>
